<compile_context>
chip_gen: v7x
topology: tpu7x:2x2x1
jax: 0.10.2.dev20260603
libtpu: 0.0.44.dev20260713+nightly
codegen_flags: <defaults>
</compile_context>

<pallas_src>
import functools

import jax
import jax.numpy as jnp
from jax import lax
from jax.experimental import pallas as pl
from jax.experimental.pallas import tpu as pltpu, tpu_sc as plsc

N = 10000
NPAD = 10240
E = 320000
D = 128
G = 64
NC, NS = 2, 16
NW = NC * NS
C = 80
K = E // (NW * C)
BR = 2000
GRID = N // BR

_mesh = plsc.VectorSubcoreMesh(core_axis_name="c", subcore_axis_name="s")


KG = 25
NG = K // KG


@functools.partial(
    pl.kernel,
    out_type=jax.ShapeDtypeStruct((NC, NPAD, D), jnp.float32),
    mesh=_mesh,
    scratch_types=[
        pltpu.VMEM((KG, C), jnp.int32),
        pltpu.VMEM((KG, C), jnp.int32),
        pltpu.VMEM((C, D), jnp.float32),
        pltpu.VMEM_SHARED((NPAD, D), jnp.float32),
        pltpu.SemaphoreType.DMA,
    ],
)
def _sc_agg(table_hbm, src_hbm, dst_hbm, zeros_hbm, out_hbm,
            src_v, dst_v, rows_v, acc_sh, sem):
    cid = lax.axis_index("c")
    sid = lax.axis_index("s")
    wid = cid * NS + sid

    pltpu.sync_copy(zeros_hbm, rows_v)
    for k in range(8):
        pltpu.sync_copy(rows_v, acc_sh.at[pl.ds(sid * 640 + k * C, C)])
    plsc.subcore_barrier()

    def group(g, carry):
        pltpu.sync_copy(src_hbm.at[wid].at[g], src_v)
        pltpu.sync_copy(dst_hbm.at[wid].at[g], dst_v)

        def body(j, carry2):
            pltpu.async_copy(table_hbm.at[src_v.at[j]], rows_v, sem).wait()
            pltpu.sync_copy(rows_v, acc_sh.at[dst_v.at[j]], add=True)
            return carry2

        return lax.fori_loop(0, KG, body, carry)

    lax.fori_loop(0, NG, group, 0)
    plsc.subcore_barrier()

    for k in range(8):
        off = sid * 640 + k * C
        pltpu.sync_copy(acc_sh.at[pl.ds(off, C)], rows_v)
        pltpu.sync_copy(rows_v, out_hbm.at[cid].at[pl.ds(off, C)])


def _mlp1_body(x_ref, p0_ref, p1_ref, w1_ref, b1_ref, w2_ref, b2_ref, o_ref):
    h = x_ref[...] + p0_ref[0] + p1_ref[0]
    t = jnp.dot(h, w1_ref[...], preferred_element_type=jnp.float32) + b1_ref[...]
    t = jnp.maximum(t, 0.0)
    o = jnp.dot(t, w2_ref[...], preferred_element_type=jnp.float32) + b2_ref[...]
    o_ref[...] = jnp.maximum(o, 0.0)


def _mlp2_body(h_ref, p0_ref, p1_ref, w3_ref, b3_ref, w4_ref, b4_ref,
               batch_ref, wf_ref, bf_ref, o_ref, acc):
    i = pl.program_id(0)
    h = h_ref[...] + p0_ref[0] + p1_ref[0]
    t = jnp.dot(h, w3_ref[...], preferred_element_type=jnp.float32) + b3_ref[...]
    t = jnp.maximum(t, 0.0)
    u = jnp.dot(t, w4_ref[...], preferred_element_type=jnp.float32) + b4_ref[...]
    u = jnp.maximum(u, 0.0)
    onehot = jnp.where(
        batch_ref[0] == lax.broadcasted_iota(jnp.int32, (G, BR), 0), 1.0, 0.0)
    contrib = jnp.dot(onehot, u, preferred_element_type=jnp.float32)

    @pl.when(i == 0)
    def _():
        acc[...] = contrib

    @pl.when(i > 0)
    def _():
        acc[...] += contrib

    @pl.when(i == GRID - 1)
    def _():
        o = jnp.dot(acc[...], wf_ref[...], preferred_element_type=jnp.float32)
        o_ref[...] = jnp.maximum(o + bf_ref[...], 0.0)


_row_spec = pl.BlockSpec((BR, D), lambda i: (i, 0))
_part0_spec = pl.BlockSpec((1, BR, D), lambda i: (0, i, 0))
_part1_spec = pl.BlockSpec((1, BR, D), lambda i: (1, i, 0))
_w_spec = pl.BlockSpec((D, D), lambda i: (0, 0))
_b_spec = pl.BlockSpec((1, D), lambda i: (0, 0))

_mlp1 = pl.pallas_call(
    _mlp1_body,
    grid=(GRID,),
    in_specs=[_row_spec, _part0_spec, _part1_spec,
              _w_spec, _b_spec, _w_spec, _b_spec],
    out_specs=_row_spec,
    out_shape=jax.ShapeDtypeStruct((N, D), jnp.float32),
)

_mlp2 = pl.pallas_call(
    _mlp2_body,
    grid=(GRID,),
    in_specs=[_row_spec, _part0_spec, _part1_spec,
              _w_spec, _b_spec, _w_spec, _b_spec,
              pl.BlockSpec((1, 1, BR), lambda i: (i, 0, 0)),
              _w_spec, _b_spec],
    out_specs=pl.BlockSpec((G, D), lambda i: (0, 0)),
    out_shape=jax.ShapeDtypeStruct((G, D), jnp.float32),
    scratch_shapes=[pltpu.VMEM((G, D), jnp.float32)],
)


def kernel(x, edge_index, batch, W1, b1, W2, b2, W3, b3, W4, b4, Wf, bf):
    src = edge_index[0].reshape(NW, NG, KG, C)
    dst = edge_index[1].reshape(NW, NG, KG, C)
    zeros = jnp.zeros((C, D), jnp.float32)
    b1r, b2r, b3r, b4r, bfr = (b.reshape(1, D) for b in (b1, b2, b3, b4, bf))
    batch3 = batch.reshape(GRID, 1, BR)

    parts1 = _sc_agg(x, src, dst, zeros)
    h1 = _mlp1(x, parts1, parts1, W1.T, b1r, W2.T, b2r)
    parts2 = _sc_agg(h1, src, dst, zeros)
    out = _mlp2(h1, parts2, parts2, W3.T, b3r, W4.T, b4r, batch3, Wf.T, bfr)
    return out

# --- scband reference (transcript-rebuilt; emitter-appended) ---
"""Pipeline reference for scband-gin-26096221290965 (READ-ONLY COPY).

The authoritative reference and input builder live on the scoring server;
editing this copy changes nothing except your own understanding.
"""

import jax, jax.numpy as jnp
import numpy as np

N_NODES = 10000
N_EDGES = 320000
D = 128
N_GRAPHS = 64


def _init_linear(key, fan_in, fan_out):
    k1, k2 = jax.random.split(key)
    bound = 1.0 / np.sqrt(fan_in)
    W = jax.random.uniform(k1, (fan_out, fan_in), minval=-bound, maxval=bound, dtype=jnp.float32)
    b = jax.random.uniform(k2, (fan_out,), minval=-bound, maxval=bound, dtype=jnp.float32)
    return W, b


def setup_inputs(seed: int = 0) -> dict:
    key = jax.random.key(seed)
    keys = jax.random.split(key, 10)
    x = jax.random.normal(keys[0], (N_NODES, D), dtype=jnp.float32)
    edge_index = jax.random.randint(keys[1], (2, N_EDGES), 0, N_NODES, dtype=jnp.int64 if jax.config.jax_enable_x64 else jnp.int32)
    batch = jnp.sort(jax.random.randint(keys[2], (N_NODES,), 0, N_GRAPHS, dtype=jnp.int64 if jax.config.jax_enable_x64 else jnp.int32))
    W1, b1 = _init_linear(keys[3], D, D)
    W2, b2 = _init_linear(keys[4], D, D)
    W3, b3 = _init_linear(keys[5], D, D)
    W4, b4 = _init_linear(keys[6], D, D)
    Wf, bf = _init_linear(keys[7], D, D)
    return {"x": x, "edge_index": edge_index, "batch": batch,
            "W1": W1, "b1": b1, "W2": W2, "b2": b2,
            "W3": W3, "b3": b3, "W4": W4, "b4": b4,
            "Wf": Wf, "bf": bf}


def _gin_conv(x, edge_index, Wa, ba, Wb, bb):
    # GINConv with eps=0: mlp((1+eps)*x + sum_{j in N(i)} x_j)
    src = edge_index[0]
    dst = edge_index[1]
    msgs = jnp.take(x, src, axis=0)
    agg = jnp.zeros_like(x).at[dst].add(msgs)
    h = x + agg
    h = h @ Wa.T + ba
    h = jax.nn.relu(h)
    h = h @ Wb.T + bb
    return h


def reference(x, edge_index, batch, W1, b1, W2, b2, W3, b3, W4, b4, Wf, bf):
    h = _gin_conv(x, edge_index, W1, b1, W2, b2)
    h = jax.nn.relu(h)
    h = _gin_conv(h, edge_index, W3, b3, W4, b4)
    h = jax.nn.relu(h)
    pooled = jax.ops.segment_sum(h, batch, num_segments=N_GRAPHS)
    out = pooled @ Wf.T + bf
    return jax.nn.relu(out)

if __name__ == "__main__":
    import jax
    _d = setup_inputs()
    print(jax.jit(kernel)(*tuple(_d.values())))

</pallas_src>

<mosaic_0001>
#map = affine_map<(d0, d1) -> (0, 0)>
#map1 = affine_map<(d0, d1) -> (0, 0, 0, 0)>
#map2 = affine_map<(d0, d1) -> (0, 0, 0)>
module attributes {stable_mosaic.version = 14 : i64} {
  func.func @_sc_agg(%arg0: i32, %arg1: i32, %arg2: memref<10000x128xf32, #tpu.memory_space<hbm>>, %arg3: memref<32x5x25x80xi32, #tpu.memory_space<hbm>>, %arg4: memref<32x5x25x80xi32, #tpu.memory_space<hbm>>, %arg5: memref<80x128xf32, #tpu.memory_space<hbm>>, %arg6: memref<2x10240x128xf32, #tpu.memory_space<hbm>>, %arg7: memref<25x80xi32, #tpu.memory_space<vmem>>, %arg8: memref<25x80xi32, #tpu.memory_space<vmem>>, %arg9: memref<80x128xf32, #tpu.memory_space<vmem>>, %arg10: memref<10240x128xf32, #tpu.memory_space<vmem_shared>>, %arg11: memref<!tpu.dma_semaphore, #tpu.memory_space<semaphore_mem>>) attributes {dimension_semantics = [#tpu.dimension_semantics<core_parallel>, #tpu.dimension_semantics<subcore_parallel>], iteration_bounds = array<i64: 2, 16>, scalar_prefetch = 0 : i64, scratch_operands = 5 : i64, tpu.core_type = #tpu.core_type<sc_vector_subcore>, window_params = [{transform_indices = #map}, {transform_indices = #map1}, {transform_indices = #map1}, {transform_indices = #map}, {transform_indices = #map2}]} {
    %mul3A = arith.constant 16 : i32
    %mul3A_0 = arith.muli %arg0, %mul3A : i32
    %add3A = arith.addi %mul3A_0, %arg1 : i32
    "tpu.region"() ({
      %run_scoped3A = tpu.sem_alloc : memref<!tpu.dma_semaphore, #tpu.memory_space<semaphore_mem>>
      tpu.enqueue_dma source(%arg5 : memref<80x128xf32, #tpu.memory_space<hbm>>) target(%arg9 : memref<80x128xf32, #tpu.memory_space<vmem>>) target_semaphore(%run_scoped3A : memref<!tpu.dma_semaphore, #tpu.memory_space<semaphore_mem>>)
      tpu.wait_dma2 semaphore(%run_scoped3A : memref<!tpu.dma_semaphore, #tpu.memory_space<semaphore_mem>>) src(%arg5 : memref<80x128xf32, #tpu.memory_space<hbm>>) dst(%arg9 : memref<80x128xf32, #tpu.memory_space<vmem>>)
      tpu.yield
    }) : () -> ()
    %mul3A_1 = arith.constant 640 : i32
    %mul3A_2 = arith.muli %arg1, %mul3A_1 : i32
    %add3A_3 = arith.constant 0 : i32
    %add3A_4 = arith.addi %mul3A_2, %add3A_3 : i32
    "tpu.region"() ({
      %run_scoped3A = tpu.sem_alloc : memref<!tpu.dma_semaphore, #tpu.memory_space<semaphore_mem>>
      %dma_start3A = arith.constant 0 : i32
      %dma_start3A_71 = tpu.memref_slice %arg10[%add3A_4, %dma_start3A] : memref<10240x128xf32, #tpu.memory_space<vmem_shared>> -> memref<80x128xf32, #tpu.memory_space<vmem_shared>>
      %dma_start3A_72 = arith.constant 0 : i32
      %dma_start3A_73 = tpu.memref_slice %arg10[%add3A_4, %dma_start3A_72] : memref<10240x128xf32, #tpu.memory_space<vmem_shared>> -> memref<80x128xf32, #tpu.memory_space<vmem_shared>>
      tpu.enqueue_dma source(%arg9 : memref<80x128xf32, #tpu.memory_space<vmem>>) target(%dma_start3A_73 : memref<80x128xf32, #tpu.memory_space<vmem_shared>>) target_semaphore(%run_scoped3A : memref<!tpu.dma_semaphore, #tpu.memory_space<semaphore_mem>>)
      %dma_wait3A = arith.constant 0 : i32
      %dma_wait3A_74 = tpu.memref_slice %arg10[%add3A_4, %dma_wait3A] : memref<10240x128xf32, #tpu.memory_space<vmem_shared>> -> memref<80x128xf32, #tpu.memory_space<vmem_shared>>
      %dma_wait3A_75 = arith.constant 0 : i32
      %dma_wait3A_76 = tpu.memref_slice %arg10[%add3A_4, %dma_wait3A_75] : memref<10240x128xf32, #tpu.memory_space<vmem_shared>> -> memref<80x128xf32, #tpu.memory_space<vmem_shared>>
      tpu.wait_dma2 semaphore(%run_scoped3A : memref<!tpu.dma_semaphore, #tpu.memory_space<semaphore_mem>>) src(%arg9 : memref<80x128xf32, #tpu.memory_space<vmem>>) dst(%dma_wait3A_76 : memref<80x128xf32, #tpu.memory_space<vmem_shared>>)
      tpu.yield
    }) : () -> ()
    %mul3A_5 = arith.constant 640 : i32
    %mul3A_6 = arith.muli %arg1, %mul3A_5 : i32
    %add3A_7 = arith.constant 80 : i32
    %add3A_8 = arith.addi %mul3A_6, %add3A_7 : i32
    "tpu.region"() ({
      %run_scoped3A = tpu.sem_alloc : memref<!tpu.dma_semaphore, #tpu.memory_space<semaphore_mem>>
      %dma_start3A = arith.constant 0 : i32
      %dma_start3A_71 = tpu.memref_slice %arg10[%add3A_8, %dma_start3A] : memref<10240x128xf32, #tpu.memory_space<vmem_shared>> -> memref<80x128xf32, #tpu.memory_space<vmem_shared>>
      %dma_start3A_72 = arith.constant 0 : i32
      %dma_start3A_73 = tpu.memref_slice %arg10[%add3A_8, %dma_start3A_72] : memref<10240x128xf32, #tpu.memory_space<vmem_shared>> -> memref<80x128xf32, #tpu.memory_space<vmem_shared>>
      tpu.enqueue_dma source(%arg9 : memref<80x128xf32, #tpu.memory_space<vmem>>) target(%dma_start3A_73 : memref<80x128xf32, #tpu.memory_space<vmem_shared>>) target_semaphore(%run_scoped3A : memref<!tpu.dma_semaphore, #tpu.memory_space<semaphore_mem>>)
      %dma_wait3A = arith.constant 0 : i32
      %dma_wait3A_74 = tpu.memref_slice %arg10[%add3A_8, %dma_wait3A] : memref<10240x128xf32, #tpu.memory_space<vmem_shared>> -> memref<80x128xf32, #tpu.memory_space<vmem_shared>>
      %dma_wait3A_75 = arith.constant 0 : i32
      %dma_wait3A_76 = tpu.memref_slice %arg10[%add3A_8, %dma_wait3A_75] : memref<10240x128xf32, #tpu.memory_space<vmem_shared>> -> memref<80x128xf32, #tpu.memory_space<vmem_shared>>
      tpu.wait_dma2 semaphore(%run_scoped3A : memref<!tpu.dma_semaphore, #tpu.memory_space<semaphore_mem>>) src(%arg9 : memref<80x128xf32, #tpu.memory_space<vmem>>) dst(%dma_wait3A_76 : memref<80x128xf32, #tpu.memory_space<vmem_shared>>)
      tpu.yield
    }) : () -> ()
    %mul3A_9 = arith.constant 640 : i32
    %mul3A_10 = arith.muli %arg1, %mul3A_9 : i32
    %add3A_11 = arith.constant 160 : i32
    %add3A_12 = arith.addi %mul3A_10, %add3A_11 : i32
    "tpu.region"() ({
      %run_scoped3A = tpu.sem_alloc : memref<!tpu.dma_semaphore, #tpu.memory_space<semaphore_mem>>
      %dma_start3A = arith.constant 0 : i32
      %dma_start3A_71 = tpu.memref_slice %arg10[%add3A_12, %dma_start3A] : memref<10240x128xf32, #tpu.memory_space<vmem_shared>> -> memref<80x128xf32, #tpu.memory_space<vmem_shared>>
      %dma_start3A_72 = arith.constant 0 : i32
      %dma_start3A_73 = tpu.memref_slice %arg10[%add3A_12, %dma_start3A_72] : memref<10240x128xf32, #tpu.memory_space<vmem_shared>> -> memref<80x128xf32, #tpu.memory_space<vmem_shared>>
      tpu.enqueue_dma source(%arg9 : memref<80x128xf32, #tpu.memory_space<vmem>>) target(%dma_start3A_73 : memref<80x128xf32, #tpu.memory_space<vmem_shared>>) target_semaphore(%run_scoped3A : memref<!tpu.dma_semaphore, #tpu.memory_space<semaphore_mem>>)
      %dma_wait3A = arith.constant 0 : i32
      %dma_wait3A_74 = tpu.memref_slice %arg10[%add3A_12, %dma_wait3A] : memref<10240x128xf32, #tpu.memory_space<vmem_shared>> -> memref<80x128xf32, #tpu.memory_space<vmem_shared>>
      %dma_wait3A_75 = arith.constant 0 : i32
      %dma_wait3A_76 = tpu.memref_slice %arg10[%add3A_12, %dma_wait3A_75] : memref<10240x128xf32, #tpu.memory_space<vmem_shared>> -> memref<80x128xf32, #tpu.memory_space<vmem_shared>>
      tpu.wait_dma2 semaphore(%run_scoped3A : memref<!tpu.dma_semaphore, #tpu.memory_space<semaphore_mem>>) src(%arg9 : memref<80x128xf32, #tpu.memory_space<vmem>>) dst(%dma_wait3A_76 : memref<80x128xf32, #tpu.memory_space<vmem_shared>>)
      tpu.yield
    }) : () -> ()
    %mul3A_13 = arith.constant 640 : i32
    %mul3A_14 = arith.muli %arg1, %mul3A_13 : i32
    %add3A_15 = arith.constant 240 : i32
    %add3A_16 = arith.addi %mul3A_14, %add3A_15 : i32
    "tpu.region"() ({
      %run_scoped3A = tpu.sem_alloc : memref<!tpu.dma_semaphore, #tpu.memory_space<semaphore_mem>>
      %dma_start3A = arith.constant 0 : i32
      %dma_start3A_71 = tpu.memref_slice %arg10[%add3A_16, %dma_start3A] : memref<10240x128xf32, #tpu.memory_space<vmem_shared>> -> memref<80x128xf32, #tpu.memory_space<vmem_shared>>
      %dma_start3A_72 = arith.constant 0 : i32
      %dma_start3A_73 = tpu.memref_slice %arg10[%add3A_16, %dma_start3A_72] : memref<10240x128xf32, #tpu.memory_space<vmem_shared>> -> memref<80x128xf32, #tpu.memory_space<vmem_shared>>
      tpu.enqueue_dma source(%arg9 : memref<80x128xf32, #tpu.memory_space<vmem>>) target(%dma_start3A_73 : memref<80x128xf32, #tpu.memory_space<vmem_shared>>) target_semaphore(%run_scoped3A : memref<!tpu.dma_semaphore, #tpu.memory_space<semaphore_mem>>)
      %dma_wait3A = arith.constant 0 : i32
      %dma_wait3A_74 = tpu.memref_slice %arg10[%add3A_16, %dma_wait3A] : memref<10240x128xf32, #tpu.memory_space<vmem_shared>> -> memref<80x128xf32, #tpu.memory_space<vmem_shared>>
      %dma_wait3A_75 = arith.constant 0 : i32
      %dma_wait3A_76 = tpu.memref_slice %arg10[%add3A_16, %dma_wait3A_75] : memref<10240x128xf32, #tpu.memory_space<vmem_shared>> -> memref<80x128xf32, #tpu.memory_space<vmem_shared>>
      tpu.wait_dma2 semaphore(%run_scoped3A : memref<!tpu.dma_semaphore, #tpu.memory_space<semaphore_mem>>) src(%arg9 : memref<80x128xf32, #tpu.memory_space<vmem>>) dst(%dma_wait3A_76 : memref<80x128xf32, #tpu.memory_space<vmem_shared>>)
      tpu.yield
    }) : () -> ()
    %mul3A_17 = arith.constant 640 : i32
    %mul3A_18 = arith.muli %arg1, %mul3A_17 : i32
    %add3A_19 = arith.constant 320 : i32
    %add3A_20 = arith.addi %mul3A_18, %add3A_19 : i32
    "tpu.region"() ({
      %run_scoped3A = tpu.sem_alloc : memref<!tpu.dma_semaphore, #tpu.memory_space<semaphore_mem>>
      %dma_start3A = arith.constant 0 : i32
      %dma_start3A_71 = tpu.memref_slice %arg10[%add3A_20, %dma_start3A] : memref<10240x128xf32, #tpu.memory_space<vmem_shared>> -> memref<80x128xf32, #tpu.memory_space<vmem_shared>>
      %dma_start3A_72 = arith.constant 0 : i32
      %dma_start3A_73 = tpu.memref_slice %arg10[%add3A_20, %dma_start3A_72] : memref<10240x128xf32, #tpu.memory_space<vmem_shared>> -> memref<80x128xf32, #tpu.memory_space<vmem_shared>>
      tpu.enqueue_dma source(%arg9 : memref<80x128xf32, #tpu.memory_space<vmem>>) target(%dma_start3A_73 : memref<80x128xf32, #tpu.memory_space<vmem_shared>>) target_semaphore(%run_scoped3A : memref<!tpu.dma_semaphore, #tpu.memory_space<semaphore_mem>>)
      %dma_wait3A = arith.constant 0 : i32
      %dma_wait3A_74 = tpu.memref_slice %arg10[%add3A_20, %dma_wait3A] : memref<10240x128xf32, #tpu.memory_space<vmem_shared>> -> memref<80x128xf32, #tpu.memory_space<vmem_shared>>
      %dma_wait3A_75 = arith.constant 0 : i32
      %dma_wait3A_76 = tpu.memref_slice %arg10[%add3A_20, %dma_wait3A_75] : memref<10240x128xf32, #tpu.memory_space<vmem_shared>> -> memref<80x128xf32, #tpu.memory_space<vmem_shared>>
      tpu.wait_dma2 semaphore(%run_scoped3A : memref<!tpu.dma_semaphore, #tpu.memory_space<semaphore_mem>>) src(%arg9 : memref<80x128xf32, #tpu.memory_space<vmem>>) dst(%dma_wait3A_76 : memref<80x128xf32, #tpu.memory_space<vmem_shared>>)
      tpu.yield
    }) : () -> ()
    %mul3A_21 = arith.constant 640 : i32
    %mul3A_22 = arith.muli %arg1, %mul3A_21 : i32
    %add3A_23 = arith.constant 400 : i32
    %add3A_24 = arith.addi %mul3A_22, %add3A_23 : i32
    "tpu.region"() ({
      %run_scoped3A = tpu.sem_alloc : memref<!tpu.dma_semaphore, #tpu.memory_space<semaphore_mem>>
      %dma_start3A = arith.constant 0 : i32
      %dma_start3A_71 = tpu.memref_slice %arg10[%add3A_24, %dma_start3A] : memref<10240x128xf32, #tpu.memory_space<vmem_shared>> -> memref<80x128xf32, #tpu.memory_space<vmem_shared>>
      %dma_start3A_72 = arith.constant 0 : i32
      %dma_start3A_73 = tpu.memref_slice %arg10[%add3A_24, %dma_start3A_72] : memref<10240x128xf32, #tpu.memory_space<vmem_shared>> -> memref<80x128xf32, #tpu.memory_space<vmem_shared>>
      tpu.enqueue_dma source(%arg9 : memref<80x128xf32, #tpu.memory_space<vmem>>) target(%dma_start3A_73 : memref<80x128xf32, #tpu.memory_space<vmem_shared>>) target_semaphore(%run_scoped3A : memref<!tpu.dma_semaphore, #tpu.memory_space<semaphore_mem>>)
      %dma_wait3A = arith.constant 0 : i32
      %dma_wait3A_74 = tpu.memref_slice %arg10[%add3A_24, %dma_wait3A] : memref<10240x128xf32, #tpu.memory_space<vmem_shared>> -> memref<80x128xf32, #tpu.memory_space<vmem_shared>>
      %dma_wait3A_75 = arith.constant 0 : i32
      %dma_wait3A_76 = tpu.memref_slice %arg10[%add3A_24, %dma_wait3A_75] : memref<10240x128xf32, #tpu.memory_space<vmem_shared>> -> memref<80x128xf32, #tpu.memory_space<vmem_shared>>
      tpu.wait_dma2 semaphore(%run_scoped3A : memref<!tpu.dma_semaphore, #tpu.memory_space<semaphore_mem>>) src(%arg9 : memref<80x128xf32, #tpu.memory_space<vmem>>) dst(%dma_wait3A_76 : memref<80x128xf32, #tpu.memory_space<vmem_shared>>)
      tpu.yield
    }) : () -> ()
    %mul3A_25 = arith.constant 640 : i32
    %mul3A_26 = arith.muli %arg1, %mul3A_25 : i32
    %add3A_27 = arith.constant 480 : i32
    %add3A_28 = arith.addi %mul3A_26, %add3A_27 : i32
    "tpu.region"() ({
      %run_scoped3A = tpu.sem_alloc : memref<!tpu.dma_semaphore, #tpu.memory_space<semaphore_mem>>
      %dma_start3A = arith.constant 0 : i32
      %dma_start3A_71 = tpu.memref_slice %arg10[%add3A_28, %dma_start3A] : memref<10240x128xf32, #tpu.memory_space<vmem_shared>> -> memref<80x128xf32, #tpu.memory_space<vmem_shared>>
      %dma_start3A_72 = arith.constant 0 : i32
      %dma_start3A_73 = tpu.memref_slice %arg10[%add3A_28, %dma_start3A_72] : memref<10240x128xf32, #tpu.memory_space<vmem_shared>> -> memref<80x128xf32, #tpu.memory_space<vmem_shared>>
      tpu.enqueue_dma source(%arg9 : memref<80x128xf32, #tpu.memory_space<vmem>>) target(%dma_start3A_73 : memref<80x128xf32, #tpu.memory_space<vmem_shared>>) target_semaphore(%run_scoped3A : memref<!tpu.dma_semaphore, #tpu.memory_space<semaphore_mem>>)
      %dma_wait3A = arith.constant 0 : i32
      %dma_wait3A_74 = tpu.memref_slice %arg10[%add3A_28, %dma_wait3A] : memref<10240x128xf32, #tpu.memory_space<vmem_shared>> -> memref<80x128xf32, #tpu.memory_space<vmem_shared>>
      %dma_wait3A_75 = arith.constant 0 : i32
      %dma_wait3A_76 = tpu.memref_slice %arg10[%add3A_28, %dma_wait3A_75] : memref<10240x128xf32, #tpu.memory_space<vmem_shared>> -> memref<80x128xf32, #tpu.memory_space<vmem_shared>>
      tpu.wait_dma2 semaphore(%run_scoped3A : memref<!tpu.dma_semaphore, #tpu.memory_space<semaphore_mem>>) src(%arg9 : memref<80x128xf32, #tpu.memory_space<vmem>>) dst(%dma_wait3A_76 : memref<80x128xf32, #tpu.memory_space<vmem_shared>>)
      tpu.yield
    }) : () -> ()
    %mul3A_29 = arith.constant 640 : i32
    %mul3A_30 = arith.muli %arg1, %mul3A_29 : i32
    %add3A_31 = arith.constant 560 : i32
    %add3A_32 = arith.addi %mul3A_30, %add3A_31 : i32
    "tpu.region"() ({
      %run_scoped3A = tpu.sem_alloc : memref<!tpu.dma_semaphore, #tpu.memory_space<semaphore_mem>>
      %dma_start3A = arith.constant 0 : i32
      %dma_start3A_71 = tpu.memref_slice %arg10[%add3A_32, %dma_start3A] : memref<10240x128xf32, #tpu.memory_space<vmem_shared>> -> memref<80x128xf32, #tpu.memory_space<vmem_shared>>
      %dma_start3A_72 = arith.constant 0 : i32
      %dma_start3A_73 = tpu.memref_slice %arg10[%add3A_32, %dma_start3A_72] : memref<10240x128xf32, #tpu.memory_space<vmem_shared>> -> memref<80x128xf32, #tpu.memory_space<vmem_shared>>
      tpu.enqueue_dma source(%arg9 : memref<80x128xf32, #tpu.memory_space<vmem>>) target(%dma_start3A_73 : memref<80x128xf32, #tpu.memory_space<vmem_shared>>) target_semaphore(%run_scoped3A : memref<!tpu.dma_semaphore, #tpu.memory_space<semaphore_mem>>)
      %dma_wait3A = arith.constant 0 : i32
      %dma_wait3A_74 = tpu.memref_slice %arg10[%add3A_32, %dma_wait3A] : memref<10240x128xf32, #tpu.memory_space<vmem_shared>> -> memref<80x128xf32, #tpu.memory_space<vmem_shared>>
      %dma_wait3A_75 = arith.constant 0 : i32
      %dma_wait3A_76 = tpu.memref_slice %arg10[%add3A_32, %dma_wait3A_75] : memref<10240x128xf32, #tpu.memory_space<vmem_shared>> -> memref<80x128xf32, #tpu.memory_space<vmem_shared>>
      tpu.wait_dma2 semaphore(%run_scoped3A : memref<!tpu.dma_semaphore, #tpu.memory_space<semaphore_mem>>) src(%arg9 : memref<80x128xf32, #tpu.memory_space<vmem>>) dst(%dma_wait3A_76 : memref<80x128xf32, #tpu.memory_space<vmem_shared>>)
      tpu.yield
    }) : () -> ()
    %barrier3A = arith.constant 0 : index
    tpu.barrier barrier_id(%barrier3A)
    %scan3A = arith.constant 0 : i32
    %scan3A_33 = arith.constant 0 : i32
    %scan3A_34 = arith.constant 5 : i32
    %scan3A_35 = arith.addi %scan3A_33, %scan3A_34 : i32
    %scan3A_36 = arith.constant 1 : i32
    scf.for %scan3A_71 = %scan3A_33 to %scan3A_35 step %scan3A_36  : i32 {
      "tpu.region"() ({
        %run_scoped3A = tpu.sem_alloc : memref<!tpu.dma_semaphore, #tpu.memory_space<semaphore_mem>>
        %dma_start3A = arith.constant 0 : i32
        %dma_start3A_77 = arith.constant 0 : i32
        %dma_start3A_78 = arith.constant 0 : i32
        %dma_start3A_79 = tpu.memref_slice %arg3[%add3A, %dma_start3A, %dma_start3A_77, %dma_start3A_78] : memref<32x5x25x80xi32, #tpu.memory_space<hbm>> -> memref<1x5x25x80xi32, #tpu.memory_space<hbm>>
        %dma_start3A_80 = tpu.memref_squeeze %dma_start3A_79 : memref<1x5x25x80xi32, #tpu.memory_space<hbm>> -> memref<5x25x80xi32, #tpu.memory_space<hbm>>
        %dma_start3A_81 = arith.constant 0 : i32
        %dma_start3A_82 = arith.constant 0 : i32
        %dma_start3A_83 = tpu.memref_slice %dma_start3A_80[%scan3A_71, %dma_start3A_81, %dma_start3A_82] : memref<5x25x80xi32, #tpu.memory_space<hbm>> -> memref<1x25x80xi32, #tpu.memory_space<hbm>>
        %dma_start3A_84 = tpu.memref_squeeze %dma_start3A_83 : memref<1x25x80xi32, #tpu.memory_space<hbm>> -> memref<25x80xi32, #tpu.memory_space<hbm>>
        %dma_start3A_85 = arith.constant 0 : i32
        %dma_start3A_86 = arith.constant 0 : i32
        %dma_start3A_87 = arith.constant 0 : i32
        %dma_start3A_88 = tpu.memref_slice %arg3[%add3A, %dma_start3A_85, %dma_start3A_86, %dma_start3A_87] : memref<32x5x25x80xi32, #tpu.memory_space<hbm>> -> memref<1x5x25x80xi32, #tpu.memory_space<hbm>>
        %dma_start3A_89 = tpu.memref_squeeze %dma_start3A_88 : memref<1x5x25x80xi32, #tpu.memory_space<hbm>> -> memref<5x25x80xi32, #tpu.memory_space<hbm>>
        %dma_start3A_90 = arith.constant 0 : i32
        %dma_start3A_91 = arith.constant 0 : i32
        %dma_start3A_92 = tpu.memref_slice %dma_start3A_89[%scan3A_71, %dma_start3A_90, %dma_start3A_91] : memref<5x25x80xi32, #tpu.memory_space<hbm>> -> memref<1x25x80xi32, #tpu.memory_space<hbm>>
        %dma_start3A_93 = tpu.memref_squeeze %dma_start3A_92 : memref<1x25x80xi32, #tpu.memory_space<hbm>> -> memref<25x80xi32, #tpu.memory_space<hbm>>
        tpu.enqueue_dma source(%dma_start3A_93 : memref<25x80xi32, #tpu.memory_space<hbm>>) target(%arg7 : memref<25x80xi32, #tpu.memory_space<vmem>>) target_semaphore(%run_scoped3A : memref<!tpu.dma_semaphore, #tpu.memory_space<semaphore_mem>>)
        %dma_wait3A = arith.constant 0 : i32
        %dma_wait3A_94 = arith.constant 0 : i32
        %dma_wait3A_95 = arith.constant 0 : i32
        %dma_wait3A_96 = tpu.memref_slice %arg3[%add3A, %dma_wait3A, %dma_wait3A_94, %dma_wait3A_95] : memref<32x5x25x80xi32, #tpu.memory_space<hbm>> -> memref<1x5x25x80xi32, #tpu.memory_space<hbm>>
        %dma_wait3A_97 = tpu.memref_squeeze %dma_wait3A_96 : memref<1x5x25x80xi32, #tpu.memory_space<hbm>> -> memref<5x25x80xi32, #tpu.memory_space<hbm>>
        %dma_wait3A_98 = arith.constant 0 : i32
        %dma_wait3A_99 = arith.constant 0 : i32
        %dma_wait3A_100 = tpu.memref_slice %dma_wait3A_97[%scan3A_71, %dma_wait3A_98, %dma_wait3A_99] : memref<5x25x80xi32, #tpu.memory_space<hbm>> -> memref<1x25x80xi32, #tpu.memory_space<hbm>>
        %dma_wait3A_101 = tpu.memref_squeeze %dma_wait3A_100 : memref<1x25x80xi32, #tpu.memory_space<hbm>> -> memref<25x80xi32, #tpu.memory_space<hbm>>
        %dma_wait3A_102 = arith.constant 0 : i32
        %dma_wait3A_103 = arith.constant 0 : i32
        %dma_wait3A_104 = arith.constant 0 : i32
        %dma_wait3A_105 = tpu.memref_slice %arg3[%add3A, %dma_wait3A_102, %dma_wait3A_103, %dma_wait3A_104] : memref<32x5x25x80xi32, #tpu.memory_space<hbm>> -> memref<1x5x25x80xi32, #tpu.memory_space<hbm>>
        %dma_wait3A_106 = tpu.memref_squeeze %dma_wait3A_105 : memref<1x5x25x80xi32, #tpu.memory_space<hbm>> -> memref<5x25x80xi32, #tpu.memory_space<hbm>>
        %dma_wait3A_107 = arith.constant 0 : i32
        %dma_wait3A_108 = arith.constant 0 : i32
        %dma_wait3A_109 = tpu.memref_slice %dma_wait3A_106[%scan3A_71, %dma_wait3A_107, %dma_wait3A_108] : memref<5x25x80xi32, #tpu.memory_space<hbm>> -> memref<1x25x80xi32, #tpu.memory_space<hbm>>
        %dma_wait3A_110 = tpu.memref_squeeze %dma_wait3A_109 : memref<1x25x80xi32, #tpu.memory_space<hbm>> -> memref<25x80xi32, #tpu.memory_space<hbm>>
        tpu.wait_dma2 semaphore(%run_scoped3A : memref<!tpu.dma_semaphore, #tpu.memory_space<semaphore_mem>>) src(%dma_wait3A_110 : memref<25x80xi32, #tpu.memory_space<hbm>>) dst(%arg7 : memref<25x80xi32, #tpu.memory_space<vmem>>)
        tpu.yield
      }) : () -> ()
      "tpu.region"() ({
        %run_scoped3A = tpu.sem_alloc : memref<!tpu.dma_semaphore, #tpu.memory_space<semaphore_mem>>
        %dma_start3A = arith.constant 0 : i32
        %dma_start3A_77 = arith.constant 0 : i32
        %dma_start3A_78 = arith.constant 0 : i32
        %dma_start3A_79 = tpu.memref_slice %arg4[%add3A, %dma_start3A, %dma_start3A_77, %dma_start3A_78] : memref<32x5x25x80xi32, #tpu.memory_space<hbm>> -> memref<1x5x25x80xi32, #tpu.memory_space<hbm>>
        %dma_start3A_80 = tpu.memref_squeeze %dma_start3A_79 : memref<1x5x25x80xi32, #tpu.memory_space<hbm>> -> memref<5x25x80xi32, #tpu.memory_space<hbm>>
        %dma_start3A_81 = arith.constant 0 : i32
        %dma_start3A_82 = arith.constant 0 : i32
        %dma_start3A_83 = tpu.memref_slice %dma_start3A_80[%scan3A_71, %dma_start3A_81, %dma_start3A_82] : memref<5x25x80xi32, #tpu.memory_space<hbm>> -> memref<1x25x80xi32, #tpu.memory_space<hbm>>
        %dma_start3A_84 = tpu.memref_squeeze %dma_start3A_83 : memref<1x25x80xi32, #tpu.memory_space<hbm>> -> memref<25x80xi32, #tpu.memory_space<hbm>>
        %dma_start3A_85 = arith.constant 0 : i32
        %dma_start3A_86 = arith.constant 0 : i32
        %dma_start3A_87 = arith.constant 0 : i32
        %dma_start3A_88 = tpu.memref_slice %arg4[%add3A, %dma_start3A_85, %dma_start3A_86, %dma_start3A_87] : memref<32x5x25x80xi32, #tpu.memory_space<hbm>> -> memref<1x5x25x80xi32, #tpu.memory_space<hbm>>
        %dma_start3A_89 = tpu.memref_squeeze %dma_start3A_88 : memref<1x5x25x80xi32, #tpu.memory_space<hbm>> -> memref<5x25x80xi32, #tpu.memory_space<hbm>>
        %dma_start3A_90 = arith.constant 0 : i32
        %dma_start3A_91 = arith.constant 0 : i32
        %dma_start3A_92 = tpu.memref_slice %dma_start3A_89[%scan3A_71, %dma_start3A_90, %dma_start3A_91] : memref<5x25x80xi32, #tpu.memory_space<hbm>> -> memref<1x25x80xi32, #tpu.memory_space<hbm>>
        %dma_start3A_93 = tpu.memref_squeeze %dma_start3A_92 : memref<1x25x80xi32, #tpu.memory_space<hbm>> -> memref<25x80xi32, #tpu.memory_space<hbm>>
        tpu.enqueue_dma source(%dma_start3A_93 : memref<25x80xi32, #tpu.memory_space<hbm>>) target(%arg8 : memref<25x80xi32, #tpu.memory_space<vmem>>) target_semaphore(%run_scoped3A : memref<!tpu.dma_semaphore, #tpu.memory_space<semaphore_mem>>)
        %dma_wait3A = arith.constant 0 : i32
        %dma_wait3A_94 = arith.constant 0 : i32
        %dma_wait3A_95 = arith.constant 0 : i32
        %dma_wait3A_96 = tpu.memref_slice %arg4[%add3A, %dma_wait3A, %dma_wait3A_94, %dma_wait3A_95] : memref<32x5x25x80xi32, #tpu.memory_space<hbm>> -> memref<1x5x25x80xi32, #tpu.memory_space<hbm>>
        %dma_wait3A_97 = tpu.memref_squeeze %dma_wait3A_96 : memref<1x5x25x80xi32, #tpu.memory_space<hbm>> -> memref<5x25x80xi32, #tpu.memory_space<hbm>>
        %dma_wait3A_98 = arith.constant 0 : i32
        %dma_wait3A_99 = arith.constant 0 : i32
        %dma_wait3A_100 = tpu.memref_slice %dma_wait3A_97[%scan3A_71, %dma_wait3A_98, %dma_wait3A_99] : memref<5x25x80xi32, #tpu.memory_space<hbm>> -> memref<1x25x80xi32, #tpu.memory_space<hbm>>
        %dma_wait3A_101 = tpu.memref_squeeze %dma_wait3A_100 : memref<1x25x80xi32, #tpu.memory_space<hbm>> -> memref<25x80xi32, #tpu.memory_space<hbm>>
        %dma_wait3A_102 = arith.constant 0 : i32
        %dma_wait3A_103 = arith.constant 0 : i32
        %dma_wait3A_104 = arith.constant 0 : i32
        %dma_wait3A_105 = tpu.memref_slice %arg4[%add3A, %dma_wait3A_102, %dma_wait3A_103, %dma_wait3A_104] : memref<32x5x25x80xi32, #tpu.memory_space<hbm>> -> memref<1x5x25x80xi32, #tpu.memory_space<hbm>>
        %dma_wait3A_106 = tpu.memref_squeeze %dma_wait3A_105 : memref<1x5x25x80xi32, #tpu.memory_space<hbm>> -> memref<5x25x80xi32, #tpu.memory_space<hbm>>
        %dma_wait3A_107 = arith.constant 0 : i32
        %dma_wait3A_108 = arith.constant 0 : i32
        %dma_wait3A_109 = tpu.memref_slice %dma_wait3A_106[%scan3A_71, %dma_wait3A_107, %dma_wait3A_108] : memref<5x25x80xi32, #tpu.memory_space<hbm>> -> memref<1x25x80xi32, #tpu.memory_space<hbm>>
        %dma_wait3A_110 = tpu.memref_squeeze %dma_wait3A_109 : memref<1x25x80xi32, #tpu.memory_space<hbm>> -> memref<25x80xi32, #tpu.memory_space<hbm>>
        tpu.wait_dma2 semaphore(%run_scoped3A : memref<!tpu.dma_semaphore, #tpu.memory_space<semaphore_mem>>) src(%dma_wait3A_110 : memref<25x80xi32, #tpu.memory_space<hbm>>) dst(%arg8 : memref<25x80xi32, #tpu.memory_space<vmem>>)
        tpu.yield
      }) : () -> ()
      %scan3A_72 = arith.constant 0 : i32
      %scan3A_73 = arith.constant 25 : i32
      %scan3A_74 = arith.addi %scan3A_72, %scan3A_73 : i32
      %scan3A_75 = arith.constant 1 : i32
      scf.for %scan3A_77 = %scan3A_72 to %scan3A_74 step %scan3A_75  : i32 {
        %dma_start3A = arith.constant 0 : i32
        %dma_start3A_78 = tpu.memref_slice %arg7[%scan3A_77, %dma_start3A] : memref<25x80xi32, #tpu.memory_space<vmem>> -> memref<1x80xi32, #tpu.memory_space<vmem>>
        %dma_start3A_79 = tpu.memref_squeeze %dma_start3A_78 : memref<1x80xi32, #tpu.memory_space<vmem>> -> memref<80xi32, #tpu.memory_space<vmem>>
        %dma_start3A_80 = arith.constant 0 : i32
        %dma_start3A_81 = arith.constant 0 : i32
        %dma_start3A_82 = tpu.memref_slice %arg2[%dma_start3A_80, %dma_start3A_81] : memref<10000x128xf32, #tpu.memory_space<hbm>> -> memref<10000x128xf32, #tpu.memory_space<hbm>>
        tpu.enqueue_indirect_dma source(%dma_start3A_82 : memref<10000x128xf32, #tpu.memory_space<hbm>>) target(%arg9 : memref<80x128xf32, #tpu.memory_space<vmem>>) offsets(%dma_start3A_79 : memref<80xi32, #tpu.memory_space<vmem>>) semaphore(%arg11 : memref<!tpu.dma_semaphore, #tpu.memory_space<semaphore_mem>>)
        %dma_wait3A = arith.constant 0 : i32
        %dma_wait3A_83 = tpu.memref_slice %arg7[%scan3A_77, %dma_wait3A] : memref<25x80xi32, #tpu.memory_space<vmem>> -> memref<1x80xi32, #tpu.memory_space<vmem>>
        %dma_wait3A_84 = tpu.memref_squeeze %dma_wait3A_83 : memref<1x80xi32, #tpu.memory_space<vmem>> -> memref<80xi32, #tpu.memory_space<vmem>>
        %dma_wait3A_85 = arith.constant 0 : i32
        %dma_wait3A_86 = arith.constant 0 : i32
        %dma_wait3A_87 = tpu.memref_slice %arg2[%dma_wait3A_85, %dma_wait3A_86] : memref<10000x128xf32, #tpu.memory_space<hbm>> -> memref<10000x128xf32, #tpu.memory_space<hbm>>
        tpu.wait_indirect_dma semaphore(%arg11 : memref<!tpu.dma_semaphore, #tpu.memory_space<semaphore_mem>>) src(%dma_wait3A_87 : memref<10000x128xf32, #tpu.memory_space<hbm>>) dst(%arg9 : memref<80x128xf32, #tpu.memory_space<vmem>>)
        "tpu.region"() ({
          %run_scoped3A = tpu.sem_alloc : memref<!tpu.dma_semaphore, #tpu.memory_space<semaphore_mem>>
          %dma_start3A_88 = arith.constant 0 : i32
          %dma_start3A_89 = tpu.memref_slice %arg8[%scan3A_77, %dma_start3A_88] : memref<25x80xi32, #tpu.memory_space<vmem>> -> memref<1x80xi32, #tpu.memory_space<vmem>>
          %dma_start3A_90 = tpu.memref_squeeze %dma_start3A_89 : memref<1x80xi32, #tpu.memory_space<vmem>> -> memref<80xi32, #tpu.memory_space<vmem>>
          %dma_start3A_91 = arith.constant 0 : i32
          %dma_start3A_92 = arith.constant 0 : i32
          %dma_start3A_93 = tpu.memref_slice %arg10[%dma_start3A_91, %dma_start3A_92] : memref<10240x128xf32, #tpu.memory_space<vmem_shared>> -> memref<10240x128xf32, #tpu.memory_space<vmem_shared>>
          tpu.enqueue_indirect_dma source(%arg9 : memref<80x128xf32, #tpu.memory_space<vmem>>) target(%dma_start3A_93 : memref<10240x128xf32, #tpu.memory_space<vmem_shared>>) offsets(%dma_start3A_90 : memref<80xi32, #tpu.memory_space<vmem>>) semaphore(%run_scoped3A : memref<!tpu.dma_semaphore, #tpu.memory_space<semaphore_mem>>) {add = true}
          %dma_wait3A_94 = arith.constant 0 : i32
          %dma_wait3A_95 = tpu.memref_slice %arg8[%scan3A_77, %dma_wait3A_94] : memref<25x80xi32, #tpu.memory_space<vmem>> -> memref<1x80xi32, #tpu.memory_space<vmem>>
          %dma_wait3A_96 = tpu.memref_squeeze %dma_wait3A_95 : memref<1x80xi32, #tpu.memory_space<vmem>> -> memref<80xi32, #tpu.memory_space<vmem>>
          %dma_wait3A_97 = arith.constant 0 : i32
          %dma_wait3A_98 = arith.constant 0 : i32
          %dma_wait3A_99 = tpu.memref_slice %arg10[%dma_wait3A_97, %dma_wait3A_98] : memref<10240x128xf32, #tpu.memory_space<vmem_shared>> -> memref<10240x128xf32, #tpu.memory_space<vmem_shared>>
          tpu.wait_indirect_dma semaphore(%run_scoped3A : memref<!tpu.dma_semaphore, #tpu.memory_space<semaphore_mem>>) src(%arg9 : memref<80x128xf32, #tpu.memory_space<vmem>>) dst(%dma_wait3A_99 : memref<10240x128xf32, #tpu.memory_space<vmem_shared>>)
          tpu.yield
        }) : () -> ()
      }
      %scan3A_76 = arith.constant 25 : i32
    }
    %scan3A_37 = arith.constant 5 : i32
    %barrier3A_38 = arith.constant 0 : index
    tpu.barrier barrier_id(%barrier3A_38)
    %mul3A_39 = arith.constant 640 : i32
    %mul3A_40 = arith.muli %arg1, %mul3A_39 : i32
    %add3A_41 = arith.constant 0 : i32
    %add3A_42 = arith.addi %mul3A_40, %add3A_41 : i32
    "tpu.region"() ({
      %run_scoped3A = tpu.sem_alloc : memref<!tpu.dma_semaphore, #tpu.memory_space<semaphore_mem>>
      %dma_start3A = arith.constant 0 : i32
      %dma_start3A_71 = tpu.memref_slice %arg10[%add3A_42, %dma_start3A] : memref<10240x128xf32, #tpu.memory_space<vmem_shared>> -> memref<80x128xf32, #tpu.memory_space<vmem_shared>>
      %dma_start3A_72 = arith.constant 0 : i32
      %dma_start3A_73 = tpu.memref_slice %arg10[%add3A_42, %dma_start3A_72] : memref<10240x128xf32, #tpu.memory_space<vmem_shared>> -> memref<80x128xf32, #tpu.memory_space<vmem_shared>>
      tpu.enqueue_dma source(%dma_start3A_73 : memref<80x128xf32, #tpu.memory_space<vmem_shared>>) target(%arg9 : memref<80x128xf32, #tpu.memory_space<vmem>>) target_semaphore(%run_scoped3A : memref<!tpu.dma_semaphore, #tpu.memory_space<semaphore_mem>>)
      %dma_wait3A = arith.constant 0 : i32
      %dma_wait3A_74 = tpu.memref_slice %arg10[%add3A_42, %dma_wait3A] : memref<10240x128xf32, #tpu.memory_space<vmem_shared>> -> memref<80x128xf32, #tpu.memory_space<vmem_shared>>
      %dma_wait3A_75 = arith.constant 0 : i32
      %dma_wait3A_76 = tpu.memref_slice %arg10[%add3A_42, %dma_wait3A_75] : memref<10240x128xf32, #tpu.memory_space<vmem_shared>> -> memref<80x128xf32, #tpu.memory_space<vmem_shared>>
      tpu.wait_dma2 semaphore(%run_scoped3A : memref<!tpu.dma_semaphore, #tpu.memory_space<semaphore_mem>>) src(%dma_wait3A_76 : memref<80x128xf32, #tpu.memory_space<vmem_shared>>) dst(%arg9 : memref<80x128xf32, #tpu.memory_space<vmem>>)
      tpu.yield
    }) : () -> ()
    "tpu.region"() ({
      %run_scoped3A = tpu.sem_alloc : memref<!tpu.dma_semaphore, #tpu.memory_space<semaphore_mem>>
      %dma_start3A = arith.constant 0 : i32
      %dma_start3A_71 = arith.constant 0 : i32
      %dma_start3A_72 = tpu.memref_slice %arg6[%arg0, %dma_start3A, %dma_start3A_71] : memref<2x10240x128xf32, #tpu.memory_space<hbm>> -> memref<1x10240x128xf32, #tpu.memory_space<hbm>>
      %dma_start3A_73 = tpu.memref_squeeze %dma_start3A_72 : memref<1x10240x128xf32, #tpu.memory_space<hbm>> -> memref<10240x128xf32, #tpu.memory_space<hbm>>
      %dma_start3A_74 = arith.constant 0 : i32
      %dma_start3A_75 = tpu.memref_slice %dma_start3A_73[%add3A_42, %dma_start3A_74] : memref<10240x128xf32, #tpu.memory_space<hbm>> -> memref<80x128xf32, #tpu.memory_space<hbm>>
      %dma_start3A_76 = arith.constant 0 : i32
      %dma_start3A_77 = arith.constant 0 : i32
      %dma_start3A_78 = tpu.memref_slice %arg6[%arg0, %dma_start3A_76, %dma_start3A_77] : memref<2x10240x128xf32, #tpu.memory_space<hbm>> -> memref<1x10240x128xf32, #tpu.memory_space<hbm>>
      %dma_start3A_79 = tpu.memref_squeeze %dma_start3A_78 : memref<1x10240x128xf32, #tpu.memory_space<hbm>> -> memref<10240x128xf32, #tpu.memory_space<hbm>>
      %dma_start3A_80 = arith.constant 0 : i32
      %dma_start3A_81 = tpu.memref_slice %dma_start3A_79[%add3A_42, %dma_start3A_80] : memref<10240x128xf32, #tpu.memory_space<hbm>> -> memref<80x128xf32, #tpu.memory_space<hbm>>
      tpu.enqueue_dma source(%arg9 : memref<80x128xf32, #tpu.memory_space<vmem>>) target(%dma_start3A_81 : memref<80x128xf32, #tpu.memory_space<hbm>>) target_semaphore(%run_scoped3A : memref<!tpu.dma_semaphore, #tpu.memory_space<semaphore_mem>>)
      %dma_wait3A = arith.constant 0 : i32
      %dma_wait3A_82 = arith.constant 0 : i32
      %dma_wait3A_83 = tpu.memref_slice %arg6[%arg0, %dma_wait3A, %dma_wait3A_82] : memref<2x10240x128xf32, #tpu.memory_space<hbm>> -> memref<1x10240x128xf32, #tpu.memory_space<hbm>>
      %dma_wait3A_84 = tpu.memref_squeeze %dma_wait3A_83 : memref<1x10240x128xf32, #tpu.memory_space<hbm>> -> memref<10240x128xf32, #tpu.memory_space<hbm>>
      %dma_wait3A_85 = arith.constant 0 : i32
      %dma_wait3A_86 = tpu.memref_slice %dma_wait3A_84[%add3A_42, %dma_wait3A_85] : memref<10240x128xf32, #tpu.memory_space<hbm>> -> memref<80x128xf32, #tpu.memory_space<hbm>>
      %dma_wait3A_87 = arith.constant 0 : i32
      %dma_wait3A_88 = arith.constant 0 : i32
      %dma_wait3A_89 = tpu.memref_slice %arg6[%arg0, %dma_wait3A_87, %dma_wait3A_88] : memref<2x10240x128xf32, #tpu.memory_space<hbm>> -> memref<1x10240x128xf32, #tpu.memory_space<hbm>>
      %dma_wait3A_90 = tpu.memref_squeeze %dma_wait3A_89 : memref<1x10240x128xf32, #tpu.memory_space<hbm>> -> memref<10240x128xf32, #tpu.memory_space<hbm>>
      %dma_wait3A_91 = arith.constant 0 : i32
      %dma_wait3A_92 = tpu.memref_slice %dma_wait3A_90[%add3A_42, %dma_wait3A_91] : memref<10240x128xf32, #tpu.memory_space<hbm>> -> memref<80x128xf32, #tpu.memory_space<hbm>>
      tpu.wait_dma2 semaphore(%run_scoped3A : memref<!tpu.dma_semaphore, #tpu.memory_space<semaphore_mem>>) src(%arg9 : memref<80x128xf32, #tpu.memory_space<vmem>>) dst(%dma_wait3A_92 : memref<80x128xf32, #tpu.memory_space<hbm>>)
      tpu.yield
    }) : () -> ()
    %mul3A_43 = arith.constant 640 : i32
    %mul3A_44 = arith.muli %arg1, %mul3A_43 : i32
    %add3A_45 = arith.constant 80 : i32
    %add3A_46 = arith.addi %mul3A_44, %add3A_45 : i32
    "tpu.region"() ({
      %run_scoped3A = tpu.sem_alloc : memref<!tpu.dma_semaphore, #tpu.memory_space<semaphore_mem>>
      %dma_start3A = arith.constant 0 : i32
      %dma_start3A_71 = tpu.memref_slice %arg10[%add3A_46, %dma_start3A] : memref<10240x128xf32, #tpu.memory_space<vmem_shared>> -> memref<80x128xf32, #tpu.memory_space<vmem_shared>>
      %dma_start3A_72 = arith.constant 0 : i32
      %dma_start3A_73 = tpu.memref_slice %arg10[%add3A_46, %dma_start3A_72] : memref<10240x128xf32, #tpu.memory_space<vmem_shared>> -> memref<80x128xf32, #tpu.memory_space<vmem_shared>>
      tpu.enqueue_dma source(%dma_start3A_73 : memref<80x128xf32, #tpu.memory_space<vmem_shared>>) target(%arg9 : memref<80x128xf32, #tpu.memory_space<vmem>>) target_semaphore(%run_scoped3A : memref<!tpu.dma_semaphore, #tpu.memory_space<semaphore_mem>>)
      %dma_wait3A = arith.constant 0 : i32
      %dma_wait3A_74 = tpu.memref_slice %arg10[%add3A_46, %dma_wait3A] : memref<10240x128xf32, #tpu.memory_space<vmem_shared>> -> memref<80x128xf32, #tpu.memory_space<vmem_shared>>
      %dma_wait3A_75 = arith.constant 0 : i32
      %dma_wait3A_76 = tpu.memref_slice %arg10[%add3A_46, %dma_wait3A_75] : memref<10240x128xf32, #tpu.memory_space<vmem_shared>> -> memref<80x128xf32, #tpu.memory_space<vmem_shared>>
      tpu.wait_dma2 semaphore(%run_scoped3A : memref<!tpu.dma_semaphore, #tpu.memory_space<semaphore_mem>>) src(%dma_wait3A_76 : memref<80x128xf32, #tpu.memory_space<vmem_shared>>) dst(%arg9 : memref<80x128xf32, #tpu.memory_space<vmem>>)
      tpu.yield
    }) : () -> ()
    "tpu.region"() ({
      %run_scoped3A = tpu.sem_alloc : memref<!tpu.dma_semaphore, #tpu.memory_space<semaphore_mem>>
      %dma_start3A = arith.constant 0 : i32
      %dma_start3A_71 = arith.constant 0 : i32
      %dma_start3A_72 = tpu.memref_slice %arg6[%arg0, %dma_start3A, %dma_start3A_71] : memref<2x10240x128xf32, #tpu.memory_space<hbm>> -> memref<1x10240x128xf32, #tpu.memory_space<hbm>>
      %dma_start3A_73 = tpu.memref_squeeze %dma_start3A_72 : memref<1x10240x128xf32, #tpu.memory_space<hbm>> -> memref<10240x128xf32, #tpu.memory_space<hbm>>
      %dma_start3A_74 = arith.constant 0 : i32
      %dma_start3A_75 = tpu.memref_slice %dma_start3A_73[%add3A_46, %dma_start3A_74] : memref<10240x128xf32, #tpu.memory_space<hbm>> -> memref<80x128xf32, #tpu.memory_space<hbm>>
      %dma_start3A_76 = arith.constant 0 : i32
      %dma_start3A_77 = arith.constant 0 : i32
      %dma_start3A_78 = tpu.memref_slice %arg6[%arg0, %dma_start3A_76, %dma_start3A_77] : memref<2x10240x128xf32, #tpu.memory_space<hbm>> -> memref<1x10240x128xf32, #tpu.memory_space<hbm>>
      %dma_start3A_79 = tpu.memref_squeeze %dma_start3A_78 : memref<1x10240x128xf32, #tpu.memory_space<hbm>> -> memref<10240x128xf32, #tpu.memory_space<hbm>>
      %dma_start3A_80 = arith.constant 0 : i32
      %dma_start3A_81 = tpu.memref_slice %dma_start3A_79[%add3A_46, %dma_start3A_80] : memref<10240x128xf32, #tpu.memory_space<hbm>> -> memref<80x128xf32, #tpu.memory_space<hbm>>
      tpu.enqueue_dma source(%arg9 : memref<80x128xf32, #tpu.memory_space<vmem>>) target(%dma_start3A_81 : memref<80x128xf32, #tpu.memory_space<hbm>>) target_semaphore(%run_scoped3A : memref<!tpu.dma_semaphore, #tpu.memory_space<semaphore_mem>>)
      %dma_wait3A = arith.constant 0 : i32
      %dma_wait3A_82 = arith.constant 0 : i32
      %dma_wait3A_83 = tpu.memref_slice %arg6[%arg0, %dma_wait3A, %dma_wait3A_82] : memref<2x10240x128xf32, #tpu.memory_space<hbm>> -> memref<1x10240x128xf32, #tpu.memory_space<hbm>>
      %dma_wait3A_84 = tpu.memref_squeeze %dma_wait3A_83 : memref<1x10240x128xf32, #tpu.memory_space<hbm>> -> memref<10240x128xf32, #tpu.memory_space<hbm>>
      %dma_wait3A_85 = arith.constant 0 : i32
      %dma_wait3A_86 = tpu.memref_slice %dma_wait3A_84[%add3A_46, %dma_wait3A_85] : memref<10240x128xf32, #tpu.memory_space<hbm>> -> memref<80x128xf32, #tpu.memory_space<hbm>>
      %dma_wait3A_87 = arith.constant 0 : i32
      %dma_wait3A_88 = arith.constant 0 : i32
      %dma_wait3A_89 = tpu.memref_slice %arg6[%arg0, %dma_wait3A_87, %dma_wait3A_88] : memref<2x10240x128xf32, #tpu.memory_space<hbm>> -> memref<1x10240x128xf32, #tpu.memory_space<hbm>>
      %dma_wait3A_90 = tpu.memref_squeeze %dma_wait3A_89 : memref<1x10240x128xf32, #tpu.memory_space<hbm>> -> memref<10240x128xf32, #tpu.memory_space<hbm>>
      %dma_wait3A_91 = arith.constant 0 : i32
      %dma_wait3A_92 = tpu.memref_slice %dma_wait3A_90[%add3A_46, %dma_wait3A_91] : memref<10240x128xf32, #tpu.memory_space<hbm>> -> memref<80x128xf32, #tpu.memory_space<hbm>>
      tpu.wait_dma2 semaphore(%run_scoped3A : memref<!tpu.dma_semaphore, #tpu.memory_space<semaphore_mem>>) src(%arg9 : memref<80x128xf32, #tpu.memory_space<vmem>>) dst(%dma_wait3A_92 : memref<80x128xf32, #tpu.memory_space<hbm>>)
      tpu.yield
    }) : () -> ()
    %mul3A_47 = arith.constant 640 : i32
    %mul3A_48 = arith.muli %arg1, %mul3A_47 : i32
    %add3A_49 = arith.constant 160 : i32
    %add3A_50 = arith.addi %mul3A_48, %add3A_49 : i32
    "tpu.region"() ({
      %run_scoped3A = tpu.sem_alloc : memref<!tpu.dma_semaphore, #tpu.memory_space<semaphore_mem>>
      %dma_start3A = arith.constant 0 : i32
      %dma_start3A_71 = tpu.memref_slice %arg10[%add3A_50, %dma_start3A] : memref<10240x128xf32, #tpu.memory_space<vmem_shared>> -> memref<80x128xf32, #tpu.memory_space<vmem_shared>>
      %dma_start3A_72 = arith.constant 0 : i32
      %dma_start3A_73 = tpu.memref_slice %arg10[%add3A_50, %dma_start3A_72] : memref<10240x128xf32, #tpu.memory_space<vmem_shared>> -> memref<80x128xf32, #tpu.memory_space<vmem_shared>>
      tpu.enqueue_dma source(%dma_start3A_73 : memref<80x128xf32, #tpu.memory_space<vmem_shared>>) target(%arg9 : memref<80x128xf32, #tpu.memory_space<vmem>>) target_semaphore(%run_scoped3A : memref<!tpu.dma_semaphore, #tpu.memory_space<semaphore_mem>>)
      %dma_wait3A = arith.constant 0 : i32
      %dma_wait3A_74 = tpu.memref_slice %arg10[%add3A_50, %dma_wait3A] : memref<10240x128xf32, #tpu.memory_space<vmem_shared>> -> memref<80x128xf32, #tpu.memory_space<vmem_shared>>
      %dma_wait3A_75 = arith.constant 0 : i32
      %dma_wait3A_76 = tpu.memref_slice %arg10[%add3A_50, %dma_wait3A_75] : memref<10240x128xf32, #tpu.memory_space<vmem_shared>> -> memref<80x128xf32, #tpu.memory_space<vmem_shared>>
      tpu.wait_dma2 semaphore(%run_scoped3A : memref<!tpu.dma_semaphore, #tpu.memory_space<semaphore_mem>>) src(%dma_wait3A_76 : memref<80x128xf32, #tpu.memory_space<vmem_shared>>) dst(%arg9 : memref<80x128xf32, #tpu.memory_space<vmem>>)
      tpu.yield
    }) : () -> ()
    "tpu.region"() ({
      %run_scoped3A = tpu.sem_alloc : memref<!tpu.dma_semaphore, #tpu.memory_space<semaphore_mem>>
      %dma_start3A = arith.constant 0 : i32
      %dma_start3A_71 = arith.constant 0 : i32
      %dma_start3A_72 = tpu.memref_slice %arg6[%arg0, %dma_start3A, %dma_start3A_71] : memref<2x10240x128xf32, #tpu.memory_space<hbm>> -> memref<1x10240x128xf32, #tpu.memory_space<hbm>>
      %dma_start3A_73 = tpu.memref_squeeze %dma_start3A_72 : memref<1x10240x128xf32, #tpu.memory_space<hbm>> -> memref<10240x128xf32, #tpu.memory_space<hbm>>
      %dma_start3A_74 = arith.constant 0 : i32
      %dma_start3A_75 = tpu.memref_slice %dma_start3A_73[%add3A_50, %dma_start3A_74] : memref<10240x128xf32, #tpu.memory_space<hbm>> -> memref<80x128xf32, #tpu.memory_space<hbm>>
      %dma_start3A_76 = arith.constant 0 : i32
      %dma_start3A_77 = arith.constant 0 : i32
      %dma_start3A_78 = tpu.memref_slice %arg6[%arg0, %dma_start3A_76, %dma_start3A_77] : memref<2x10240x128xf32, #tpu.memory_space<hbm>> -> memref<1x10240x128xf32, #tpu.memory_space<hbm>>
      %dma_start3A_79 = tpu.memref_squeeze %dma_start3A_78 : memref<1x10240x128xf32, #tpu.memory_space<hbm>> -> memref<10240x128xf32, #tpu.memory_space<hbm>>
      %dma_start3A_80 = arith.constant 0 : i32
      %dma_start3A_81 = tpu.memref_slice %dma_start3A_79[%add3A_50, %dma_start3A_80] : memref<10240x128xf32, #tpu.memory_space<hbm>> -> memref<80x128xf32, #tpu.memory_space<hbm>>
      tpu.enqueue_dma source(%arg9 : memref<80x128xf32, #tpu.memory_space<vmem>>) target(%dma_start3A_81 : memref<80x128xf32, #tpu.memory_space<hbm>>) target_semaphore(%run_scoped3A : memref<!tpu.dma_semaphore, #tpu.memory_space<semaphore_mem>>)
      %dma_wait3A = arith.constant 0 : i32
      %dma_wait3A_82 = arith.constant 0 : i32
      %dma_wait3A_83 = tpu.memref_slice %arg6[%arg0, %dma_wait3A, %dma_wait3A_82] : memref<2x10240x128xf32, #tpu.memory_space<hbm>> -> memref<1x10240x128xf32, #tpu.memory_space<hbm>>
      %dma_wait3A_84 = tpu.memref_squeeze %dma_wait3A_83 : memref<1x10240x128xf32, #tpu.memory_space<hbm>> -> memref<10240x128xf32, #tpu.memory_space<hbm>>
      %dma_wait3A_85 = arith.constant 0 : i32
      %dma_wait3A_86 = tpu.memref_slice %dma_wait3A_84[%add3A_50, %dma_wait3A_85] : memref<10240x128xf32, #tpu.memory_space<hbm>> -> memref<80x128xf32, #tpu.memory_space<hbm>>
      %dma_wait3A_87 = arith.constant 0 : i32
      %dma_wait3A_88 = arith.constant 0 : i32
      %dma_wait3A_89 = tpu.memref_slice %arg6[%arg0, %dma_wait3A_87, %dma_wait3A_88] : memref<2x10240x128xf32, #tpu.memory_space<hbm>> -> memref<1x10240x128xf32, #tpu.memory_space<hbm>>
      %dma_wait3A_90 = tpu.memref_squeeze %dma_wait3A_89 : memref<1x10240x128xf32, #tpu.memory_space<hbm>> -> memref<10240x128xf32, #tpu.memory_space<hbm>>
      %dma_wait3A_91 = arith.constant 0 : i32
      %dma_wait3A_92 = tpu.memref_slice %dma_wait3A_90[%add3A_50, %dma_wait3A_91] : memref<10240x128xf32, #tpu.memory_space<hbm>> -> memref<80x128xf32, #tpu.memory_space<hbm>>
      tpu.wait_dma2 semaphore(%run_scoped3A : memref<!tpu.dma_semaphore, #tpu.memory_space<semaphore_mem>>) src(%arg9 : memref<80x128xf32, #tpu.memory_space<vmem>>) dst(%dma_wait3A_92 : memref<80x128xf32, #tpu.memory_space<hbm>>)
      tpu.yield
    }) : () -> ()
    %mul3A_51 = arith.constant 640 : i32
    %mul3A_52 = arith.muli %arg1, %mul3A_51 : i32
    %add3A_53 = arith.constant 240 : i32
    %add3A_54 = arith.addi %mul3A_52, %add3A_53 : i32
    "tpu.region"() ({
      %run_scoped3A = tpu.sem_alloc : memref<!tpu.dma_semaphore, #tpu.memory_space<semaphore_mem>>
      %dma_start3A = arith.constant 0 : i32
      %dma_start3A_71 = tpu.memref_slice %arg10[%add3A_54, %dma_start3A] : memref<10240x128xf32, #tpu.memory_space<vmem_shared>> -> memref<80x128xf32, #tpu.memory_space<vmem_shared>>
      %dma_start3A_72 = arith.constant 0 : i32
      %dma_start3A_73 = tpu.memref_slice %arg10[%add3A_54, %dma_start3A_72] : memref<10240x128xf32, #tpu.memory_space<vmem_shared>> -> memref<80x128xf32, #tpu.memory_space<vmem_shared>>
      tpu.enqueue_dma source(%dma_start3A_73 : memref<80x128xf32, #tpu.memory_space<vmem_shared>>) target(%arg9 : memref<80x128xf32, #tpu.memory_space<vmem>>) target_semaphore(%run_scoped3A : memref<!tpu.dma_semaphore, #tpu.memory_space<semaphore_mem>>)
      %dma_wait3A = arith.constant 0 : i32
      %dma_wait3A_74 = tpu.memref_slice %arg10[%add3A_54, %dma_wait3A] : memref<10240x128xf32, #tpu.memory_space<vmem_shared>> -> memref<80x128xf32, #tpu.memory_space<vmem_shared>>
      %dma_wait3A_75 = arith.constant 0 : i32
      %dma_wait3A_76 = tpu.memref_slice %arg10[%add3A_54, %dma_wait3A_75] : memref<10240x128xf32, #tpu.memory_space<vmem_shared>> -> memref<80x128xf32, #tpu.memory_space<vmem_shared>>
      tpu.wait_dma2 semaphore(%run_scoped3A : memref<!tpu.dma_semaphore, #tpu.memory_space<semaphore_mem>>) src(%dma_wait3A_76 : memref<80x128xf32, #tpu.memory_space<vmem_shared>>) dst(%arg9 : memref<80x128xf32, #tpu.memory_space<vmem>>)
      tpu.yield
    }) : () -> ()
    "tpu.region"() ({
      %run_scoped3A = tpu.sem_alloc : memref<!tpu.dma_semaphore, #tpu.memory_space<semaphore_mem>>
      %dma_start3A = arith.constant 0 : i32
      %dma_start3A_71 = arith.constant 0 : i32
      %dma_start3A_72 = tpu.memref_slice %arg6[%arg0, %dma_start3A, %dma_start3A_71] : memref<2x10240x128xf32, #tpu.memory_space<hbm>> -> memref<1x10240x128xf32, #tpu.memory_space<hbm>>
      %dma_start3A_73 = tpu.memref_squeeze %dma_start3A_72 : memref<1x10240x128xf32, #tpu.memory_space<hbm>> -> memref<10240x128xf32, #tpu.memory_space<hbm>>
      %dma_start3A_74 = arith.constant 0 : i32
      %dma_start3A_75 = tpu.memref_slice %dma_start3A_73[%add3A_54, %dma_start3A_74] : memref<10240x128xf32, #tpu.memory_space<hbm>> -> memref<80x128xf32, #tpu.memory_space<hbm>>
      %dma_start3A_76 = arith.constant 0 : i32
      %dma_start3A_77 = arith.constant 0 : i32
      %dma_start3A_78 = tpu.memref_slice %arg6[%arg0, %dma_start3A_76, %dma_start3A_77] : memref<2x10240x128xf32, #tpu.memory_space<hbm>> -> memref<1x10240x128xf32, #tpu.memory_space<hbm>>
      %dma_start3A_79 = tpu.memref_squeeze %dma_start3A_78 : memref<1x10240x128xf32, #tpu.memory_space<hbm>> -> memref<10240x128xf32, #tpu.memory_space<hbm>>
      %dma_start3A_80 = arith.constant 0 : i32
      %dma_start3A_81 = tpu.memref_slice %dma_start3A_79[%add3A_54, %dma_start3A_80] : memref<10240x128xf32, #tpu.memory_space<hbm>> -> memref<80x128xf32, #tpu.memory_space<hbm>>
      tpu.enqueue_dma source(%arg9 : memref<80x128xf32, #tpu.memory_space<vmem>>) target(%dma_start3A_81 : memref<80x128xf32, #tpu.memory_space<hbm>>) target_semaphore(%run_scoped3A : memref<!tpu.dma_semaphore, #tpu.memory_space<semaphore_mem>>)
      %dma_wait3A = arith.constant 0 : i32
      %dma_wait3A_82 = arith.constant 0 : i32
      %dma_wait3A_83 = tpu.memref_slice %arg6[%arg0, %dma_wait3A, %dma_wait3A_82] : memref<2x10240x128xf32, #tpu.memory_space<hbm>> -> memref<1x10240x128xf32, #tpu.memory_space<hbm>>
      %dma_wait3A_84 = tpu.memref_squeeze %dma_wait3A_83 : memref<1x10240x128xf32, #tpu.memory_space<hbm>> -> memref<10240x128xf32, #tpu.memory_space<hbm>>
      %dma_wait3A_85 = arith.constant 0 : i32
      %dma_wait3A_86 = tpu.memref_slice %dma_wait3A_84[%add3A_54, %dma_wait3A_85] : memref<10240x128xf32, #tpu.memory_space<hbm>> -> memref<80x128xf32, #tpu.memory_space<hbm>>
      %dma_wait3A_87 = arith.constant 0 : i32
      %dma_wait3A_88 = arith.constant 0 : i32
      %dma_wait3A_89 = tpu.memref_slice %arg6[%arg0, %dma_wait3A_87, %dma_wait3A_88] : memref<2x10240x128xf32, #tpu.memory_space<hbm>> -> memref<1x10240x128xf32, #tpu.memory_space<hbm>>
      %dma_wait3A_90 = tpu.memref_squeeze %dma_wait3A_89 : memref<1x10240x128xf32, #tpu.memory_space<hbm>> -> memref<10240x128xf32, #tpu.memory_space<hbm>>
      %dma_wait3A_91 = arith.constant 0 : i32
      %dma_wait3A_92 = tpu.memref_slice %dma_wait3A_90[%add3A_54, %dma_wait3A_91] : memref<10240x128xf32, #tpu.memory_space<hbm>> -> memref<80x128xf32, #tpu.memory_space<hbm>>
      tpu.wait_dma2 semaphore(%run_scoped3A : memref<!tpu.dma_semaphore, #tpu.memory_space<semaphore_mem>>) src(%arg9 : memref<80x128xf32, #tpu.memory_space<vmem>>) dst(%dma_wait3A_92 : memref<80x128xf32, #tpu.memory_space<hbm>>)
      tpu.yield
    }) : () -> ()
    %mul3A_55 = arith.constant 640 : i32
    %mul3A_56 = arith.muli %arg1, %mul3A_55 : i32
    %add3A_57 = arith.constant 320 : i32
    %add3A_58 = arith.addi %mul3A_56, %add3A_57 : i32
    "tpu.region"() ({
      %run_scoped3A = tpu.sem_alloc : memref<!tpu.dma_semaphore, #tpu.memory_space<semaphore_mem>>
      %dma_start3A = arith.constant 0 : i32
      %dma_start3A_71 = tpu.memref_slice %arg10[%add3A_58, %dma_start3A] : memref<10240x128xf32, #tpu.memory_space<vmem_shared>> -> memref<80x128xf32, #tpu.memory_space<vmem_shared>>
      %dma_start3A_72 = arith.constant 0 : i32
      %dma_start3A_73 = tpu.memref_slice %arg10[%add3A_58, %dma_start3A_72] : memref<10240x128xf32, #tpu.memory_space<vmem_shared>> -> memref<80x128xf32, #tpu.memory_space<vmem_shared>>
      tpu.enqueue_dma source(%dma_start3A_73 : memref<80x128xf32, #tpu.memory_space<vmem_shared>>) target(%arg9 : memref<80x128xf32, #tpu.memory_space<vmem>>) target_semaphore(%run_scoped3A : memref<!tpu.dma_semaphore, #tpu.memory_space<semaphore_mem>>)
      %dma_wait3A = arith.constant 0 : i32
      %dma_wait3A_74 = tpu.memref_slice %arg10[%add3A_58, %dma_wait3A] : memref<10240x128xf32, #tpu.memory_space<vmem_shared>> -> memref<80x128xf32, #tpu.memory_space<vmem_shared>>
      %dma_wait3A_75 = arith.constant 0 : i32
      %dma_wait3A_76 = tpu.memref_slice %arg10[%add3A_58, %dma_wait3A_75] : memref<10240x128xf32, #tpu.memory_space<vmem_shared>> -> memref<80x128xf32, #tpu.memory_space<vmem_shared>>
      tpu.wait_dma2 semaphore(%run_scoped3A : memref<!tpu.dma_semaphore, #tpu.memory_space<semaphore_mem>>) src(%dma_wait3A_76 : memref<80x128xf32, #tpu.memory_space<vmem_shared>>) dst(%arg9 : memref<80x128xf32, #tpu.memory_space<vmem>>)
      tpu.yield
    }) : () -> ()
    "tpu.region"() ({
      %run_scoped3A = tpu.sem_alloc : memref<!tpu.dma_semaphore, #tpu.memory_space<semaphore_mem>>
      %dma_start3A = arith.constant 0 : i32
      %dma_start3A_71 = arith.constant 0 : i32
      %dma_start3A_72 = tpu.memref_slice %arg6[%arg0, %dma_start3A, %dma_start3A_71] : memref<2x10240x128xf32, #tpu.memory_space<hbm>> -> memref<1x10240x128xf32, #tpu.memory_space<hbm>>
      %dma_start3A_73 = tpu.memref_squeeze %dma_start3A_72 : memref<1x10240x128xf32, #tpu.memory_space<hbm>> -> memref<10240x128xf32, #tpu.memory_space<hbm>>
      %dma_start3A_74 = arith.constant 0 : i32
      %dma_start3A_75 = tpu.memref_slice %dma_start3A_73[%add3A_58, %dma_start3A_74] : memref<10240x128xf32, #tpu.memory_space<hbm>> -> memref<80x128xf32, #tpu.memory_space<hbm>>
      %dma_start3A_76 = arith.constant 0 : i32
      %dma_start3A_77 = arith.constant 0 : i32
      %dma_start3A_78 = tpu.memref_slice %arg6[%arg0, %dma_start3A_76, %dma_start3A_77] : memref<2x10240x128xf32, #tpu.memory_space<hbm>> -> memref<1x10240x128xf32, #tpu.memory_space<hbm>>
      %dma_start3A_79 = tpu.memref_squeeze %dma_start3A_78 : memref<1x10240x128xf32, #tpu.memory_space<hbm>> -> memref<10240x128xf32, #tpu.memory_space<hbm>>
      %dma_start3A_80 = arith.constant 0 : i32
      %dma_start3A_81 = tpu.memref_slice %dma_start3A_79[%add3A_58, %dma_start3A_80] : memref<10240x128xf32, #tpu.memory_space<hbm>> -> memref<80x128xf32, #tpu.memory_space<hbm>>
      tpu.enqueue_dma source(%arg9 : memref<80x128xf32, #tpu.memory_space<vmem>>) target(%dma_start3A_81 : memref<80x128xf32, #tpu.memory_space<hbm>>) target_semaphore(%run_scoped3A : memref<!tpu.dma_semaphore, #tpu.memory_space<semaphore_mem>>)
      %dma_wait3A = arith.constant 0 : i32
      %dma_wait3A_82 = arith.constant 0 : i32
      %dma_wait3A_83 = tpu.memref_slice %arg6[%arg0, %dma_wait3A, %dma_wait3A_82] : memref<2x10240x128xf32, #tpu.memory_space<hbm>> -> memref<1x10240x128xf32, #tpu.memory_space<hbm>>
      %dma_wait3A_84 = tpu.memref_squeeze %dma_wait3A_83 : memref<1x10240x128xf32, #tpu.memory_space<hbm>> -> memref<10240x128xf32, #tpu.memory_space<hbm>>
      %dma_wait3A_85 = arith.constant 0 : i32
      %dma_wait3A_86 = tpu.memref_slice %dma_wait3A_84[%add3A_58, %dma_wait3A_85] : memref<10240x128xf32, #tpu.memory_space<hbm>> -> memref<80x128xf32, #tpu.memory_space<hbm>>
      %dma_wait3A_87 = arith.constant 0 : i32
      %dma_wait3A_88 = arith.constant 0 : i32
      %dma_wait3A_89 = tpu.memref_slice %arg6[%arg0, %dma_wait3A_87, %dma_wait3A_88] : memref<2x10240x128xf32, #tpu.memory_space<hbm>> -> memref<1x10240x128xf32, #tpu.memory_space<hbm>>
      %dma_wait3A_90 = tpu.memref_squeeze %dma_wait3A_89 : memref<1x10240x128xf32, #tpu.memory_space<hbm>> -> memref<10240x128xf32, #tpu.memory_space<hbm>>
      %dma_wait3A_91 = arith.constant 0 : i32
      %dma_wait3A_92 = tpu.memref_slice %dma_wait3A_90[%add3A_58, %dma_wait3A_91] : memref<10240x128xf32, #tpu.memory_space<hbm>> -> memref<80x128xf32, #tpu.memory_space<hbm>>
      tpu.wait_dma2 semaphore(%run_scoped3A : memref<!tpu.dma_semaphore, #tpu.memory_space<semaphore_mem>>) src(%arg9 : memref<80x128xf32, #tpu.memory_space<vmem>>) dst(%dma_wait3A_92 : memref<80x128xf32, #tpu.memory_space<hbm>>)
      tpu.yield
    }) : () -> ()
    %mul3A_59 = arith.constant 640 : i32
    %mul3A_60 = arith.muli %arg1, %mul3A_59 : i32
    %add3A_61 = arith.constant 400 : i32
    %add3A_62 = arith.addi %mul3A_60, %add3A_61 : i32
    "tpu.region"() ({
      %run_scoped3A = tpu.sem_alloc : memref<!tpu.dma_semaphore, #tpu.memory_space<semaphore_mem>>
      %dma_start3A = arith.constant 0 : i32
      %dma_start3A_71 = tpu.memref_slice %arg10[%add3A_62, %dma_start3A] : memref<10240x128xf32, #tpu.memory_space<vmem_shared>> -> memref<80x128xf32, #tpu.memory_space<vmem_shared>>
      %dma_start3A_72 = arith.constant 0 : i32
      %dma_start3A_73 = tpu.memref_slice %arg10[%add3A_62, %dma_start3A_72] : memref<10240x128xf32, #tpu.memory_space<vmem_shared>> -> memref<80x128xf32, #tpu.memory_space<vmem_shared>>
      tpu.enqueue_dma source(%dma_start3A_73 : memref<80x128xf32, #tpu.memory_space<vmem_shared>>) target(%arg9 : memref<80x128xf32, #tpu.memory_space<vmem>>) target_semaphore(%run_scoped3A : memref<!tpu.dma_semaphore, #tpu.memory_space<semaphore_mem>>)
      %dma_wait3A = arith.constant 0 : i32
      %dma_wait3A_74 = tpu.memref_slice %arg10[%add3A_62, %dma_wait3A] : memref<10240x128xf32, #tpu.memory_space<vmem_shared>> -> memref<80x128xf32, #tpu.memory_space<vmem_shared>>
      %dma_wait3A_75 = arith.constant 0 : i32
      %dma_wait3A_76 = tpu.memref_slice %arg10[%add3A_62, %dma_wait3A_75] : memref<10240x128xf32, #tpu.memory_space<vmem_shared>> -> memref<80x128xf32, #tpu.memory_space<vmem_shared>>
      tpu.wait_dma2 semaphore(%run_scoped3A : memref<!tpu.dma_semaphore, #tpu.memory_space<semaphore_mem>>) src(%dma_wait3A_76 : memref<80x128xf32, #tpu.memory_space<vmem_shared>>) dst(%arg9 : memref<80x128xf32, #tpu.memory_space<vmem>>)
      tpu.yield
    }) : () -> ()
    "tpu.region"() ({
      %run_scoped3A = tpu.sem_alloc : memref<!tpu.dma_semaphore, #tpu.memory_space<semaphore_mem>>
      %dma_start3A = arith.constant 0 : i32
      %dma_start3A_71 = arith.constant 0 : i32
      %dma_start3A_72 = tpu.memref_slice %arg6[%arg0, %dma_start3A, %dma_start3A_71] : memref<2x10240x128xf32, #tpu.memory_space<hbm>> -> memref<1x10240x128xf32, #tpu.memory_space<hbm>>
      %dma_start3A_73 = tpu.memref_squeeze %dma_start3A_72 : memref<1x10240x128xf32, #tpu.memory_space<hbm>> -> memref<10240x128xf32, #tpu.memory_space<hbm>>
      %dma_start3A_74 = arith.constant 0 : i32
      %dma_start3A_75 = tpu.memref_slice %dma_start3A_73[%add3A_62, %dma_start3A_74] : memref<10240x128xf32, #tpu.memory_space<hbm>> -> memref<80x128xf32, #tpu.memory_space<hbm>>
      %dma_start3A_76 = arith.constant 0 : i32
      %dma_start3A_77 = arith.constant 0 : i32
      %dma_start3A_78 = tpu.memref_slice %arg6[%arg0, %dma_start3A_76, %dma_start3A_77] : memref<2x10240x128xf32, #tpu.memory_space<hbm>> -> memref<1x10240x128xf32, #tpu.memory_space<hbm>>
      %dma_start3A_79 = tpu.memref_squeeze %dma_start3A_78 : memref<1x10240x128xf32, #tpu.memory_space<hbm>> -> memref<10240x128xf32, #tpu.memory_space<hbm>>
      %dma_start3A_80 = arith.constant 0 : i32
      %dma_start3A_81 = tpu.memref_slice %dma_start3A_79[%add3A_62, %dma_start3A_80] : memref<10240x128xf32, #tpu.memory_space<hbm>> -> memref<80x128xf32, #tpu.memory_space<hbm>>
      tpu.enqueue_dma source(%arg9 : memref<80x128xf32, #tpu.memory_space<vmem>>) target(%dma_start3A_81 : memref<80x128xf32, #tpu.memory_space<hbm>>) target_semaphore(%run_scoped3A : memref<!tpu.dma_semaphore, #tpu.memory_space<semaphore_mem>>)
      %dma_wait3A = arith.constant 0 : i32
      %dma_wait3A_82 = arith.constant 0 : i32
      %dma_wait3A_83 = tpu.memref_slice %arg6[%arg0, %dma_wait3A, %dma_wait3A_82] : memref<2x10240x128xf32, #tpu.memory_space<hbm>> -> memref<1x10240x128xf32, #tpu.memory_space<hbm>>
      %dma_wait3A_84 = tpu.memref_squeeze %dma_wait3A_83 : memref<1x10240x128xf32, #tpu.memory_space<hbm>> -> memref<10240x128xf32, #tpu.memory_space<hbm>>
      %dma_wait3A_85 = arith.constant 0 : i32
      %dma_wait3A_86 = tpu.memref_slice %dma_wait3A_84[%add3A_62, %dma_wait3A_85] : memref<10240x128xf32, #tpu.memory_space<hbm>> -> memref<80x128xf32, #tpu.memory_space<hbm>>
      %dma_wait3A_87 = arith.constant 0 : i32
      %dma_wait3A_88 = arith.constant 0 : i32
      %dma_wait3A_89 = tpu.memref_slice %arg6[%arg0, %dma_wait3A_87, %dma_wait3A_88] : memref<2x10240x128xf32, #tpu.memory_space<hbm>> -> memref<1x10240x128xf32, #tpu.memory_space<hbm>>
      %dma_wait3A_90 = tpu.memref_squeeze %dma_wait3A_89 : memref<1x10240x128xf32, #tpu.memory_space<hbm>> -> memref<10240x128xf32, #tpu.memory_space<hbm>>
      %dma_wait3A_91 = arith.constant 0 : i32
      %dma_wait3A_92 = tpu.memref_slice %dma_wait3A_90[%add3A_62, %dma_wait3A_91] : memref<10240x128xf32, #tpu.memory_space<hbm>> -> memref<80x128xf32, #tpu.memory_space<hbm>>
      tpu.wait_dma2 semaphore(%run_scoped3A : memref<!tpu.dma_semaphore, #tpu.memory_space<semaphore_mem>>) src(%arg9 : memref<80x128xf32, #tpu.memory_space<vmem>>) dst(%dma_wait3A_92 : memref<80x128xf32, #tpu.memory_space<hbm>>)
      tpu.yield
    }) : () -> ()
    %mul3A_63 = arith.constant 640 : i32
    %mul3A_64 = arith.muli %arg1, %mul3A_63 : i32
    %add3A_65 = arith.constant 480 : i32
    %add3A_66 = arith.addi %mul3A_64, %add3A_65 : i32
    "tpu.region"() ({
      %run_scoped3A = tpu.sem_alloc : memref<!tpu.dma_semaphore, #tpu.memory_space<semaphore_mem>>
      %dma_start3A = arith.constant 0 : i32
      %dma_start3A_71 = tpu.memref_slice %arg10[%add3A_66, %dma_start3A] : memref<10240x128xf32, #tpu.memory_space<vmem_shared>> -> memref<80x128xf32, #tpu.memory_space<vmem_shared>>
      %dma_start3A_72 = arith.constant 0 : i32
      %dma_start3A_73 = tpu.memref_slice %arg10[%add3A_66, %dma_start3A_72] : memref<10240x128xf32, #tpu.memory_space<vmem_shared>> -> memref<80x128xf32, #tpu.memory_space<vmem_shared>>
      tpu.enqueue_dma source(%dma_start3A_73 : memref<80x128xf32, #tpu.memory_space<vmem_shared>>) target(%arg9 : memref<80x128xf32, #tpu.memory_space<vmem>>) target_semaphore(%run_scoped3A : memref<!tpu.dma_semaphore, #tpu.memory_space<semaphore_mem>>)
      %dma_wait3A = arith.constant 0 : i32
      %dma_wait3A_74 = tpu.memref_slice %arg10[%add3A_66, %dma_wait3A] : memref<10240x128xf32, #tpu.memory_space<vmem_shared>> -> memref<80x128xf32, #tpu.memory_space<vmem_shared>>
      %dma_wait3A_75 = arith.constant 0 : i32
      %dma_wait3A_76 = tpu.memref_slice %arg10[%add3A_66, %dma_wait3A_75] : memref<10240x128xf32, #tpu.memory_space<vmem_shared>> -> memref<80x128xf32, #tpu.memory_space<vmem_shared>>
      tpu.wait_dma2 semaphore(%run_scoped3A : memref<!tpu.dma_semaphore, #tpu.memory_space<semaphore_mem>>) src(%dma_wait3A_76 : memref<80x128xf32, #tpu.memory_space<vmem_shared>>) dst(%arg9 : memref<80x128xf32, #tpu.memory_space<vmem>>)
      tpu.yield
    }) : () -> ()
    "tpu.region"() ({
      %run_scoped3A = tpu.sem_alloc : memref<!tpu.dma_semaphore, #tpu.memory_space<semaphore_mem>>
      %dma_start3A = arith.constant 0 : i32
      %dma_start3A_71 = arith.constant 0 : i32
      %dma_start3A_72 = tpu.memref_slice %arg6[%arg0, %dma_start3A, %dma_start3A_71] : memref<2x10240x128xf32, #tpu.memory_space<hbm>> -> memref<1x10240x128xf32, #tpu.memory_space<hbm>>
      %dma_start3A_73 = tpu.memref_squeeze %dma_start3A_72 : memref<1x10240x128xf32, #tpu.memory_space<hbm>> -> memref<10240x128xf32, #tpu.memory_space<hbm>>
      %dma_start3A_74 = arith.constant 0 : i32
      %dma_start3A_75 = tpu.memref_slice %dma_start3A_73[%add3A_66, %dma_start3A_74] : memref<10240x128xf32, #tpu.memory_space<hbm>> -> memref<80x128xf32, #tpu.memory_space<hbm>>
      %dma_start3A_76 = arith.constant 0 : i32
      %dma_start3A_77 = arith.constant 0 : i32
      %dma_start3A_78 = tpu.memref_slice %arg6[%arg0, %dma_start3A_76, %dma_start3A_77] : memref<2x10240x128xf32, #tpu.memory_space<hbm>> -> memref<1x10240x128xf32, #tpu.memory_space<hbm>>
      %dma_start3A_79 = tpu.memref_squeeze %dma_start3A_78 : memref<1x10240x128xf32, #tpu.memory_space<hbm>> -> memref<10240x128xf32, #tpu.memory_space<hbm>>
      %dma_start3A_80 = arith.constant 0 : i32
      %dma_start3A_81 = tpu.memref_slice %dma_start3A_79[%add3A_66, %dma_start3A_80] : memref<10240x128xf32, #tpu.memory_space<hbm>> -> memref<80x128xf32, #tpu.memory_space<hbm>>
      tpu.enqueue_dma source(%arg9 : memref<80x128xf32, #tpu.memory_space<vmem>>) target(%dma_start3A_81 : memref<80x128xf32, #tpu.memory_space<hbm>>) target_semaphore(%run_scoped3A : memref<!tpu.dma_semaphore, #tpu.memory_space<semaphore_mem>>)
      %dma_wait3A = arith.constant 0 : i32
      %dma_wait3A_82 = arith.constant 0 : i32
      %dma_wait3A_83 = tpu.memref_slice %arg6[%arg0, %dma_wait3A, %dma_wait3A_82] : memref<2x10240x128xf32, #tpu.memory_space<hbm>> -> memref<1x10240x128xf32, #tpu.memory_space<hbm>>
      %dma_wait3A_84 = tpu.memref_squeeze %dma_wait3A_83 : memref<1x10240x128xf32, #tpu.memory_space<hbm>> -> memref<10240x128xf32, #tpu.memory_space<hbm>>
      %dma_wait3A_85 = arith.constant 0 : i32
      %dma_wait3A_86 = tpu.memref_slice %dma_wait3A_84[%add3A_66, %dma_wait3A_85] : memref<10240x128xf32, #tpu.memory_space<hbm>> -> memref<80x128xf32, #tpu.memory_space<hbm>>
      %dma_wait3A_87 = arith.constant 0 : i32
      %dma_wait3A_88 = arith.constant 0 : i32
      %dma_wait3A_89 = tpu.memref_slice %arg6[%arg0, %dma_wait3A_87, %dma_wait3A_88] : memref<2x10240x128xf32, #tpu.memory_space<hbm>> -> memref<1x10240x128xf32, #tpu.memory_space<hbm>>
      %dma_wait3A_90 = tpu.memref_squeeze %dma_wait3A_89 : memref<1x10240x128xf32, #tpu.memory_space<hbm>> -> memref<10240x128xf32, #tpu.memory_space<hbm>>
      %dma_wait3A_91 = arith.constant 0 : i32
      %dma_wait3A_92 = tpu.memref_slice %dma_wait3A_90[%add3A_66, %dma_wait3A_91] : memref<10240x128xf32, #tpu.memory_space<hbm>> -> memref<80x128xf32, #tpu.memory_space<hbm>>
      tpu.wait_dma2 semaphore(%run_scoped3A : memref<!tpu.dma_semaphore, #tpu.memory_space<semaphore_mem>>) src(%arg9 : memref<80x128xf32, #tpu.memory_space<vmem>>) dst(%dma_wait3A_92 : memref<80x128xf32, #tpu.memory_space<hbm>>)
      tpu.yield
    }) : () -> ()
    %mul3A_67 = arith.constant 640 : i32
    %mul3A_68 = arith.muli %arg1, %mul3A_67 : i32
    %add3A_69 = arith.constant 560 : i32
    %add3A_70 = arith.addi %mul3A_68, %add3A_69 : i32
    "tpu.region"() ({
      %run_scoped3A = tpu.sem_alloc : memref<!tpu.dma_semaphore, #tpu.memory_space<semaphore_mem>>
      %dma_start3A = arith.constant 0 : i32
      %dma_start3A_71 = tpu.memref_slice %arg10[%add3A_70, %dma_start3A] : memref<10240x128xf32, #tpu.memory_space<vmem_shared>> -> memref<80x128xf32, #tpu.memory_space<vmem_shared>>
      %dma_start3A_72 = arith.constant 0 : i32
      %dma_start3A_73 = tpu.memref_slice %arg10[%add3A_70, %dma_start3A_72] : memref<10240x128xf32, #tpu.memory_space<vmem_shared>> -> memref<80x128xf32, #tpu.memory_space<vmem_shared>>
      tpu.enqueue_dma source(%dma_start3A_73 : memref<80x128xf32, #tpu.memory_space<vmem_shared>>) target(%arg9 : memref<80x128xf32, #tpu.memory_space<vmem>>) target_semaphore(%run_scoped3A : memref<!tpu.dma_semaphore, #tpu.memory_space<semaphore_mem>>)
      %dma_wait3A = arith.constant 0 : i32
      %dma_wait3A_74 = tpu.memref_slice %arg10[%add3A_70, %dma_wait3A] : memref<10240x128xf32, #tpu.memory_space<vmem_shared>> -> memref<80x128xf32, #tpu.memory_space<vmem_shared>>
      %dma_wait3A_75 = arith.constant 0 : i32
      %dma_wait3A_76 = tpu.memref_slice %arg10[%add3A_70, %dma_wait3A_75] : memref<10240x128xf32, #tpu.memory_space<vmem_shared>> -> memref<80x128xf32, #tpu.memory_space<vmem_shared>>
      tpu.wait_dma2 semaphore(%run_scoped3A : memref<!tpu.dma_semaphore, #tpu.memory_space<semaphore_mem>>) src(%dma_wait3A_76 : memref<80x128xf32, #tpu.memory_space<vmem_shared>>) dst(%arg9 : memref<80x128xf32, #tpu.memory_space<vmem>>)
      tpu.yield
    }) : () -> ()
    "tpu.region"() ({
      %run_scoped3A = tpu.sem_alloc : memref<!tpu.dma_semaphore, #tpu.memory_space<semaphore_mem>>
      %dma_start3A = arith.constant 0 : i32
      %dma_start3A_71 = arith.constant 0 : i32
      %dma_start3A_72 = tpu.memref_slice %arg6[%arg0, %dma_start3A, %dma_start3A_71] : memref<2x10240x128xf32, #tpu.memory_space<hbm>> -> memref<1x10240x128xf32, #tpu.memory_space<hbm>>
      %dma_start3A_73 = tpu.memref_squeeze %dma_start3A_72 : memref<1x10240x128xf32, #tpu.memory_space<hbm>> -> memref<10240x128xf32, #tpu.memory_space<hbm>>
      %dma_start3A_74 = arith.constant 0 : i32
      %dma_start3A_75 = tpu.memref_slice %dma_start3A_73[%add3A_70, %dma_start3A_74] : memref<10240x128xf32, #tpu.memory_space<hbm>> -> memref<80x128xf32, #tpu.memory_space<hbm>>
      %dma_start3A_76 = arith.constant 0 : i32
      %dma_start3A_77 = arith.constant 0 : i32
      %dma_start3A_78 = tpu.memref_slice %arg6[%arg0, %dma_start3A_76, %dma_start3A_77] : memref<2x10240x128xf32, #tpu.memory_space<hbm>> -> memref<1x10240x128xf32, #tpu.memory_space<hbm>>
      %dma_start3A_79 = tpu.memref_squeeze %dma_start3A_78 : memref<1x10240x128xf32, #tpu.memory_space<hbm>> -> memref<10240x128xf32, #tpu.memory_space<hbm>>
      %dma_start3A_80 = arith.constant 0 : i32
      %dma_start3A_81 = tpu.memref_slice %dma_start3A_79[%add3A_70, %dma_start3A_80] : memref<10240x128xf32, #tpu.memory_space<hbm>> -> memref<80x128xf32, #tpu.memory_space<hbm>>
      tpu.enqueue_dma source(%arg9 : memref<80x128xf32, #tpu.memory_space<vmem>>) target(%dma_start3A_81 : memref<80x128xf32, #tpu.memory_space<hbm>>) target_semaphore(%run_scoped3A : memref<!tpu.dma_semaphore, #tpu.memory_space<semaphore_mem>>)
      %dma_wait3A = arith.constant 0 : i32
      %dma_wait3A_82 = arith.constant 0 : i32
      %dma_wait3A_83 = tpu.memref_slice %arg6[%arg0, %dma_wait3A, %dma_wait3A_82] : memref<2x10240x128xf32, #tpu.memory_space<hbm>> -> memref<1x10240x128xf32, #tpu.memory_space<hbm>>
      %dma_wait3A_84 = tpu.memref_squeeze %dma_wait3A_83 : memref<1x10240x128xf32, #tpu.memory_space<hbm>> -> memref<10240x128xf32, #tpu.memory_space<hbm>>
      %dma_wait3A_85 = arith.constant 0 : i32
      %dma_wait3A_86 = tpu.memref_slice %dma_wait3A_84[%add3A_70, %dma_wait3A_85] : memref<10240x128xf32, #tpu.memory_space<hbm>> -> memref<80x128xf32, #tpu.memory_space<hbm>>
      %dma_wait3A_87 = arith.constant 0 : i32
      %dma_wait3A_88 = arith.constant 0 : i32
      %dma_wait3A_89 = tpu.memref_slice %arg6[%arg0, %dma_wait3A_87, %dma_wait3A_88] : memref<2x10240x128xf32, #tpu.memory_space<hbm>> -> memref<1x10240x128xf32, #tpu.memory_space<hbm>>
      %dma_wait3A_90 = tpu.memref_squeeze %dma_wait3A_89 : memref<1x10240x128xf32, #tpu.memory_space<hbm>> -> memref<10240x128xf32, #tpu.memory_space<hbm>>
      %dma_wait3A_91 = arith.constant 0 : i32
      %dma_wait3A_92 = tpu.memref_slice %dma_wait3A_90[%add3A_70, %dma_wait3A_91] : memref<10240x128xf32, #tpu.memory_space<hbm>> -> memref<80x128xf32, #tpu.memory_space<hbm>>
      tpu.wait_dma2 semaphore(%run_scoped3A : memref<!tpu.dma_semaphore, #tpu.memory_space<semaphore_mem>>) src(%arg9 : memref<80x128xf32, #tpu.memory_space<vmem>>) dst(%dma_wait3A_92 : memref<80x128xf32, #tpu.memory_space<hbm>>)
      tpu.yield
    }) : () -> ()
    return
  }
}

#map = affine_map<(d0, d1) -> (0, 0)>
#map1 = affine_map<(d0, d1) -> (0, 0, 0, 0)>
#map2 = affine_map<(d0, d1) -> (0, 0, 0)>
module attributes {stable_mosaic.version = 14 : i64} {
  func.func @_sc_agg(%arg0: i32, %arg1: i32, %arg2: memref<10000x128xf32, #tpu.memory_space<hbm>>, %arg3: memref<32x5x25x80xi32, #tpu.memory_space<hbm>>, %arg4: memref<32x5x25x80xi32, #tpu.memory_space<hbm>>, %arg5: memref<80x128xf32, #tpu.memory_space<hbm>>, %arg6: memref<2x10240x128xf32, #tpu.memory_space<hbm>>, %arg7: memref<25x80xi32, #tpu.memory_space<vmem>>, %arg8: memref<25x80xi32, #tpu.memory_space<vmem>>, %arg9: memref<80x128xf32, #tpu.memory_space<vmem>>, %arg10: memref<10240x128xf32, #tpu.memory_space<vmem_shared>>, %arg11: memref<!tpu.dma_semaphore, #tpu.memory_space<semaphore_mem>>) attributes {dimension_semantics = [#tpu.dimension_semantics<core_parallel>, #tpu.dimension_semantics<subcore_parallel>], iteration_bounds = array<i64: 2, 16>, scalar_prefetch = 0 : i64, scratch_operands = 5 : i64, tpu.core_type = #tpu.core_type<sc_vector_subcore>, window_params = [{transform_indices = #map}, {transform_indices = #map1}, {transform_indices = #map1}, {transform_indices = #map}, {transform_indices = #map2}]} {
    %mul3A = arith.constant 16 : i32
    %mul3A_0 = arith.muli %arg0, %mul3A : i32
    %add3A = arith.addi %mul3A_0, %arg1 : i32
    "tpu.region"() ({
      %run_scoped3A = tpu.sem_alloc : memref<!tpu.dma_semaphore, #tpu.memory_space<semaphore_mem>>
      tpu.enqueue_dma source(%arg5 : memref<80x128xf32, #tpu.memory_space<hbm>>) target(%arg9 : memref<80x128xf32, #tpu.memory_space<vmem>>) target_semaphore(%run_scoped3A : memref<!tpu.dma_semaphore, #tpu.memory_space<semaphore_mem>>)
      tpu.wait_dma2 semaphore(%run_scoped3A : memref<!tpu.dma_semaphore, #tpu.memory_space<semaphore_mem>>) src(%arg5 : memref<80x128xf32, #tpu.memory_space<hbm>>) dst(%arg9 : memref<80x128xf32, #tpu.memory_space<vmem>>)
      tpu.yield
    }) : () -> ()
    %mul3A_1 = arith.constant 640 : i32
    %mul3A_2 = arith.muli %arg1, %mul3A_1 : i32
    %add3A_3 = arith.constant 0 : i32
    %add3A_4 = arith.addi %mul3A_2, %add3A_3 : i32
    "tpu.region"() ({
      %run_scoped3A = tpu.sem_alloc : memref<!tpu.dma_semaphore, #tpu.memory_space<semaphore_mem>>
      %dma_start3A = arith.constant 0 : i32
      %dma_start3A_71 = tpu.memref_slice %arg10[%add3A_4, %dma_start3A] : memref<10240x128xf32, #tpu.memory_space<vmem_shared>> -> memref<80x128xf32, #tpu.memory_space<vmem_shared>>
      %dma_start3A_72 = arith.constant 0 : i32
      %dma_start3A_73 = tpu.memref_slice %arg10[%add3A_4, %dma_start3A_72] : memref<10240x128xf32, #tpu.memory_space<vmem_shared>> -> memref<80x128xf32, #tpu.memory_space<vmem_shared>>
      tpu.enqueue_dma source(%arg9 : memref<80x128xf32, #tpu.memory_space<vmem>>) target(%dma_start3A_73 : memref<80x128xf32, #tpu.memory_space<vmem_shared>>) target_semaphore(%run_scoped3A : memref<!tpu.dma_semaphore, #tpu.memory_space<semaphore_mem>>)
      %dma_wait3A = arith.constant 0 : i32
      %dma_wait3A_74 = tpu.memref_slice %arg10[%add3A_4, %dma_wait3A] : memref<10240x128xf32, #tpu.memory_space<vmem_shared>> -> memref<80x128xf32, #tpu.memory_space<vmem_shared>>
      %dma_wait3A_75 = arith.constant 0 : i32
      %dma_wait3A_76 = tpu.memref_slice %arg10[%add3A_4, %dma_wait3A_75] : memref<10240x128xf32, #tpu.memory_space<vmem_shared>> -> memref<80x128xf32, #tpu.memory_space<vmem_shared>>
      tpu.wait_dma2 semaphore(%run_scoped3A : memref<!tpu.dma_semaphore, #tpu.memory_space<semaphore_mem>>) src(%arg9 : memref<80x128xf32, #tpu.memory_space<vmem>>) dst(%dma_wait3A_76 : memref<80x128xf32, #tpu.memory_space<vmem_shared>>)
      tpu.yield
    }) : () -> ()
    %mul3A_5 = arith.constant 640 : i32
    %mul3A_6 = arith.muli %arg1, %mul3A_5 : i32
    %add3A_7 = arith.constant 80 : i32
    %add3A_8 = arith.addi %mul3A_6, %add3A_7 : i32
    "tpu.region"() ({
      %run_scoped3A = tpu.sem_alloc : memref<!tpu.dma_semaphore, #tpu.memory_space<semaphore_mem>>
      %dma_start3A = arith.constant 0 : i32
      %dma_start3A_71 = tpu.memref_slice %arg10[%add3A_8, %dma_start3A] : memref<10240x128xf32, #tpu.memory_space<vmem_shared>> -> memref<80x128xf32, #tpu.memory_space<vmem_shared>>
      %dma_start3A_72 = arith.constant 0 : i32
      %dma_start3A_73 = tpu.memref_slice %arg10[%add3A_8, %dma_start3A_72] : memref<10240x128xf32, #tpu.memory_space<vmem_shared>> -> memref<80x128xf32, #tpu.memory_space<vmem_shared>>
      tpu.enqueue_dma source(%arg9 : memref<80x128xf32, #tpu.memory_space<vmem>>) target(%dma_start3A_73 : memref<80x128xf32, #tpu.memory_space<vmem_shared>>) target_semaphore(%run_scoped3A : memref<!tpu.dma_semaphore, #tpu.memory_space<semaphore_mem>>)
      %dma_wait3A = arith.constant 0 : i32
      %dma_wait3A_74 = tpu.memref_slice %arg10[%add3A_8, %dma_wait3A] : memref<10240x128xf32, #tpu.memory_space<vmem_shared>> -> memref<80x128xf32, #tpu.memory_space<vmem_shared>>
      %dma_wait3A_75 = arith.constant 0 : i32
      %dma_wait3A_76 = tpu.memref_slice %arg10[%add3A_8, %dma_wait3A_75] : memref<10240x128xf32, #tpu.memory_space<vmem_shared>> -> memref<80x128xf32, #tpu.memory_space<vmem_shared>>
      tpu.wait_dma2 semaphore(%run_scoped3A : memref<!tpu.dma_semaphore, #tpu.memory_space<semaphore_mem>>) src(%arg9 : memref<80x128xf32, #tpu.memory_space<vmem>>) dst(%dma_wait3A_76 : memref<80x128xf32, #tpu.memory_space<vmem_shared>>)
      tpu.yield
    }) : () -> ()
    %mul3A_9 = arith.constant 640 : i32
    %mul3A_10 = arith.muli %arg1, %mul3A_9 : i32
    %add3A_11 = arith.constant 160 : i32
    %add3A_12 = arith.addi %mul3A_10, %add3A_11 : i32
    "tpu.region"() ({
      %run_scoped3A = tpu.sem_alloc : memref<!tpu.dma_semaphore, #tpu.memory_space<semaphore_mem>>
      %dma_start3A = arith.constant 0 : i32
      %dma_start3A_71 = tpu.memref_slice %arg10[%add3A_12, %dma_start3A] : memref<10240x128xf32, #tpu.memory_space<vmem_shared>> -> memref<80x128xf32, #tpu.memory_space<vmem_shared>>
      %dma_start3A_72 = arith.constant 0 : i32
      %dma_start3A_73 = tpu.memref_slice %arg10[%add3A_12, %dma_start3A_72] : memref<10240x128xf32, #tpu.memory_space<vmem_shared>> -> memref<80x128xf32, #tpu.memory_space<vmem_shared>>
      tpu.enqueue_dma source(%arg9 : memref<80x128xf32, #tpu.memory_space<vmem>>) target(%dma_start3A_73 : memref<80x128xf32, #tpu.memory_space<vmem_shared>>) target_semaphore(%run_scoped3A : memref<!tpu.dma_semaphore, #tpu.memory_space<semaphore_mem>>)
      %dma_wait3A = arith.constant 0 : i32
      %dma_wait3A_74 = tpu.memref_slice %arg10[%add3A_12, %dma_wait3A] : memref<10240x128xf32, #tpu.memory_space<vmem_shared>> -> memref<80x128xf32, #tpu.memory_space<vmem_shared>>
      %dma_wait3A_75 = arith.constant 0 : i32
      %dma_wait3A_76 = tpu.memref_slice %arg10[%add3A_12, %dma_wait3A_75] : memref<10240x128xf32, #tpu.memory_space<vmem_shared>> -> memref<80x128xf32, #tpu.memory_space<vmem_shared>>
      tpu.wait_dma2 semaphore(%run_scoped3A : memref<!tpu.dma_semaphore, #tpu.memory_space<semaphore_mem>>) src(%arg9 : memref<80x128xf32, #tpu.memory_space<vmem>>) dst(%dma_wait3A_76 : memref<80x128xf32, #tpu.memory_space<vmem_shared>>)
      tpu.yield
    }) : () -> ()
    %mul3A_13 = arith.constant 640 : i32
    %mul3A_14 = arith.muli %arg1, %mul3A_13 : i32
    %add3A_15 = arith.constant 240 : i32
    %add3A_16 = arith.addi %mul3A_14, %add3A_15 : i32
    "tpu.region"() ({
      %run_scoped3A = tpu.sem_alloc : memref<!tpu.dma_semaphore, #tpu.memory_space<semaphore_mem>>
      %dma_start3A = arith.constant 0 : i32
      %dma_start3A_71 = tpu.memref_slice %arg10[%add3A_16, %dma_start3A] : memref<10240x128xf32, #tpu.memory_space<vmem_shared>> -> memref<80x128xf32, #tpu.memory_space<vmem_shared>>
      %dma_start3A_72 = arith.constant 0 : i32
      %dma_start3A_73 = tpu.memref_slice %arg10[%add3A_16, %dma_start3A_72] : memref<10240x128xf32, #tpu.memory_space<vmem_shared>> -> memref<80x128xf32, #tpu.memory_space<vmem_shared>>
      tpu.enqueue_dma source(%arg9 : memref<80x128xf32, #tpu.memory_space<vmem>>) target(%dma_start3A_73 : memref<80x128xf32, #tpu.memory_space<vmem_shared>>) target_semaphore(%run_scoped3A : memref<!tpu.dma_semaphore, #tpu.memory_space<semaphore_mem>>)
      %dma_wait3A = arith.constant 0 : i32
      %dma_wait3A_74 = tpu.memref_slice %arg10[%add3A_16, %dma_wait3A] : memref<10240x128xf32, #tpu.memory_space<vmem_shared>> -> memref<80x128xf32, #tpu.memory_space<vmem_shared>>
      %dma_wait3A_75 = arith.constant 0 : i32
      %dma_wait3A_76 = tpu.memref_slice %arg10[%add3A_16, %dma_wait3A_75] : memref<10240x128xf32, #tpu.memory_space<vmem_shared>> -> memref<80x128xf32, #tpu.memory_space<vmem_shared>>
      tpu.wait_dma2 semaphore(%run_scoped3A : memref<!tpu.dma_semaphore, #tpu.memory_space<semaphore_mem>>) src(%arg9 : memref<80x128xf32, #tpu.memory_space<vmem>>) dst(%dma_wait3A_76 : memref<80x128xf32, #tpu.memory_space<vmem_shared>>)
      tpu.yield
    }) : () -> ()
    %mul3A_17 = arith.constant 640 : i32
    %mul3A_18 = arith.muli %arg1, %mul3A_17 : i32
    %add3A_19 = arith.constant 320 : i32
    %add3A_20 = arith.addi %mul3A_18, %add3A_19 : i32
    "tpu.region"() ({
      %run_scoped3A = tpu.sem_alloc : memref<!tpu.dma_semaphore, #tpu.memory_space<semaphore_mem>>
      %dma_start3A = arith.constant 0 : i32
      %dma_start3A_71 = tpu.memref_slice %arg10[%add3A_20, %dma_start3A] : memref<10240x128xf32, #tpu.memory_space<vmem_shared>> -> memref<80x128xf32, #tpu.memory_space<vmem_shared>>
      %dma_start3A_72 = arith.constant 0 : i32
      %dma_start3A_73 = tpu.memref_slice %arg10[%add3A_20, %dma_start3A_72] : memref<10240x128xf32, #tpu.memory_space<vmem_shared>> -> memref<80x128xf32, #tpu.memory_space<vmem_shared>>
      tpu.enqueue_dma source(%arg9 : memref<80x128xf32, #tpu.memory_space<vmem>>) target(%dma_start3A_73 : memref<80x128xf32, #tpu.memory_space<vmem_shared>>) target_semaphore(%run_scoped3A : memref<!tpu.dma_semaphore, #tpu.memory_space<semaphore_mem>>)
      %dma_wait3A = arith.constant 0 : i32
      %dma_wait3A_74 = tpu.memref_slice %arg10[%add3A_20, %dma_wait3A] : memref<10240x128xf32, #tpu.memory_space<vmem_shared>> -> memref<80x128xf32, #tpu.memory_space<vmem_shared>>
      %dma_wait3A_75 = arith.constant 0 : i32
      %dma_wait3A_76 = tpu.memref_slice %arg10[%add3A_20, %dma_wait3A_75] : memref<10240x128xf32, #tpu.memory_space<vmem_shared>> -> memref<80x128xf32, #tpu.memory_space<vmem_shared>>
      tpu.wait_dma2 semaphore(%run_scoped3A : memref<!tpu.dma_semaphore, #tpu.memory_space<semaphore_mem>>) src(%arg9 : memref<80x128xf32, #tpu.memory_space<vmem>>) dst(%dma_wait3A_76 : memref<80x128xf32, #tpu.memory_space<vmem_shared>>)
      tpu.yield
    }) : () -> ()
    %mul3A_21 = arith.constant 640 : i32
    %mul3A_22 = arith.muli %arg1, %mul3A_21 : i32
    %add3A_23 = arith.constant 400 : i32
    %add3A_24 = arith.addi %mul3A_22, %add3A_23 : i32
    "tpu.region"() ({
      %run_scoped3A = tpu.sem_alloc : memref<!tpu.dma_semaphore, #tpu.memory_space<semaphore_mem>>
      %dma_start3A = arith.constant 0 : i32
      %dma_start3A_71 = tpu.memref_slice %arg10[%add3A_24, %dma_start3A] : memref<10240x128xf32, #tpu.memory_space<vmem_shared>> -> memref<80x128xf32, #tpu.memory_space<vmem_shared>>
      %dma_start3A_72 = arith.constant 0 : i32
      %dma_start3A_73 = tpu.memref_slice %arg10[%add3A_24, %dma_start3A_72] : memref<10240x128xf32, #tpu.memory_space<vmem_shared>> -> memref<80x128xf32, #tpu.memory_space<vmem_shared>>
      tpu.enqueue_dma source(%arg9 : memref<80x128xf32, #tpu.memory_space<vmem>>) target(%dma_start3A_73 : memref<80x128xf32, #tpu.memory_space<vmem_shared>>) target_semaphore(%run_scoped3A : memref<!tpu.dma_semaphore, #tpu.memory_space<semaphore_mem>>)
      %dma_wait3A = arith.constant 0 : i32
      %dma_wait3A_74 = tpu.memref_slice %arg10[%add3A_24, %dma_wait3A] : memref<10240x128xf32, #tpu.memory_space<vmem_shared>> -> memref<80x128xf32, #tpu.memory_space<vmem_shared>>
      %dma_wait3A_75 = arith.constant 0 : i32
      %dma_wait3A_76 = tpu.memref_slice %arg10[%add3A_24, %dma_wait3A_75] : memref<10240x128xf32, #tpu.memory_space<vmem_shared>> -> memref<80x128xf32, #tpu.memory_space<vmem_shared>>
      tpu.wait_dma2 semaphore(%run_scoped3A : memref<!tpu.dma_semaphore, #tpu.memory_space<semaphore_mem>>) src(%arg9 : memref<80x128xf32, #tpu.memory_space<vmem>>) dst(%dma_wait3A_76 : memref<80x128xf32, #tpu.memory_space<vmem_shared>>)
      tpu.yield
    }) : () -> ()
    %mul3A_25 = arith.constant 640 : i32
    %mul3A_26 = arith.muli %arg1, %mul3A_25 : i32
    %add3A_27 = arith.constant 480 : i32
    %add3A_28 = arith.addi %mul3A_26, %add3A_27 : i32
    "tpu.region"() ({
      %run_scoped3A = tpu.sem_alloc : memref<!tpu.dma_semaphore, #tpu.memory_space<semaphore_mem>>
      %dma_start3A = arith.constant 0 : i32
      %dma_start3A_71 = tpu.memref_slice %arg10[%add3A_28, %dma_start3A] : memref<10240x128xf32, #tpu.memory_space<vmem_shared>> -> memref<80x128xf32, #tpu.memory_space<vmem_shared>>
      %dma_start3A_72 = arith.constant 0 : i32
      %dma_start3A_73 = tpu.memref_slice %arg10[%add3A_28, %dma_start3A_72] : memref<10240x128xf32, #tpu.memory_space<vmem_shared>> -> memref<80x128xf32, #tpu.memory_space<vmem_shared>>
      tpu.enqueue_dma source(%arg9 : memref<80x128xf32, #tpu.memory_space<vmem>>) target(%dma_start3A_73 : memref<80x128xf32, #tpu.memory_space<vmem_shared>>) target_semaphore(%run_scoped3A : memref<!tpu.dma_semaphore, #tpu.memory_space<semaphore_mem>>)
      %dma_wait3A = arith.constant 0 : i32
      %dma_wait3A_74 = tpu.memref_slice %arg10[%add3A_28, %dma_wait3A] : memref<10240x128xf32, #tpu.memory_space<vmem_shared>> -> memref<80x128xf32, #tpu.memory_space<vmem_shared>>
      %dma_wait3A_75 = arith.constant 0 : i32
      %dma_wait3A_76 = tpu.memref_slice %arg10[%add3A_28, %dma_wait3A_75] : memref<10240x128xf32, #tpu.memory_space<vmem_shared>> -> memref<80x128xf32, #tpu.memory_space<vmem_shared>>
      tpu.wait_dma2 semaphore(%run_scoped3A : memref<!tpu.dma_semaphore, #tpu.memory_space<semaphore_mem>>) src(%arg9 : memref<80x128xf32, #tpu.memory_space<vmem>>) dst(%dma_wait3A_76 : memref<80x128xf32, #tpu.memory_space<vmem_shared>>)
      tpu.yield
    }) : () -> ()
    %mul3A_29 = arith.constant 640 : i32
    %mul3A_30 = arith.muli %arg1, %mul3A_29 : i32
    %add3A_31 = arith.constant 560 : i32
    %add3A_32 = arith.addi %mul3A_30, %add3A_31 : i32
    "tpu.region"() ({
      %run_scoped3A = tpu.sem_alloc : memref<!tpu.dma_semaphore, #tpu.memory_space<semaphore_mem>>
      %dma_start3A = arith.constant 0 : i32
      %dma_start3A_71 = tpu.memref_slice %arg10[%add3A_32, %dma_start3A] : memref<10240x128xf32, #tpu.memory_space<vmem_shared>> -> memref<80x128xf32, #tpu.memory_space<vmem_shared>>
      %dma_start3A_72 = arith.constant 0 : i32
      %dma_start3A_73 = tpu.memref_slice %arg10[%add3A_32, %dma_start3A_72] : memref<10240x128xf32, #tpu.memory_space<vmem_shared>> -> memref<80x128xf32, #tpu.memory_space<vmem_shared>>
      tpu.enqueue_dma source(%arg9 : memref<80x128xf32, #tpu.memory_space<vmem>>) target(%dma_start3A_73 : memref<80x128xf32, #tpu.memory_space<vmem_shared>>) target_semaphore(%run_scoped3A : memref<!tpu.dma_semaphore, #tpu.memory_space<semaphore_mem>>)
      %dma_wait3A = arith.constant 0 : i32
      %dma_wait3A_74 = tpu.memref_slice %arg10[%add3A_32, %dma_wait3A] : memref<10240x128xf32, #tpu.memory_space<vmem_shared>> -> memref<80x128xf32, #tpu.memory_space<vmem_shared>>
      %dma_wait3A_75 = arith.constant 0 : i32
      %dma_wait3A_76 = tpu.memref_slice %arg10[%add3A_32, %dma_wait3A_75] : memref<10240x128xf32, #tpu.memory_space<vmem_shared>> -> memref<80x128xf32, #tpu.memory_space<vmem_shared>>
      tpu.wait_dma2 semaphore(%run_scoped3A : memref<!tpu.dma_semaphore, #tpu.memory_space<semaphore_mem>>) src(%arg9 : memref<80x128xf32, #tpu.memory_space<vmem>>) dst(%dma_wait3A_76 : memref<80x128xf32, #tpu.memory_space<vmem_shared>>)
      tpu.yield
    }) : () -> ()
    %barrier3A = arith.constant 0 : index
    tpu.barrier barrier_id(%barrier3A)
    %scan3A = arith.constant 0 : i32
    %scan3A_33 = arith.constant 0 : i32
    %scan3A_34 = arith.constant 5 : i32
    %scan3A_35 = arith.addi %scan3A_33, %scan3A_34 : i32
    %scan3A_36 = arith.constant 1 : i32
    scf.for %scan3A_71 = %scan3A_33 to %scan3A_35 step %scan3A_36  : i32 {
      "tpu.region"() ({
        %run_scoped3A = tpu.sem_alloc : memref<!tpu.dma_semaphore, #tpu.memory_space<semaphore_mem>>
        %dma_start3A = arith.constant 0 : i32
        %dma_start3A_77 = arith.constant 0 : i32
        %dma_start3A_78 = arith.constant 0 : i32
        %dma_start3A_79 = tpu.memref_slice %arg3[%add3A, %dma_start3A, %dma_start3A_77, %dma_start3A_78] : memref<32x5x25x80xi32, #tpu.memory_space<hbm>> -> memref<1x5x25x80xi32, #tpu.memory_space<hbm>>
        %dma_start3A_80 = tpu.memref_squeeze %dma_start3A_79 : memref<1x5x25x80xi32, #tpu.memory_space<hbm>> -> memref<5x25x80xi32, #tpu.memory_space<hbm>>
        %dma_start3A_81 = arith.constant 0 : i32
        %dma_start3A_82 = arith.constant 0 : i32
        %dma_start3A_83 = tpu.memref_slice %dma_start3A_80[%scan3A_71, %dma_start3A_81, %dma_start3A_82] : memref<5x25x80xi32, #tpu.memory_space<hbm>> -> memref<1x25x80xi32, #tpu.memory_space<hbm>>
        %dma_start3A_84 = tpu.memref_squeeze %dma_start3A_83 : memref<1x25x80xi32, #tpu.memory_space<hbm>> -> memref<25x80xi32, #tpu.memory_space<hbm>>
        %dma_start3A_85 = arith.constant 0 : i32
        %dma_start3A_86 = arith.constant 0 : i32
        %dma_start3A_87 = arith.constant 0 : i32
        %dma_start3A_88 = tpu.memref_slice %arg3[%add3A, %dma_start3A_85, %dma_start3A_86, %dma_start3A_87] : memref<32x5x25x80xi32, #tpu.memory_space<hbm>> -> memref<1x5x25x80xi32, #tpu.memory_space<hbm>>
        %dma_start3A_89 = tpu.memref_squeeze %dma_start3A_88 : memref<1x5x25x80xi32, #tpu.memory_space<hbm>> -> memref<5x25x80xi32, #tpu.memory_space<hbm>>
        %dma_start3A_90 = arith.constant 0 : i32
        %dma_start3A_91 = arith.constant 0 : i32
        %dma_start3A_92 = tpu.memref_slice %dma_start3A_89[%scan3A_71, %dma_start3A_90, %dma_start3A_91] : memref<5x25x80xi32, #tpu.memory_space<hbm>> -> memref<1x25x80xi32, #tpu.memory_space<hbm>>
        %dma_start3A_93 = tpu.memref_squeeze %dma_start3A_92 : memref<1x25x80xi32, #tpu.memory_space<hbm>> -> memref<25x80xi32, #tpu.memory_space<hbm>>
        tpu.enqueue_dma source(%dma_start3A_93 : memref<25x80xi32, #tpu.memory_space<hbm>>) target(%arg7 : memref<25x80xi32, #tpu.memory_space<vmem>>) target_semaphore(%run_scoped3A : memref<!tpu.dma_semaphore, #tpu.memory_space<semaphore_mem>>)
        %dma_wait3A = arith.constant 0 : i32
        %dma_wait3A_94 = arith.constant 0 : i32
        %dma_wait3A_95 = arith.constant 0 : i32
        %dma_wait3A_96 = tpu.memref_slice %arg3[%add3A, %dma_wait3A, %dma_wait3A_94, %dma_wait3A_95] : memref<32x5x25x80xi32, #tpu.memory_space<hbm>> -> memref<1x5x25x80xi32, #tpu.memory_space<hbm>>
        %dma_wait3A_97 = tpu.memref_squeeze %dma_wait3A_96 : memref<1x5x25x80xi32, #tpu.memory_space<hbm>> -> memref<5x25x80xi32, #tpu.memory_space<hbm>>
        %dma_wait3A_98 = arith.constant 0 : i32
        %dma_wait3A_99 = arith.constant 0 : i32
        %dma_wait3A_100 = tpu.memref_slice %dma_wait3A_97[%scan3A_71, %dma_wait3A_98, %dma_wait3A_99] : memref<5x25x80xi32, #tpu.memory_space<hbm>> -> memref<1x25x80xi32, #tpu.memory_space<hbm>>
        %dma_wait3A_101 = tpu.memref_squeeze %dma_wait3A_100 : memref<1x25x80xi32, #tpu.memory_space<hbm>> -> memref<25x80xi32, #tpu.memory_space<hbm>>
        %dma_wait3A_102 = arith.constant 0 : i32
        %dma_wait3A_103 = arith.constant 0 : i32
        %dma_wait3A_104 = arith.constant 0 : i32
        %dma_wait3A_105 = tpu.memref_slice %arg3[%add3A, %dma_wait3A_102, %dma_wait3A_103, %dma_wait3A_104] : memref<32x5x25x80xi32, #tpu.memory_space<hbm>> -> memref<1x5x25x80xi32, #tpu.memory_space<hbm>>
        %dma_wait3A_106 = tpu.memref_squeeze %dma_wait3A_105 : memref<1x5x25x80xi32, #tpu.memory_space<hbm>> -> memref<5x25x80xi32, #tpu.memory_space<hbm>>
        %dma_wait3A_107 = arith.constant 0 : i32
        %dma_wait3A_108 = arith.constant 0 : i32
        %dma_wait3A_109 = tpu.memref_slice %dma_wait3A_106[%scan3A_71, %dma_wait3A_107, %dma_wait3A_108] : memref<5x25x80xi32, #tpu.memory_space<hbm>> -> memref<1x25x80xi32, #tpu.memory_space<hbm>>
        %dma_wait3A_110 = tpu.memref_squeeze %dma_wait3A_109 : memref<1x25x80xi32, #tpu.memory_space<hbm>> -> memref<25x80xi32, #tpu.memory_space<hbm>>
        tpu.wait_dma2 semaphore(%run_scoped3A : memref<!tpu.dma_semaphore, #tpu.memory_space<semaphore_mem>>) src(%dma_wait3A_110 : memref<25x80xi32, #tpu.memory_space<hbm>>) dst(%arg7 : memref<25x80xi32, #tpu.memory_space<vmem>>)
        tpu.yield
      }) : () -> ()
      "tpu.region"() ({
        %run_scoped3A = tpu.sem_alloc : memref<!tpu.dma_semaphore, #tpu.memory_space<semaphore_mem>>
        %dma_start3A = arith.constant 0 : i32
        %dma_start3A_77 = arith.constant 0 : i32
        %dma_start3A_78 = arith.constant 0 : i32
        %dma_start3A_79 = tpu.memref_slice %arg4[%add3A, %dma_start3A, %dma_start3A_77, %dma_start3A_78] : memref<32x5x25x80xi32, #tpu.memory_space<hbm>> -> memref<1x5x25x80xi32, #tpu.memory_space<hbm>>
        %dma_start3A_80 = tpu.memref_squeeze %dma_start3A_79 : memref<1x5x25x80xi32, #tpu.memory_space<hbm>> -> memref<5x25x80xi32, #tpu.memory_space<hbm>>
        %dma_start3A_81 = arith.constant 0 : i32
        %dma_start3A_82 = arith.constant 0 : i32
        %dma_start3A_83 = tpu.memref_slice %dma_start3A_80[%scan3A_71, %dma_start3A_81, %dma_start3A_82] : memref<5x25x80xi32, #tpu.memory_space<hbm>> -> memref<1x25x80xi32, #tpu.memory_space<hbm>>
        %dma_start3A_84 = tpu.memref_squeeze %dma_start3A_83 : memref<1x25x80xi32, #tpu.memory_space<hbm>> -> memref<25x80xi32, #tpu.memory_space<hbm>>
        %dma_start3A_85 = arith.constant 0 : i32
        %dma_start3A_86 = arith.constant 0 : i32
        %dma_start3A_87 = arith.constant 0 : i32
        %dma_start3A_88 = tpu.memref_slice %arg4[%add3A, %dma_start3A_85, %dma_start3A_86, %dma_start3A_87] : memref<32x5x25x80xi32, #tpu.memory_space<hbm>> -> memref<1x5x25x80xi32, #tpu.memory_space<hbm>>
        %dma_start3A_89 = tpu.memref_squeeze %dma_start3A_88 : memref<1x5x25x80xi32, #tpu.memory_space<hbm>> -> memref<5x25x80xi32, #tpu.memory_space<hbm>>
        %dma_start3A_90 = arith.constant 0 : i32
        %dma_start3A_91 = arith.constant 0 : i32
        %dma_start3A_92 = tpu.memref_slice %dma_start3A_89[%scan3A_71, %dma_start3A_90, %dma_start3A_91] : memref<5x25x80xi32, #tpu.memory_space<hbm>> -> memref<1x25x80xi32, #tpu.memory_space<hbm>>
        %dma_start3A_93 = tpu.memref_squeeze %dma_start3A_92 : memref<1x25x80xi32, #tpu.memory_space<hbm>> -> memref<25x80xi32, #tpu.memory_space<hbm>>
        tpu.enqueue_dma source(%dma_start3A_93 : memref<25x80xi32, #tpu.memory_space<hbm>>) target(%arg8 : memref<25x80xi32, #tpu.memory_space<vmem>>) target_semaphore(%run_scoped3A : memref<!tpu.dma_semaphore, #tpu.memory_space<semaphore_mem>>)
        %dma_wait3A = arith.constant 0 : i32
        %dma_wait3A_94 = arith.constant 0 : i32
        %dma_wait3A_95 = arith.constant 0 : i32
        %dma_wait3A_96 = tpu.memref_slice %arg4[%add3A, %dma_wait3A, %dma_wait3A_94, %dma_wait3A_95] : memref<32x5x25x80xi32, #tpu.memory_space<hbm>> -> memref<1x5x25x80xi32, #tpu.memory_space<hbm>>
        %dma_wait3A_97 = tpu.memref_squeeze %dma_wait3A_96 : memref<1x5x25x80xi32, #tpu.memory_space<hbm>> -> memref<5x25x80xi32, #tpu.memory_space<hbm>>
        %dma_wait3A_98 = arith.constant 0 : i32
        %dma_wait3A_99 = arith.constant 0 : i32
        %dma_wait3A_100 = tpu.memref_slice %dma_wait3A_97[%scan3A_71, %dma_wait3A_98, %dma_wait3A_99] : memref<5x25x80xi32, #tpu.memory_space<hbm>> -> memref<1x25x80xi32, #tpu.memory_space<hbm>>
        %dma_wait3A_101 = tpu.memref_squeeze %dma_wait3A_100 : memref<1x25x80xi32, #tpu.memory_space<hbm>> -> memref<25x80xi32, #tpu.memory_space<hbm>>
        %dma_wait3A_102 = arith.constant 0 : i32
        %dma_wait3A_103 = arith.constant 0 : i32
        %dma_wait3A_104 = arith.constant 0 : i32
        %dma_wait3A_105 = tpu.memref_slice %arg4[%add3A, %dma_wait3A_102, %dma_wait3A_103, %dma_wait3A_104] : memref<32x5x25x80xi32, #tpu.memory_space<hbm>> -> memref<1x5x25x80xi32, #tpu.memory_space<hbm>>
        %dma_wait3A_106 = tpu.memref_squeeze %dma_wait3A_105 : memref<1x5x25x80xi32, #tpu.memory_space<hbm>> -> memref<5x25x80xi32, #tpu.memory_space<hbm>>
        %dma_wait3A_107 = arith.constant 0 : i32
        %dma_wait3A_108 = arith.constant 0 : i32
        %dma_wait3A_109 = tpu.memref_slice %dma_wait3A_106[%scan3A_71, %dma_wait3A_107, %dma_wait3A_108] : memref<5x25x80xi32, #tpu.memory_space<hbm>> -> memref<1x25x80xi32, #tpu.memory_space<hbm>>
        %dma_wait3A_110 = tpu.memref_squeeze %dma_wait3A_109 : memref<1x25x80xi32, #tpu.memory_space<hbm>> -> memref<25x80xi32, #tpu.memory_space<hbm>>
        tpu.wait_dma2 semaphore(%run_scoped3A : memref<!tpu.dma_semaphore, #tpu.memory_space<semaphore_mem>>) src(%dma_wait3A_110 : memref<25x80xi32, #tpu.memory_space<hbm>>) dst(%arg8 : memref<25x80xi32, #tpu.memory_space<vmem>>)
        tpu.yield
      }) : () -> ()
      %scan3A_72 = arith.constant 0 : i32
      %scan3A_73 = arith.constant 25 : i32
      %scan3A_74 = arith.addi %scan3A_72, %scan3A_73 : i32
      %scan3A_75 = arith.constant 1 : i32
      scf.for %scan3A_77 = %scan3A_72 to %scan3A_74 step %scan3A_75  : i32 {
        %dma_start3A = arith.constant 0 : i32
        %dma_start3A_78 = tpu.memref_slice %arg7[%scan3A_77, %dma_start3A] : memref<25x80xi32, #tpu.memory_space<vmem>> -> memref<1x80xi32, #tpu.memory_space<vmem>>
        %dma_start3A_79 = tpu.memref_squeeze %dma_start3A_78 : memref<1x80xi32, #tpu.memory_space<vmem>> -> memref<80xi32, #tpu.memory_space<vmem>>
        %dma_start3A_80 = arith.constant 0 : i32
        %dma_start3A_81 = arith.constant 0 : i32
        %dma_start3A_82 = tpu.memref_slice %arg2[%dma_start3A_80, %dma_start3A_81] : memref<10000x128xf32, #tpu.memory_space<hbm>> -> memref<10000x128xf32, #tpu.memory_space<hbm>>
        tpu.enqueue_indirect_dma source(%dma_start3A_82 : memref<10000x128xf32, #tpu.memory_space<hbm>>) target(%arg9 : memref<80x128xf32, #tpu.memory_space<vmem>>) offsets(%dma_start3A_79 : memref<80xi32, #tpu.memory_space<vmem>>) semaphore(%arg11 : memref<!tpu.dma_semaphore, #tpu.memory_space<semaphore_mem>>)
        %dma_wait3A = arith.constant 0 : i32
        %dma_wait3A_83 = tpu.memref_slice %arg7[%scan3A_77, %dma_wait3A] : memref<25x80xi32, #tpu.memory_space<vmem>> -> memref<1x80xi32, #tpu.memory_space<vmem>>
        %dma_wait3A_84 = tpu.memref_squeeze %dma_wait3A_83 : memref<1x80xi32, #tpu.memory_space<vmem>> -> memref<80xi32, #tpu.memory_space<vmem>>
        %dma_wait3A_85 = arith.constant 0 : i32
        %dma_wait3A_86 = arith.constant 0 : i32
        %dma_wait3A_87 = tpu.memref_slice %arg2[%dma_wait3A_85, %dma_wait3A_86] : memref<10000x128xf32, #tpu.memory_space<hbm>> -> memref<10000x128xf32, #tpu.memory_space<hbm>>
        tpu.wait_indirect_dma semaphore(%arg11 : memref<!tpu.dma_semaphore, #tpu.memory_space<semaphore_mem>>) src(%dma_wait3A_87 : memref<10000x128xf32, #tpu.memory_space<hbm>>) dst(%arg9 : memref<80x128xf32, #tpu.memory_space<vmem>>)
        "tpu.region"() ({
          %run_scoped3A = tpu.sem_alloc : memref<!tpu.dma_semaphore, #tpu.memory_space<semaphore_mem>>
          %dma_start3A_88 = arith.constant 0 : i32
          %dma_start3A_89 = tpu.memref_slice %arg8[%scan3A_77, %dma_start3A_88] : memref<25x80xi32, #tpu.memory_space<vmem>> -> memref<1x80xi32, #tpu.memory_space<vmem>>
          %dma_start3A_90 = tpu.memref_squeeze %dma_start3A_89 : memref<1x80xi32, #tpu.memory_space<vmem>> -> memref<80xi32, #tpu.memory_space<vmem>>
          %dma_start3A_91 = arith.constant 0 : i32
          %dma_start3A_92 = arith.constant 0 : i32
          %dma_start3A_93 = tpu.memref_slice %arg10[%dma_start3A_91, %dma_start3A_92] : memref<10240x128xf32, #tpu.memory_space<vmem_shared>> -> memref<10240x128xf32, #tpu.memory_space<vmem_shared>>
          tpu.enqueue_indirect_dma source(%arg9 : memref<80x128xf32, #tpu.memory_space<vmem>>) target(%dma_start3A_93 : memref<10240x128xf32, #tpu.memory_space<vmem_shared>>) offsets(%dma_start3A_90 : memref<80xi32, #tpu.memory_space<vmem>>) semaphore(%run_scoped3A : memref<!tpu.dma_semaphore, #tpu.memory_space<semaphore_mem>>) {add = true}
          %dma_wait3A_94 = arith.constant 0 : i32
          %dma_wait3A_95 = tpu.memref_slice %arg8[%scan3A_77, %dma_wait3A_94] : memref<25x80xi32, #tpu.memory_space<vmem>> -> memref<1x80xi32, #tpu.memory_space<vmem>>
          %dma_wait3A_96 = tpu.memref_squeeze %dma_wait3A_95 : memref<1x80xi32, #tpu.memory_space<vmem>> -> memref<80xi32, #tpu.memory_space<vmem>>
          %dma_wait3A_97 = arith.constant 0 : i32
          %dma_wait3A_98 = arith.constant 0 : i32
          %dma_wait3A_99 = tpu.memref_slice %arg10[%dma_wait3A_97, %dma_wait3A_98] : memref<10240x128xf32, #tpu.memory_space<vmem_shared>> -> memref<10240x128xf32, #tpu.memory_space<vmem_shared>>
          tpu.wait_indirect_dma semaphore(%run_scoped3A : memref<!tpu.dma_semaphore, #tpu.memory_space<semaphore_mem>>) src(%arg9 : memref<80x128xf32, #tpu.memory_space<vmem>>) dst(%dma_wait3A_99 : memref<10240x128xf32, #tpu.memory_space<vmem_shared>>)
          tpu.yield
        }) : () -> ()
      }
      %scan3A_76 = arith.constant 25 : i32
    }
    %scan3A_37 = arith.constant 5 : i32
    %barrier3A_38 = arith.constant 0 : index
    tpu.barrier barrier_id(%barrier3A_38)
    %mul3A_39 = arith.constant 640 : i32
    %mul3A_40 = arith.muli %arg1, %mul3A_39 : i32
    %add3A_41 = arith.constant 0 : i32
    %add3A_42 = arith.addi %mul3A_40, %add3A_41 : i32
    "tpu.region"() ({
      %run_scoped3A = tpu.sem_alloc : memref<!tpu.dma_semaphore, #tpu.memory_space<semaphore_mem>>
      %dma_start3A = arith.constant 0 : i32
      %dma_start3A_71 = tpu.memref_slice %arg10[%add3A_42, %dma_start3A] : memref<10240x128xf32, #tpu.memory_space<vmem_shared>> -> memref<80x128xf32, #tpu.memory_space<vmem_shared>>
      %dma_start3A_72 = arith.constant 0 : i32
      %dma_start3A_73 = tpu.memref_slice %arg10[%add3A_42, %dma_start3A_72] : memref<10240x128xf32, #tpu.memory_space<vmem_shared>> -> memref<80x128xf32, #tpu.memory_space<vmem_shared>>
      tpu.enqueue_dma source(%dma_start3A_73 : memref<80x128xf32, #tpu.memory_space<vmem_shared>>) target(%arg9 : memref<80x128xf32, #tpu.memory_space<vmem>>) target_semaphore(%run_scoped3A : memref<!tpu.dma_semaphore, #tpu.memory_space<semaphore_mem>>)
      %dma_wait3A = arith.constant 0 : i32
      %dma_wait3A_74 = tpu.memref_slice %arg10[%add3A_42, %dma_wait3A] : memref<10240x128xf32, #tpu.memory_space<vmem_shared>> -> memref<80x128xf32, #tpu.memory_space<vmem_shared>>
      %dma_wait3A_75 = arith.constant 0 : i32
      %dma_wait3A_76 = tpu.memref_slice %arg10[%add3A_42, %dma_wait3A_75] : memref<10240x128xf32, #tpu.memory_space<vmem_shared>> -> memref<80x128xf32, #tpu.memory_space<vmem_shared>>
      tpu.wait_dma2 semaphore(%run_scoped3A : memref<!tpu.dma_semaphore, #tpu.memory_space<semaphore_mem>>) src(%dma_wait3A_76 : memref<80x128xf32, #tpu.memory_space<vmem_shared>>) dst(%arg9 : memref<80x128xf32, #tpu.memory_space<vmem>>)
      tpu.yield
    }) : () -> ()
    "tpu.region"() ({
      %run_scoped3A = tpu.sem_alloc : memref<!tpu.dma_semaphore, #tpu.memory_space<semaphore_mem>>
      %dma_start3A = arith.constant 0 : i32
      %dma_start3A_71 = arith.constant 0 : i32
      %dma_start3A_72 = tpu.memref_slice %arg6[%arg0, %dma_start3A, %dma_start3A_71] : memref<2x10240x128xf32, #tpu.memory_space<hbm>> -> memref<1x10240x128xf32, #tpu.memory_space<hbm>>
      %dma_start3A_73 = tpu.memref_squeeze %dma_start3A_72 : memref<1x10240x128xf32, #tpu.memory_space<hbm>> -> memref<10240x128xf32, #tpu.memory_space<hbm>>
      %dma_start3A_74 = arith.constant 0 : i32
      %dma_start3A_75 = tpu.memref_slice %dma_start3A_73[%add3A_42, %dma_start3A_74] : memref<10240x128xf32, #tpu.memory_space<hbm>> -> memref<80x128xf32, #tpu.memory_space<hbm>>
      %dma_start3A_76 = arith.constant 0 : i32
      %dma_start3A_77 = arith.constant 0 : i32
      %dma_start3A_78 = tpu.memref_slice %arg6[%arg0, %dma_start3A_76, %dma_start3A_77] : memref<2x10240x128xf32, #tpu.memory_space<hbm>> -> memref<1x10240x128xf32, #tpu.memory_space<hbm>>
      %dma_start3A_79 = tpu.memref_squeeze %dma_start3A_78 : memref<1x10240x128xf32, #tpu.memory_space<hbm>> -> memref<10240x128xf32, #tpu.memory_space<hbm>>
      %dma_start3A_80 = arith.constant 0 : i32
      %dma_start3A_81 = tpu.memref_slice %dma_start3A_79[%add3A_42, %dma_start3A_80] : memref<10240x128xf32, #tpu.memory_space<hbm>> -> memref<80x128xf32, #tpu.memory_space<hbm>>
      tpu.enqueue_dma source(%arg9 : memref<80x128xf32, #tpu.memory_space<vmem>>) target(%dma_start3A_81 : memref<80x128xf32, #tpu.memory_space<hbm>>) target_semaphore(%run_scoped3A : memref<!tpu.dma_semaphore, #tpu.memory_space<semaphore_mem>>)
      %dma_wait3A = arith.constant 0 : i32
      %dma_wait3A_82 = arith.constant 0 : i32
      %dma_wait3A_83 = tpu.memref_slice %arg6[%arg0, %dma_wait3A, %dma_wait3A_82] : memref<2x10240x128xf32, #tpu.memory_space<hbm>> -> memref<1x10240x128xf32, #tpu.memory_space<hbm>>
      %dma_wait3A_84 = tpu.memref_squeeze %dma_wait3A_83 : memref<1x10240x128xf32, #tpu.memory_space<hbm>> -> memref<10240x128xf32, #tpu.memory_space<hbm>>
      %dma_wait3A_85 = arith.constant 0 : i32
      %dma_wait3A_86 = tpu.memref_slice %dma_wait3A_84[%add3A_42, %dma_wait3A_85] : memref<10240x128xf32, #tpu.memory_space<hbm>> -> memref<80x128xf32, #tpu.memory_space<hbm>>
      %dma_wait3A_87 = arith.constant 0 : i32
      %dma_wait3A_88 = arith.constant 0 : i32
      %dma_wait3A_89 = tpu.memref_slice %arg6[%arg0, %dma_wait3A_87, %dma_wait3A_88] : memref<2x10240x128xf32, #tpu.memory_space<hbm>> -> memref<1x10240x128xf32, #tpu.memory_space<hbm>>
      %dma_wait3A_90 = tpu.memref_squeeze %dma_wait3A_89 : memref<1x10240x128xf32, #tpu.memory_space<hbm>> -> memref<10240x128xf32, #tpu.memory_space<hbm>>
      %dma_wait3A_91 = arith.constant 0 : i32
      %dma_wait3A_92 = tpu.memref_slice %dma_wait3A_90[%add3A_42, %dma_wait3A_91] : memref<10240x128xf32, #tpu.memory_space<hbm>> -> memref<80x128xf32, #tpu.memory_space<hbm>>
      tpu.wait_dma2 semaphore(%run_scoped3A : memref<!tpu.dma_semaphore, #tpu.memory_space<semaphore_mem>>) src(%arg9 : memref<80x128xf32, #tpu.memory_space<vmem>>) dst(%dma_wait3A_92 : memref<80x128xf32, #tpu.memory_space<hbm>>)
      tpu.yield
    }) : () -> ()
    %mul3A_43 = arith.constant 640 : i32
    %mul3A_44 = arith.muli %arg1, %mul3A_43 : i32
    %add3A_45 = arith.constant 80 : i32
    %add3A_46 = arith.addi %mul3A_44, %add3A_45 : i32
    "tpu.region"() ({
      %run_scoped3A = tpu.sem_alloc : memref<!tpu.dma_semaphore, #tpu.memory_space<semaphore_mem>>
      %dma_start3A = arith.constant 0 : i32
      %dma_start3A_71 = tpu.memref_slice %arg10[%add3A_46, %dma_start3A] : memref<10240x128xf32, #tpu.memory_space<vmem_shared>> -> memref<80x128xf32, #tpu.memory_space<vmem_shared>>
      %dma_start3A_72 = arith.constant 0 : i32
      %dma_start3A_73 = tpu.memref_slice %arg10[%add3A_46, %dma_start3A_72] : memref<10240x128xf32, #tpu.memory_space<vmem_shared>> -> memref<80x128xf32, #tpu.memory_space<vmem_shared>>
      tpu.enqueue_dma source(%dma_start3A_73 : memref<80x128xf32, #tpu.memory_space<vmem_shared>>) target(%arg9 : memref<80x128xf32, #tpu.memory_space<vmem>>) target_semaphore(%run_scoped3A : memref<!tpu.dma_semaphore, #tpu.memory_space<semaphore_mem>>)
      %dma_wait3A = arith.constant 0 : i32
      %dma_wait3A_74 = tpu.memref_slice %arg10[%add3A_46, %dma_wait3A] : memref<10240x128xf32, #tpu.memory_space<vmem_shared>> -> memref<80x128xf32, #tpu.memory_space<vmem_shared>>
      %dma_wait3A_75 = arith.constant 0 : i32
      %dma_wait3A_76 = tpu.memref_slice %arg10[%add3A_46, %dma_wait3A_75] : memref<10240x128xf32, #tpu.memory_space<vmem_shared>> -> memref<80x128xf32, #tpu.memory_space<vmem_shared>>
      tpu.wait_dma2 semaphore(%run_scoped3A : memref<!tpu.dma_semaphore, #tpu.memory_space<semaphore_mem>>) src(%dma_wait3A_76 : memref<80x128xf32, #tpu.memory_space<vmem_shared>>) dst(%arg9 : memref<80x128xf32, #tpu.memory_space<vmem>>)
      tpu.yield
    }) : () -> ()
    "tpu.region"() ({
      %run_scoped3A = tpu.sem_alloc : memref<!tpu.dma_semaphore, #tpu.memory_space<semaphore_mem>>
      %dma_start3A = arith.constant 0 : i32
      %dma_start3A_71 = arith.constant 0 : i32
      %dma_start3A_72 = tpu.memref_slice %arg6[%arg0, %dma_start3A, %dma_start3A_71] : memref<2x10240x128xf32, #tpu.memory_space<hbm>> -> memref<1x10240x128xf32, #tpu.memory_space<hbm>>
      %dma_start3A_73 = tpu.memref_squeeze %dma_start3A_72 : memref<1x10240x128xf32, #tpu.memory_space<hbm>> -> memref<10240x128xf32, #tpu.memory_space<hbm>>
      %dma_start3A_74 = arith.constant 0 : i32
      %dma_start3A_75 = tpu.memref_slice %dma_start3A_73[%add3A_46, %dma_start3A_74] : memref<10240x128xf32, #tpu.memory_space<hbm>> -> memref<80x128xf32, #tpu.memory_space<hbm>>
      %dma_start3A_76 = arith.constant 0 : i32
      %dma_start3A_77 = arith.constant 0 : i32
      %dma_start3A_78 = tpu.memref_slice %arg6[%arg0, %dma_start3A_76, %dma_start3A_77] : memref<2x10240x128xf32, #tpu.memory_space<hbm>> -> memref<1x10240x128xf32, #tpu.memory_space<hbm>>
      %dma_start3A_79 = tpu.memref_squeeze %dma_start3A_78 : memref<1x10240x128xf32, #tpu.memory_space<hbm>> -> memref<10240x128xf32, #tpu.memory_space<hbm>>
      %dma_start3A_80 = arith.constant 0 : i32
      %dma_start3A_81 = tpu.memref_slice %dma_start3A_79[%add3A_46, %dma_start3A_80] : memref<10240x128xf32, #tpu.memory_space<hbm>> -> memref<80x128xf32, #tpu.memory_space<hbm>>
      tpu.enqueue_dma source(%arg9 : memref<80x128xf32, #tpu.memory_space<vmem>>) target(%dma_start3A_81 : memref<80x128xf32, #tpu.memory_space<hbm>>) target_semaphore(%run_scoped3A : memref<!tpu.dma_semaphore, #tpu.memory_space<semaphore_mem>>)
      %dma_wait3A = arith.constant 0 : i32
      %dma_wait3A_82 = arith.constant 0 : i32
      %dma_wait3A_83 = tpu.memref_slice %arg6[%arg0, %dma_wait3A, %dma_wait3A_82] : memref<2x10240x128xf32, #tpu.memory_space<hbm>> -> memref<1x10240x128xf32, #tpu.memory_space<hbm>>
      %dma_wait3A_84 = tpu.memref_squeeze %dma_wait3A_83 : memref<1x10240x128xf32, #tpu.memory_space<hbm>> -> memref<10240x128xf32, #tpu.memory_space<hbm>>
      %dma_wait3A_85 = arith.constant 0 : i32
      %dma_wait3A_86 = tpu.memref_slice %dma_wait3A_84[%add3A_46, %dma_wait3A_85] : memref<10240x128xf32, #tpu.memory_space<hbm>> -> memref<80x128xf32, #tpu.memory_space<hbm>>
      %dma_wait3A_87 = arith.constant 0 : i32
      %dma_wait3A_88 = arith.constant 0 : i32
      %dma_wait3A_89 = tpu.memref_slice %arg6[%arg0, %dma_wait3A_87, %dma_wait3A_88] : memref<2x10240x128xf32, #tpu.memory_space<hbm>> -> memref<1x10240x128xf32, #tpu.memory_space<hbm>>
      %dma_wait3A_90 = tpu.memref_squeeze %dma_wait3A_89 : memref<1x10240x128xf32, #tpu.memory_space<hbm>> -> memref<10240x128xf32, #tpu.memory_space<hbm>>
      %dma_wait3A_91 = arith.constant 0 : i32
      %dma_wait3A_92 = tpu.memref_slice %dma_wait3A_90[%add3A_46, %dma_wait3A_91] : memref<10240x128xf32, #tpu.memory_space<hbm>> -> memref<80x128xf32, #tpu.memory_space<hbm>>
      tpu.wait_dma2 semaphore(%run_scoped3A : memref<!tpu.dma_semaphore, #tpu.memory_space<semaphore_mem>>) src(%arg9 : memref<80x128xf32, #tpu.memory_space<vmem>>) dst(%dma_wait3A_92 : memref<80x128xf32, #tpu.memory_space<hbm>>)
      tpu.yield
    }) : () -> ()
    %mul3A_47 = arith.constant 640 : i32
    %mul3A_48 = arith.muli %arg1, %mul3A_47 : i32
    %add3A_49 = arith.constant 160 : i32
    %add3A_50 = arith.addi %mul3A_48, %add3A_49 : i32
    "tpu.region"() ({
      %run_scoped3A = tpu.sem_alloc : memref<!tpu.dma_semaphore, #tpu.memory_space<semaphore_mem>>
      %dma_start3A = arith.constant 0 : i32
      %dma_start3A_71 = tpu.memref_slice %arg10[%add3A_50, %dma_start3A] : memref<10240x128xf32, #tpu.memory_space<vmem_shared>> -> memref<80x128xf32, #tpu.memory_space<vmem_shared>>
      %dma_start3A_72 = arith.constant 0 : i32
      %dma_start3A_73 = tpu.memref_slice %arg10[%add3A_50, %dma_start3A_72] : memref<10240x128xf32, #tpu.memory_space<vmem_shared>> -> memref<80x128xf32, #tpu.memory_space<vmem_shared>>
      tpu.enqueue_dma source(%dma_start3A_73 : memref<80x128xf32, #tpu.memory_space<vmem_shared>>) target(%arg9 : memref<80x128xf32, #tpu.memory_space<vmem>>) target_semaphore(%run_scoped3A : memref<!tpu.dma_semaphore, #tpu.memory_space<semaphore_mem>>)
      %dma_wait3A = arith.constant 0 : i32
      %dma_wait3A_74 = tpu.memref_slice %arg10[%add3A_50, %dma_wait3A] : memref<10240x128xf32, #tpu.memory_space<vmem_shared>> -> memref<80x128xf32, #tpu.memory_space<vmem_shared>>
      %dma_wait3A_75 = arith.constant 0 : i32
      %dma_wait3A_76 = tpu.memref_slice %arg10[%add3A_50, %dma_wait3A_75] : memref<10240x128xf32, #tpu.memory_space<vmem_shared>> -> memref<80x128xf32, #tpu.memory_space<vmem_shared>>
      tpu.wait_dma2 semaphore(%run_scoped3A : memref<!tpu.dma_semaphore, #tpu.memory_space<semaphore_mem>>) src(%dma_wait3A_76 : memref<80x128xf32, #tpu.memory_space<vmem_shared>>) dst(%arg9 : memref<80x128xf32, #tpu.memory_space<vmem>>)
      tpu.yield
    }) : () -> ()
    "tpu.region"() ({
      %run_scoped3A = tpu.sem_alloc : memref<!tpu.dma_semaphore, #tpu.memory_space<semaphore_mem>>
      %dma_start3A = arith.constant 0 : i32
      %dma_start3A_71 = arith.constant 0 : i32
      %dma_start3A_72 = tpu.memref_slice %arg6[%arg0, %dma_start3A, %dma_start3A_71] : memref<2x10240x128xf32, #tpu.memory_space<hbm>> -> memref<1x10240x128xf32, #tpu.memory_space<hbm>>
      %dma_start3A_73 = tpu.memref_squeeze %dma_start3A_72 : memref<1x10240x128xf32, #tpu.memory_space<hbm>> -> memref<10240x128xf32, #tpu.memory_space<hbm>>
      %dma_start3A_74 = arith.constant 0 : i32
      %dma_start3A_75 = tpu.memref_slice %dma_start3A_73[%add3A_50, %dma_start3A_74] : memref<10240x128xf32, #tpu.memory_space<hbm>> -> memref<80x128xf32, #tpu.memory_space<hbm>>
      %dma_start3A_76 = arith.constant 0 : i32
      %dma_start3A_77 = arith.constant 0 : i32
      %dma_start3A_78 = tpu.memref_slice %arg6[%arg0, %dma_start3A_76, %dma_start3A_77] : memref<2x10240x128xf32, #tpu.memory_space<hbm>> -> memref<1x10240x128xf32, #tpu.memory_space<hbm>>
      %dma_start3A_79 = tpu.memref_squeeze %dma_start3A_78 : memref<1x10240x128xf32, #tpu.memory_space<hbm>> -> memref<10240x128xf32, #tpu.memory_space<hbm>>
      %dma_start3A_80 = arith.constant 0 : i32
      %dma_start3A_81 = tpu.memref_slice %dma_start3A_79[%add3A_50, %dma_start3A_80] : memref<10240x128xf32, #tpu.memory_space<hbm>> -> memref<80x128xf32, #tpu.memory_space<hbm>>
      tpu.enqueue_dma source(%arg9 : memref<80x128xf32, #tpu.memory_space<vmem>>) target(%dma_start3A_81 : memref<80x128xf32, #tpu.memory_space<hbm>>) target_semaphore(%run_scoped3A : memref<!tpu.dma_semaphore, #tpu.memory_space<semaphore_mem>>)
      %dma_wait3A = arith.constant 0 : i32
      %dma_wait3A_82 = arith.constant 0 : i32
      %dma_wait3A_83 = tpu.memref_slice %arg6[%arg0, %dma_wait3A, %dma_wait3A_82] : memref<2x10240x128xf32, #tpu.memory_space<hbm>> -> memref<1x10240x128xf32, #tpu.memory_space<hbm>>
      %dma_wait3A_84 = tpu.memref_squeeze %dma_wait3A_83 : memref<1x10240x128xf32, #tpu.memory_space<hbm>> -> memref<10240x128xf32, #tpu.memory_space<hbm>>
      %dma_wait3A_85 = arith.constant 0 : i32
      %dma_wait3A_86 = tpu.memref_slice %dma_wait3A_84[%add3A_50, %dma_wait3A_85] : memref<10240x128xf32, #tpu.memory_space<hbm>> -> memref<80x128xf32, #tpu.memory_space<hbm>>
      %dma_wait3A_87 = arith.constant 0 : i32
      %dma_wait3A_88 = arith.constant 0 : i32
      %dma_wait3A_89 = tpu.memref_slice %arg6[%arg0, %dma_wait3A_87, %dma_wait3A_88] : memref<2x10240x128xf32, #tpu.memory_space<hbm>> -> memref<1x10240x128xf32, #tpu.memory_space<hbm>>
      %dma_wait3A_90 = tpu.memref_squeeze %dma_wait3A_89 : memref<1x10240x128xf32, #tpu.memory_space<hbm>> -> memref<10240x128xf32, #tpu.memory_space<hbm>>
      %dma_wait3A_91 = arith.constant 0 : i32
      %dma_wait3A_92 = tpu.memref_slice %dma_wait3A_90[%add3A_50, %dma_wait3A_91] : memref<10240x128xf32, #tpu.memory_space<hbm>> -> memref<80x128xf32, #tpu.memory_space<hbm>>
      tpu.wait_dma2 semaphore(%run_scoped3A : memref<!tpu.dma_semaphore, #tpu.memory_space<semaphore_mem>>) src(%arg9 : memref<80x128xf32, #tpu.memory_space<vmem>>) dst(%dma_wait3A_92 : memref<80x128xf32, #tpu.memory_space<hbm>>)
      tpu.yield
    }) : () -> ()
    %mul3A_51 = arith.constant 640 : i32
    %mul3A_52 = arith.muli %arg1, %mul3A_51 : i32
    %add3A_53 = arith.constant 240 : i32
    %add3A_54 = arith.addi %mul3A_52, %add3A_53 : i32
    "tpu.region"() ({
      %run_scoped3A = tpu.sem_alloc : memref<!tpu.dma_semaphore, #tpu.memory_space<semaphore_mem>>
      %dma_start3A = arith.constant 0 : i32
      %dma_start3A_71 = tpu.memref_slice %arg10[%add3A_54, %dma_start3A] : memref<10240x128xf32, #tpu.memory_space<vmem_shared>> -> memref<80x128xf32, #tpu.memory_space<vmem_shared>>
      %dma_start3A_72 = arith.constant 0 : i32
      %dma_start3A_73 = tpu.memref_slice %arg10[%add3A_54, %dma_start3A_72] : memref<10240x128xf32, #tpu.memory_space<vmem_shared>> -> memref<80x128xf32, #tpu.memory_space<vmem_shared>>
      tpu.enqueue_dma source(%dma_start3A_73 : memref<80x128xf32, #tpu.memory_space<vmem_shared>>) target(%arg9 : memref<80x128xf32, #tpu.memory_space<vmem>>) target_semaphore(%run_scoped3A : memref<!tpu.dma_semaphore, #tpu.memory_space<semaphore_mem>>)
      %dma_wait3A = arith.constant 0 : i32
      %dma_wait3A_74 = tpu.memref_slice %arg10[%add3A_54, %dma_wait3A] : memref<10240x128xf32, #tpu.memory_space<vmem_shared>> -> memref<80x128xf32, #tpu.memory_space<vmem_shared>>
      %dma_wait3A_75 = arith.constant 0 : i32
      %dma_wait3A_76 = tpu.memref_slice %arg10[%add3A_54, %dma_wait3A_75] : memref<10240x128xf32, #tpu.memory_space<vmem_shared>> -> memref<80x128xf32, #tpu.memory_space<vmem_shared>>
      tpu.wait_dma2 semaphore(%run_scoped3A : memref<!tpu.dma_semaphore, #tpu.memory_space<semaphore_mem>>) src(%dma_wait3A_76 : memref<80x128xf32, #tpu.memory_space<vmem_shared>>) dst(%arg9 : memref<80x128xf32, #tpu.memory_space<vmem>>)
      tpu.yield
    }) : () -> ()
    "tpu.region"() ({
      %run_scoped3A = tpu.sem_alloc : memref<!tpu.dma_semaphore, #tpu.memory_space<semaphore_mem>>
      %dma_start3A = arith.constant 0 : i32
      %dma_start3A_71 = arith.constant 0 : i32
      %dma_start3A_72 = tpu.memref_slice %arg6[%arg0, %dma_start3A, %dma_start3A_71] : memref<2x10240x128xf32, #tpu.memory_space<hbm>> -> memref<1x10240x128xf32, #tpu.memory_space<hbm>>
      %dma_start3A_73 = tpu.memref_squeeze %dma_start3A_72 : memref<1x10240x128xf32, #tpu.memory_space<hbm>> -> memref<10240x128xf32, #tpu.memory_space<hbm>>
      %dma_start3A_74 = arith.constant 0 : i32
      %dma_start3A_75 = tpu.memref_slice %dma_start3A_73[%add3A_54, %dma_start3A_74] : memref<10240x128xf32, #tpu.memory_space<hbm>> -> memref<80x128xf32, #tpu.memory_space<hbm>>
      %dma_start3A_76 = arith.constant 0 : i32
      %dma_start3A_77 = arith.constant 0 : i32
      %dma_start3A_78 = tpu.memref_slice %arg6[%arg0, %dma_start3A_76, %dma_start3A_77] : memref<2x10240x128xf32, #tpu.memory_space<hbm>> -> memref<1x10240x128xf32, #tpu.memory_space<hbm>>
      %dma_start3A_79 = tpu.memref_squeeze %dma_start3A_78 : memref<1x10240x128xf32, #tpu.memory_space<hbm>> -> memref<10240x128xf32, #tpu.memory_space<hbm>>
      %dma_start3A_80 = arith.constant 0 : i32
      %dma_start3A_81 = tpu.memref_slice %dma_start3A_79[%add3A_54, %dma_start3A_80] : memref<10240x128xf32, #tpu.memory_space<hbm>> -> memref<80x128xf32, #tpu.memory_space<hbm>>
      tpu.enqueue_dma source(%arg9 : memref<80x128xf32, #tpu.memory_space<vmem>>) target(%dma_start3A_81 : memref<80x128xf32, #tpu.memory_space<hbm>>) target_semaphore(%run_scoped3A : memref<!tpu.dma_semaphore, #tpu.memory_space<semaphore_mem>>)
      %dma_wait3A = arith.constant 0 : i32
      %dma_wait3A_82 = arith.constant 0 : i32
      %dma_wait3A_83 = tpu.memref_slice %arg6[%arg0, %dma_wait3A, %dma_wait3A_82] : memref<2x10240x128xf32, #tpu.memory_space<hbm>> -> memref<1x10240x128xf32, #tpu.memory_space<hbm>>
      %dma_wait3A_84 = tpu.memref_squeeze %dma_wait3A_83 : memref<1x10240x128xf32, #tpu.memory_space<hbm>> -> memref<10240x128xf32, #tpu.memory_space<hbm>>
      %dma_wait3A_85 = arith.constant 0 : i32
      %dma_wait3A_86 = tpu.memref_slice %dma_wait3A_84[%add3A_54, %dma_wait3A_85] : memref<10240x128xf32, #tpu.memory_space<hbm>> -> memref<80x128xf32, #tpu.memory_space<hbm>>
      %dma_wait3A_87 = arith.constant 0 : i32
      %dma_wait3A_88 = arith.constant 0 : i32
      %dma_wait3A_89 = tpu.memref_slice %arg6[%arg0, %dma_wait3A_87, %dma_wait3A_88] : memref<2x10240x128xf32, #tpu.memory_space<hbm>> -> memref<1x10240x128xf32, #tpu.memory_space<hbm>>
      %dma_wait3A_90 = tpu.memref_squeeze %dma_wait3A_89 : memref<1x10240x128xf32, #tpu.memory_space<hbm>> -> memref<10240x128xf32, #tpu.memory_space<hbm>>
      %dma_wait3A_91 = arith.constant 0 : i32
      %dma_wait3A_92 = tpu.memref_slice %dma_wait3A_90[%add3A_54, %dma_wait3A_91] : memref<10240x128xf32, #tpu.memory_space<hbm>> -> memref<80x128xf32, #tpu.memory_space<hbm>>
      tpu.wait_dma2 semaphore(%run_scoped3A : memref<!tpu.dma_semaphore, #tpu.memory_space<semaphore_mem>>) src(%arg9 : memref<80x128xf32, #tpu.memory_space<vmem>>) dst(%dma_wait3A_92 : memref<80x128xf32, #tpu.memory_space<hbm>>)
      tpu.yield
    }) : () -> ()
    %mul3A_55 = arith.constant 640 : i32
    %mul3A_56 = arith.muli %arg1, %mul3A_55 : i32
    %add3A_57 = arith.constant 320 : i32
    %add3A_58 = arith.addi %mul3A_56, %add3A_57 : i32
    "tpu.region"() ({
      %run_scoped3A = tpu.sem_alloc : memref<!tpu.dma_semaphore, #tpu.memory_space<semaphore_mem>>
      %dma_start3A = arith.constant 0 : i32
      %dma_start3A_71 = tpu.memref_slice %arg10[%add3A_58, %dma_start3A] : memref<10240x128xf32, #tpu.memory_space<vmem_shared>> -> memref<80x128xf32, #tpu.memory_space<vmem_shared>>
      %dma_start3A_72 = arith.constant 0 : i32
      %dma_start3A_73 = tpu.memref_slice %arg10[%add3A_58, %dma_start3A_72] : memref<10240x128xf32, #tpu.memory_space<vmem_shared>> -> memref<80x128xf32, #tpu.memory_space<vmem_shared>>
      tpu.enqueue_dma source(%dma_start3A_73 : memref<80x128xf32, #tpu.memory_space<vmem_shared>>) target(%arg9 : memref<80x128xf32, #tpu.memory_space<vmem>>) target_semaphore(%run_scoped3A : memref<!tpu.dma_semaphore, #tpu.memory_space<semaphore_mem>>)
      %dma_wait3A = arith.constant 0 : i32
      %dma_wait3A_74 = tpu.memref_slice %arg10[%add3A_58, %dma_wait3A] : memref<10240x128xf32, #tpu.memory_space<vmem_shared>> -> memref<80x128xf32, #tpu.memory_space<vmem_shared>>
      %dma_wait3A_75 = arith.constant 0 : i32
      %dma_wait3A_76 = tpu.memref_slice %arg10[%add3A_58, %dma_wait3A_75] : memref<10240x128xf32, #tpu.memory_space<vmem_shared>> -> memref<80x128xf32, #tpu.memory_space<vmem_shared>>
      tpu.wait_dma2 semaphore(%run_scoped3A : memref<!tpu.dma_semaphore, #tpu.memory_space<semaphore_mem>>) src(%dma_wait3A_76 : memref<80x128xf32, #tpu.memory_space<vmem_shared>>) dst(%arg9 : memref<80x128xf32, #tpu.memory_space<vmem>>)
      tpu.yield
    }) : () -> ()
    "tpu.region"() ({
      %run_scoped3A = tpu.sem_alloc : memref<!tpu.dma_semaphore, #tpu.memory_space<semaphore_mem>>
      %dma_start3A = arith.constant 0 : i32
      %dma_start3A_71 = arith.constant 0 : i32
      %dma_start3A_72 = tpu.memref_slice %arg6[%arg0, %dma_start3A, %dma_start3A_71] : memref<2x10240x128xf32, #tpu.memory_space<hbm>> -> memref<1x10240x128xf32, #tpu.memory_space<hbm>>
      %dma_start3A_73 = tpu.memref_squeeze %dma_start3A_72 : memref<1x10240x128xf32, #tpu.memory_space<hbm>> -> memref<10240x128xf32, #tpu.memory_space<hbm>>
      %dma_start3A_74 = arith.constant 0 : i32
      %dma_start3A_75 = tpu.memref_slice %dma_start3A_73[%add3A_58, %dma_start3A_74] : memref<10240x128xf32, #tpu.memory_space<hbm>> -> memref<80x128xf32, #tpu.memory_space<hbm>>
      %dma_start3A_76 = arith.constant 0 : i32
      %dma_start3A_77 = arith.constant 0 : i32
      %dma_start3A_78 = tpu.memref_slice %arg6[%arg0, %dma_start3A_76, %dma_start3A_77] : memref<2x10240x128xf32, #tpu.memory_space<hbm>> -> memref<1x10240x128xf32, #tpu.memory_space<hbm>>
      %dma_start3A_79 = tpu.memref_squeeze %dma_start3A_78 : memref<1x10240x128xf32, #tpu.memory_space<hbm>> -> memref<10240x128xf32, #tpu.memory_space<hbm>>
      %dma_start3A_80 = arith.constant 0 : i32
      %dma_start3A_81 = tpu.memref_slice %dma_start3A_79[%add3A_58, %dma_start3A_80] : memref<10240x128xf32, #tpu.memory_space<hbm>> -> memref<80x128xf32, #tpu.memory_space<hbm>>
      tpu.enqueue_dma source(%arg9 : memref<80x128xf32, #tpu.memory_space<vmem>>) target(%dma_start3A_81 : memref<80x128xf32, #tpu.memory_space<hbm>>) target_semaphore(%run_scoped3A : memref<!tpu.dma_semaphore, #tpu.memory_space<semaphore_mem>>)
      %dma_wait3A = arith.constant 0 : i32
      %dma_wait3A_82 = arith.constant 0 : i32
      %dma_wait3A_83 = tpu.memref_slice %arg6[%arg0, %dma_wait3A, %dma_wait3A_82] : memref<2x10240x128xf32, #tpu.memory_space<hbm>> -> memref<1x10240x128xf32, #tpu.memory_space<hbm>>
      %dma_wait3A_84 = tpu.memref_squeeze %dma_wait3A_83 : memref<1x10240x128xf32, #tpu.memory_space<hbm>> -> memref<10240x128xf32, #tpu.memory_space<hbm>>
      %dma_wait3A_85 = arith.constant 0 : i32
      %dma_wait3A_86 = tpu.memref_slice %dma_wait3A_84[%add3A_58, %dma_wait3A_85] : memref<10240x128xf32, #tpu.memory_space<hbm>> -> memref<80x128xf32, #tpu.memory_space<hbm>>
      %dma_wait3A_87 = arith.constant 0 : i32
      %dma_wait3A_88 = arith.constant 0 : i32
      %dma_wait3A_89 = tpu.memref_slice %arg6[%arg0, %dma_wait3A_87, %dma_wait3A_88] : memref<2x10240x128xf32, #tpu.memory_space<hbm>> -> memref<1x10240x128xf32, #tpu.memory_space<hbm>>
      %dma_wait3A_90 = tpu.memref_squeeze %dma_wait3A_89 : memref<1x10240x128xf32, #tpu.memory_space<hbm>> -> memref<10240x128xf32, #tpu.memory_space<hbm>>
      %dma_wait3A_91 = arith.constant 0 : i32
      %dma_wait3A_92 = tpu.memref_slice %dma_wait3A_90[%add3A_58, %dma_wait3A_91] : memref<10240x128xf32, #tpu.memory_space<hbm>> -> memref<80x128xf32, #tpu.memory_space<hbm>>
      tpu.wait_dma2 semaphore(%run_scoped3A : memref<!tpu.dma_semaphore, #tpu.memory_space<semaphore_mem>>) src(%arg9 : memref<80x128xf32, #tpu.memory_space<vmem>>) dst(%dma_wait3A_92 : memref<80x128xf32, #tpu.memory_space<hbm>>)
      tpu.yield
    }) : () -> ()
    %mul3A_59 = arith.constant 640 : i32
    %mul3A_60 = arith.muli %arg1, %mul3A_59 : i32
    %add3A_61 = arith.constant 400 : i32
    %add3A_62 = arith.addi %mul3A_60, %add3A_61 : i32
    "tpu.region"() ({
      %run_scoped3A = tpu.sem_alloc : memref<!tpu.dma_semaphore, #tpu.memory_space<semaphore_mem>>
      %dma_start3A = arith.constant 0 : i32
      %dma_start3A_71 = tpu.memref_slice %arg10[%add3A_62, %dma_start3A] : memref<10240x128xf32, #tpu.memory_space<vmem_shared>> -> memref<80x128xf32, #tpu.memory_space<vmem_shared>>
      %dma_start3A_72 = arith.constant 0 : i32
      %dma_start3A_73 = tpu.memref_slice %arg10[%add3A_62, %dma_start3A_72] : memref<10240x128xf32, #tpu.memory_space<vmem_shared>> -> memref<80x128xf32, #tpu.memory_space<vmem_shared>>
      tpu.enqueue_dma source(%dma_start3A_73 : memref<80x128xf32, #tpu.memory_space<vmem_shared>>) target(%arg9 : memref<80x128xf32, #tpu.memory_space<vmem>>) target_semaphore(%run_scoped3A : memref<!tpu.dma_semaphore, #tpu.memory_space<semaphore_mem>>)
      %dma_wait3A = arith.constant 0 : i32
      %dma_wait3A_74 = tpu.memref_slice %arg10[%add3A_62, %dma_wait3A] : memref<10240x128xf32, #tpu.memory_space<vmem_shared>> -> memref<80x128xf32, #tpu.memory_space<vmem_shared>>
      %dma_wait3A_75 = arith.constant 0 : i32
      %dma_wait3A_76 = tpu.memref_slice %arg10[%add3A_62, %dma_wait3A_75] : memref<10240x128xf32, #tpu.memory_space<vmem_shared>> -> memref<80x128xf32, #tpu.memory_space<vmem_shared>>
      tpu.wait_dma2 semaphore(%run_scoped3A : memref<!tpu.dma_semaphore, #tpu.memory_space<semaphore_mem>>) src(%dma_wait3A_76 : memref<80x128xf32, #tpu.memory_space<vmem_shared>>) dst(%arg9 : memref<80x128xf32, #tpu.memory_space<vmem>>)
      tpu.yield
    }) : () -> ()
    "tpu.region"() ({
      %run_scoped3A = tpu.sem_alloc : memref<!tpu.dma_semaphore, #tpu.memory_space<semaphore_mem>>
      %dma_start3A = arith.constant 0 : i32
      %dma_start3A_71 = arith.constant 0 : i32
      %dma_start3A_72 = tpu.memref_slice %arg6[%arg0, %dma_start3A, %dma_start3A_71] : memref<2x10240x128xf32, #tpu.memory_space<hbm>> -> memref<1x10240x128xf32, #tpu.memory_space<hbm>>
      %dma_start3A_73 = tpu.memref_squeeze %dma_start3A_72 : memref<1x10240x128xf32, #tpu.memory_space<hbm>> -> memref<10240x128xf32, #tpu.memory_space<hbm>>
      %dma_start3A_74 = arith.constant 0 : i32
      %dma_start3A_75 = tpu.memref_slice %dma_start3A_73[%add3A_62, %dma_start3A_74] : memref<10240x128xf32, #tpu.memory_space<hbm>> -> memref<80x128xf32, #tpu.memory_space<hbm>>
      %dma_start3A_76 = arith.constant 0 : i32
      %dma_start3A_77 = arith.constant 0 : i32
      %dma_start3A_78 = tpu.memref_slice %arg6[%arg0, %dma_start3A_76, %dma_start3A_77] : memref<2x10240x128xf32, #tpu.memory_space<hbm>> -> memref<1x10240x128xf32, #tpu.memory_space<hbm>>
      %dma_start3A_79 = tpu.memref_squeeze %dma_start3A_78 : memref<1x10240x128xf32, #tpu.memory_space<hbm>> -> memref<10240x128xf32, #tpu.memory_space<hbm>>
      %dma_start3A_80 = arith.constant 0 : i32
      %dma_start3A_81 = tpu.memref_slice %dma_start3A_79[%add3A_62, %dma_start3A_80] : memref<10240x128xf32, #tpu.memory_space<hbm>> -> memref<80x128xf32, #tpu.memory_space<hbm>>
      tpu.enqueue_dma source(%arg9 : memref<80x128xf32, #tpu.memory_space<vmem>>) target(%dma_start3A_81 : memref<80x128xf32, #tpu.memory_space<hbm>>) target_semaphore(%run_scoped3A : memref<!tpu.dma_semaphore, #tpu.memory_space<semaphore_mem>>)
      %dma_wait3A = arith.constant 0 : i32
      %dma_wait3A_82 = arith.constant 0 : i32
      %dma_wait3A_83 = tpu.memref_slice %arg6[%arg0, %dma_wait3A, %dma_wait3A_82] : memref<2x10240x128xf32, #tpu.memory_space<hbm>> -> memref<1x10240x128xf32, #tpu.memory_space<hbm>>
      %dma_wait3A_84 = tpu.memref_squeeze %dma_wait3A_83 : memref<1x10240x128xf32, #tpu.memory_space<hbm>> -> memref<10240x128xf32, #tpu.memory_space<hbm>>
      %dma_wait3A_85 = arith.constant 0 : i32
      %dma_wait3A_86 = tpu.memref_slice %dma_wait3A_84[%add3A_62, %dma_wait3A_85] : memref<10240x128xf32, #tpu.memory_space<hbm>> -> memref<80x128xf32, #tpu.memory_space<hbm>>
      %dma_wait3A_87 = arith.constant 0 : i32
      %dma_wait3A_88 = arith.constant 0 : i32
      %dma_wait3A_89 = tpu.memref_slice %arg6[%arg0, %dma_wait3A_87, %dma_wait3A_88] : memref<2x10240x128xf32, #tpu.memory_space<hbm>> -> memref<1x10240x128xf32, #tpu.memory_space<hbm>>
      %dma_wait3A_90 = tpu.memref_squeeze %dma_wait3A_89 : memref<1x10240x128xf32, #tpu.memory_space<hbm>> -> memref<10240x128xf32, #tpu.memory_space<hbm>>
      %dma_wait3A_91 = arith.constant 0 : i32
      %dma_wait3A_92 = tpu.memref_slice %dma_wait3A_90[%add3A_62, %dma_wait3A_91] : memref<10240x128xf32, #tpu.memory_space<hbm>> -> memref<80x128xf32, #tpu.memory_space<hbm>>
      tpu.wait_dma2 semaphore(%run_scoped3A : memref<!tpu.dma_semaphore, #tpu.memory_space<semaphore_mem>>) src(%arg9 : memref<80x128xf32, #tpu.memory_space<vmem>>) dst(%dma_wait3A_92 : memref<80x128xf32, #tpu.memory_space<hbm>>)
      tpu.yield
    }) : () -> ()
    %mul3A_63 = arith.constant 640 : i32
    %mul3A_64 = arith.muli %arg1, %mul3A_63 : i32
    %add3A_65 = arith.constant 480 : i32
    %add3A_66 = arith.addi %mul3A_64, %add3A_65 : i32
    "tpu.region"() ({
      %run_scoped3A = tpu.sem_alloc : memref<!tpu.dma_semaphore, #tpu.memory_space<semaphore_mem>>
      %dma_start3A = arith.constant 0 : i32
      %dma_start3A_71 = tpu.memref_slice %arg10[%add3A_66, %dma_start3A] : memref<10240x128xf32, #tpu.memory_space<vmem_shared>> -> memref<80x128xf32, #tpu.memory_space<vmem_shared>>
      %dma_start3A_72 = arith.constant 0 : i32
      %dma_start3A_73 = tpu.memref_slice %arg10[%add3A_66, %dma_start3A_72] : memref<10240x128xf32, #tpu.memory_space<vmem_shared>> -> memref<80x128xf32, #tpu.memory_space<vmem_shared>>
      tpu.enqueue_dma source(%dma_start3A_73 : memref<80x128xf32, #tpu.memory_space<vmem_shared>>) target(%arg9 : memref<80x128xf32, #tpu.memory_space<vmem>>) target_semaphore(%run_scoped3A : memref<!tpu.dma_semaphore, #tpu.memory_space<semaphore_mem>>)
      %dma_wait3A = arith.constant 0 : i32
      %dma_wait3A_74 = tpu.memref_slice %arg10[%add3A_66, %dma_wait3A] : memref<10240x128xf32, #tpu.memory_space<vmem_shared>> -> memref<80x128xf32, #tpu.memory_space<vmem_shared>>
      %dma_wait3A_75 = arith.constant 0 : i32
      %dma_wait3A_76 = tpu.memref_slice %arg10[%add3A_66, %dma_wait3A_75] : memref<10240x128xf32, #tpu.memory_space<vmem_shared>> -> memref<80x128xf32, #tpu.memory_space<vmem_shared>>
      tpu.wait_dma2 semaphore(%run_scoped3A : memref<!tpu.dma_semaphore, #tpu.memory_space<semaphore_mem>>) src(%dma_wait3A_76 : memref<80x128xf32, #tpu.memory_space<vmem_shared>>) dst(%arg9 : memref<80x128xf32, #tpu.memory_space<vmem>>)
      tpu.yield
    }) : () -> ()
    "tpu.region"() ({
      %run_scoped3A = tpu.sem_alloc : memref<!tpu.dma_semaphore, #tpu.memory_space<semaphore_mem>>
      %dma_start3A = arith.constant 0 : i32
      %dma_start3A_71 = arith.constant 0 : i32
      %dma_start3A_72 = tpu.memref_slice %arg6[%arg0, %dma_start3A, %dma_start3A_71] : memref<2x10240x128xf32, #tpu.memory_space<hbm>> -> memref<1x10240x128xf32, #tpu.memory_space<hbm>>
      %dma_start3A_73 = tpu.memref_squeeze %dma_start3A_72 : memref<1x10240x128xf32, #tpu.memory_space<hbm>> -> memref<10240x128xf32, #tpu.memory_space<hbm>>
      %dma_start3A_74 = arith.constant 0 : i32
      %dma_start3A_75 = tpu.memref_slice %dma_start3A_73[%add3A_66, %dma_start3A_74] : memref<10240x128xf32, #tpu.memory_space<hbm>> -> memref<80x128xf32, #tpu.memory_space<hbm>>
      %dma_start3A_76 = arith.constant 0 : i32
      %dma_start3A_77 = arith.constant 0 : i32
      %dma_start3A_78 = tpu.memref_slice %arg6[%arg0, %dma_start3A_76, %dma_start3A_77] : memref<2x10240x128xf32, #tpu.memory_space<hbm>> -> memref<1x10240x128xf32, #tpu.memory_space<hbm>>
      %dma_start3A_79 = tpu.memref_squeeze %dma_start3A_78 : memref<1x10240x128xf32, #tpu.memory_space<hbm>> -> memref<10240x128xf32, #tpu.memory_space<hbm>>
      %dma_start3A_80 = arith.constant 0 : i32
      %dma_start3A_81 = tpu.memref_slice %dma_start3A_79[%add3A_66, %dma_start3A_80] : memref<10240x128xf32, #tpu.memory_space<hbm>> -> memref<80x128xf32, #tpu.memory_space<hbm>>
      tpu.enqueue_dma source(%arg9 : memref<80x128xf32, #tpu.memory_space<vmem>>) target(%dma_start3A_81 : memref<80x128xf32, #tpu.memory_space<hbm>>) target_semaphore(%run_scoped3A : memref<!tpu.dma_semaphore, #tpu.memory_space<semaphore_mem>>)
      %dma_wait3A = arith.constant 0 : i32
      %dma_wait3A_82 = arith.constant 0 : i32
      %dma_wait3A_83 = tpu.memref_slice %arg6[%arg0, %dma_wait3A, %dma_wait3A_82] : memref<2x10240x128xf32, #tpu.memory_space<hbm>> -> memref<1x10240x128xf32, #tpu.memory_space<hbm>>
      %dma_wait3A_84 = tpu.memref_squeeze %dma_wait3A_83 : memref<1x10240x128xf32, #tpu.memory_space<hbm>> -> memref<10240x128xf32, #tpu.memory_space<hbm>>
      %dma_wait3A_85 = arith.constant 0 : i32
      %dma_wait3A_86 = tpu.memref_slice %dma_wait3A_84[%add3A_66, %dma_wait3A_85] : memref<10240x128xf32, #tpu.memory_space<hbm>> -> memref<80x128xf32, #tpu.memory_space<hbm>>
      %dma_wait3A_87 = arith.constant 0 : i32
      %dma_wait3A_88 = arith.constant 0 : i32
      %dma_wait3A_89 = tpu.memref_slice %arg6[%arg0, %dma_wait3A_87, %dma_wait3A_88] : memref<2x10240x128xf32, #tpu.memory_space<hbm>> -> memref<1x10240x128xf32, #tpu.memory_space<hbm>>
      %dma_wait3A_90 = tpu.memref_squeeze %dma_wait3A_89 : memref<1x10240x128xf32, #tpu.memory_space<hbm>> -> memref<10240x128xf32, #tpu.memory_space<hbm>>
      %dma_wait3A_91 = arith.constant 0 : i32
      %dma_wait3A_92 = tpu.memref_slice %dma_wait3A_90[%add3A_66, %dma_wait3A_91] : memref<10240x128xf32, #tpu.memory_space<hbm>> -> memref<80x128xf32, #tpu.memory_space<hbm>>
      tpu.wait_dma2 semaphore(%run_scoped3A : memref<!tpu.dma_semaphore, #tpu.memory_space<semaphore_mem>>) src(%arg9 : memref<80x128xf32, #tpu.memory_space<vmem>>) dst(%dma_wait3A_92 : memref<80x128xf32, #tpu.memory_space<hbm>>)
      tpu.yield
    }) : () -> ()
    %mul3A_67 = arith.constant 640 : i32
    %mul3A_68 = arith.muli %arg1, %mul3A_67 : i32
    %add3A_69 = arith.constant 560 : i32
    %add3A_70 = arith.addi %mul3A_68, %add3A_69 : i32
    "tpu.region"() ({
      %run_scoped3A = tpu.sem_alloc : memref<!tpu.dma_semaphore, #tpu.memory_space<semaphore_mem>>
      %dma_start3A = arith.constant 0 : i32
      %dma_start3A_71 = tpu.memref_slice %arg10[%add3A_70, %dma_start3A] : memref<10240x128xf32, #tpu.memory_space<vmem_shared>> -> memref<80x128xf32, #tpu.memory_space<vmem_shared>>
      %dma_start3A_72 = arith.constant 0 : i32
      %dma_start3A_73 = tpu.memref_slice %arg10[%add3A_70, %dma_start3A_72] : memref<10240x128xf32, #tpu.memory_space<vmem_shared>> -> memref<80x128xf32, #tpu.memory_space<vmem_shared>>
      tpu.enqueue_dma source(%dma_start3A_73 : memref<80x128xf32, #tpu.memory_space<vmem_shared>>) target(%arg9 : memref<80x128xf32, #tpu.memory_space<vmem>>) target_semaphore(%run_scoped3A : memref<!tpu.dma_semaphore, #tpu.memory_space<semaphore_mem>>)
      %dma_wait3A = arith.constant 0 : i32
      %dma_wait3A_74 = tpu.memref_slice %arg10[%add3A_70, %dma_wait3A] : memref<10240x128xf32, #tpu.memory_space<vmem_shared>> -> memref<80x128xf32, #tpu.memory_space<vmem_shared>>
      %dma_wait3A_75 = arith.constant 0 : i32
      %dma_wait3A_76 = tpu.memref_slice %arg10[%add3A_70, %dma_wait3A_75] : memref<10240x128xf32, #tpu.memory_space<vmem_shared>> -> memref<80x128xf32, #tpu.memory_space<vmem_shared>>
      tpu.wait_dma2 semaphore(%run_scoped3A : memref<!tpu.dma_semaphore, #tpu.memory_space<semaphore_mem>>) src(%dma_wait3A_76 : memref<80x128xf32, #tpu.memory_space<vmem_shared>>) dst(%arg9 : memref<80x128xf32, #tpu.memory_space<vmem>>)
      tpu.yield
    }) : () -> ()
    "tpu.region"() ({
      %run_scoped3A = tpu.sem_alloc : memref<!tpu.dma_semaphore, #tpu.memory_space<semaphore_mem>>
      %dma_start3A = arith.constant 0 : i32
      %dma_start3A_71 = arith.constant 0 : i32
      %dma_start3A_72 = tpu.memref_slice %arg6[%arg0, %dma_start3A, %dma_start3A_71] : memref<2x10240x128xf32, #tpu.memory_space<hbm>> -> memref<1x10240x128xf32, #tpu.memory_space<hbm>>
      %dma_start3A_73 = tpu.memref_squeeze %dma_start3A_72 : memref<1x10240x128xf32, #tpu.memory_space<hbm>> -> memref<10240x128xf32, #tpu.memory_space<hbm>>
      %dma_start3A_74 = arith.constant 0 : i32
      %dma_start3A_75 = tpu.memref_slice %dma_start3A_73[%add3A_70, %dma_start3A_74] : memref<10240x128xf32, #tpu.memory_space<hbm>> -> memref<80x128xf32, #tpu.memory_space<hbm>>
      %dma_start3A_76 = arith.constant 0 : i32
      %dma_start3A_77 = arith.constant 0 : i32
      %dma_start3A_78 = tpu.memref_slice %arg6[%arg0, %dma_start3A_76, %dma_start3A_77] : memref<2x10240x128xf32, #tpu.memory_space<hbm>> -> memref<1x10240x128xf32, #tpu.memory_space<hbm>>
      %dma_start3A_79 = tpu.memref_squeeze %dma_start3A_78 : memref<1x10240x128xf32, #tpu.memory_space<hbm>> -> memref<10240x128xf32, #tpu.memory_space<hbm>>
      %dma_start3A_80 = arith.constant 0 : i32
      %dma_start3A_81 = tpu.memref_slice %dma_start3A_79[%add3A_70, %dma_start3A_80] : memref<10240x128xf32, #tpu.memory_space<hbm>> -> memref<80x128xf32, #tpu.memory_space<hbm>>
      tpu.enqueue_dma source(%arg9 : memref<80x128xf32, #tpu.memory_space<vmem>>) target(%dma_start3A_81 : memref<80x128xf32, #tpu.memory_space<hbm>>) target_semaphore(%run_scoped3A : memref<!tpu.dma_semaphore, #tpu.memory_space<semaphore_mem>>)
      %dma_wait3A = arith.constant 0 : i32
      %dma_wait3A_82 = arith.constant 0 : i32
      %dma_wait3A_83 = tpu.memref_slice %arg6[%arg0, %dma_wait3A, %dma_wait3A_82] : memref<2x10240x128xf32, #tpu.memory_space<hbm>> -> memref<1x10240x128xf32, #tpu.memory_space<hbm>>
      %dma_wait3A_84 = tpu.memref_squeeze %dma_wait3A_83 : memref<1x10240x128xf32, #tpu.memory_space<hbm>> -> memref<10240x128xf32, #tpu.memory_space<hbm>>
      %dma_wait3A_85 = arith.constant 0 : i32
      %dma_wait3A_86 = tpu.memref_slice %dma_wait3A_84[%add3A_70, %dma_wait3A_85] : memref<10240x128xf32, #tpu.memory_space<hbm>> -> memref<80x128xf32, #tpu.memory_space<hbm>>
      %dma_wait3A_87 = arith.constant 0 : i32
      %dma_wait3A_88 = arith.constant 0 : i32
      %dma_wait3A_89 = tpu.memref_slice %arg6[%arg0, %dma_wait3A_87, %dma_wait3A_88] : memref<2x10240x128xf32, #tpu.memory_space<hbm>> -> memref<1x10240x128xf32, #tpu.memory_space<hbm>>
      %dma_wait3A_90 = tpu.memref_squeeze %dma_wait3A_89 : memref<1x10240x128xf32, #tpu.memory_space<hbm>> -> memref<10240x128xf32, #tpu.memory_space<hbm>>
      %dma_wait3A_91 = arith.constant 0 : i32
      %dma_wait3A_92 = tpu.memref_slice %dma_wait3A_90[%add3A_70, %dma_wait3A_91] : memref<10240x128xf32, #tpu.memory_space<hbm>> -> memref<80x128xf32, #tpu.memory_space<hbm>>
      tpu.wait_dma2 semaphore(%run_scoped3A : memref<!tpu.dma_semaphore, #tpu.memory_space<semaphore_mem>>) src(%arg9 : memref<80x128xf32, #tpu.memory_space<vmem>>) dst(%dma_wait3A_92 : memref<80x128xf32, #tpu.memory_space<hbm>>)
      tpu.yield
    }) : () -> ()
    return
  }
}

module attributes {stable_mosaic.version = 14 : i64} {
  func.func @_mlp1_body(%arg0: i32, %arg1: memref<2000x128xf32, #tpu.memory_space<vmem>>, %arg2: memref<1x2000x128xf32, #tpu.memory_space<vmem>>, %arg3: memref<1x2000x128xf32, #tpu.memory_space<vmem>>, %arg4: memref<128x128xf32, #tpu.memory_space<vmem>>, %arg5: memref<1x128xf32, #tpu.memory_space<vmem>>, %arg6: memref<128x128xf32, #tpu.memory_space<vmem>>, %arg7: memref<1x128xf32, #tpu.memory_space<vmem>>, %arg8: memref<2000x128xf32, #tpu.memory_space<vmem>>) attributes {dimension_semantics = [#tpu.dimension_semantics<arbitrary>], iteration_bounds = array<i64: 5>, scalar_prefetch = 0 : i64, scratch_operands = 0 : i64, tpu.core_type = #tpu.core_type<tc>, window_params = [{transform_indices = @transform_0, window_bounds = array<i64: 2000, 128>}, {transform_indices = @transform_1, window_bounds = array<i64: 1, 2000, 128>}, {transform_indices = @transform_2, window_bounds = array<i64: 1, 2000, 128>}, {pipeline_mode = #tpu.pipeline_mode<synchronous>, transform_indices = @transform_3, window_bounds = array<i64: 128, 128>}, {pipeline_mode = #tpu.pipeline_mode<synchronous>, transform_indices = @transform_4, window_bounds = array<i64: 1, 128>}, {pipeline_mode = #tpu.pipeline_mode<synchronous>, transform_indices = @transform_5, window_bounds = array<i64: 128, 128>}, {pipeline_mode = #tpu.pipeline_mode<synchronous>, transform_indices = @transform_6, window_bounds = array<i64: 1, 128>}, {transform_indices = @transform_7, window_bounds = array<i64: 2000, 128>}]} {
    %get3A = arith.constant 0 : index
    %get3A_0 = arith.constant 0 : index
    %get3A_1 = vector.load %arg1[%get3A, %get3A_0] : memref<2000x128xf32, #tpu.memory_space<vmem>>, vector<2000x128xf32>
    %get3A_2 = arith.constant 0 : index
    %get3A_3 = arith.constant 0 : index
    %get3A_4 = arith.constant 0 : index
    %get3A_5 = vector.load %arg2[%get3A_2, %get3A_3, %get3A_4] : memref<1x2000x128xf32, #tpu.memory_space<vmem>>, vector<1x2000x128xf32>
    %get3A_6 = vector.shape_cast %get3A_5 : vector<1x2000x128xf32> to vector<2000x128xf32>
    %add3A = arith.addf %get3A_1, %get3A_6 : vector<2000x128xf32>
    %get3A_7 = arith.constant 0 : index
    %get3A_8 = arith.constant 0 : index
    %get3A_9 = arith.constant 0 : index
    %get3A_10 = vector.load %arg3[%get3A_7, %get3A_8, %get3A_9] : memref<1x2000x128xf32, #tpu.memory_space<vmem>>, vector<1x2000x128xf32>
    %get3A_11 = vector.shape_cast %get3A_10 : vector<1x2000x128xf32> to vector<2000x128xf32>
    %add3A_12 = arith.addf %add3A, %get3A_11 : vector<2000x128xf32>
    %get3A_13 = arith.constant 0 : index
    %get3A_14 = arith.constant 0 : index
    %get3A_15 = vector.load %arg4[%get3A_13, %get3A_14] : memref<128x128xf32, #tpu.memory_space<vmem>>, vector<128x128xf32>
    %dot_general3A = arith.constant dense<0.000000e+00> : vector<2000x128xf32>
    %dot_general3A_16 = tpu.matmul %add3A_12, %get3A_15, %dot_general3A {dimension_numbers = #tpu.dot_dimension_numbers<[1], [0], [0], [1], [0, 0, 1, 1], [], []>, transpose_lhs_hint = false} : vector<2000x128xf32>, vector<128x128xf32>, vector<2000x128xf32> -> vector<2000x128xf32>
    %get3A_17 = arith.constant 0 : index
    %get3A_18 = arith.constant 0 : index
    %get3A_19 = vector.load %arg5[%get3A_17, %get3A_18] : memref<1x128xf32, #tpu.memory_space<vmem>>, vector<1x128xf32>
    %add3A_20 = vector.broadcast %get3A_19 : vector<1x128xf32> to vector<2000x128xf32>
    %add3A_21 = arith.addf %dot_general3A_16, %add3A_20 : vector<2000x128xf32>
    %max3A = arith.constant 0.000000e+00 : f32
    %max3A_22 = vector.broadcast %max3A : f32 to vector<2000x128xf32>
    %max3A_23 = arith.maximumf %add3A_21, %max3A_22 : vector<2000x128xf32>
    %get3A_24 = arith.constant 0 : index
    %get3A_25 = arith.constant 0 : index
    %get3A_26 = vector.load %arg6[%get3A_24, %get3A_25] : memref<128x128xf32, #tpu.memory_space<vmem>>, vector<128x128xf32>
    %dot_general3A_27 = arith.constant dense<0.000000e+00> : vector<2000x128xf32>
    %dot_general3A_28 = tpu.matmul %max3A_23, %get3A_26, %dot_general3A_27 {dimension_numbers = #tpu.dot_dimension_numbers<[1], [0], [0], [1], [0, 0, 1, 1], [], []>, transpose_lhs_hint = false} : vector<2000x128xf32>, vector<128x128xf32>, vector<2000x128xf32> -> vector<2000x128xf32>
    %get3A_29 = arith.constant 0 : index
    %get3A_30 = arith.constant 0 : index
    %get3A_31 = vector.load %arg7[%get3A_29, %get3A_30] : memref<1x128xf32, #tpu.memory_space<vmem>>, vector<1x128xf32>
    %add3A_32 = vector.broadcast %get3A_31 : vector<1x128xf32> to vector<2000x128xf32>
    %add3A_33 = arith.addf %dot_general3A_28, %add3A_32 : vector<2000x128xf32>
    %max3A_34 = arith.constant 0.000000e+00 : f32
    %max3A_35 = vector.broadcast %max3A_34 : f32 to vector<2000x128xf32>
    %max3A_36 = arith.maximumf %add3A_33, %max3A_35 : vector<2000x128xf32>
    %swap3A = arith.constant 0 : index
    %swap3A_37 = arith.constant 0 : index
    %swap3A_38 = vector.load %arg8[%swap3A, %swap3A_37] : memref<2000x128xf32, #tpu.memory_space<vmem>>, vector<2000x128xf32>
    tpu.vector_store %arg8[%swap3A, %swap3A_37], %max3A_36 {strides = array<i32>} : memref<2000x128xf32, #tpu.memory_space<vmem>>, vector<2000x128xf32>,
    return
  }
  func.func @transform_0(%arg0: i32) -> (i32, i32) {
    %c0_i32 = arith.constant 0 : i32
    %c0_i32_0 = arith.constant 0 : i32
    return %arg0, %c0_i32 : i32, i32
  }
  func.func @transform_1(%arg0: i32) -> (i32, i32, i32) {
    %c0_i32 = arith.constant 0 : i32
    %c0_i32_0 = arith.constant 0 : i32
    %c0_i32_1 = arith.constant 0 : i32
    return %c0_i32, %arg0, %c0_i32_0 : i32, i32, i32
  }
  func.func @transform_2(%arg0: i32) -> (i32, i32, i32) {
    %c1_i32 = arith.constant 1 : i32
    %c0_i32 = arith.constant 0 : i32
    %c0_i32_0 = arith.constant 0 : i32
    return %c1_i32, %arg0, %c0_i32 : i32, i32, i32
  }
  func.func @transform_3(%arg0: i32) -> (i32, i32) {
    %c0_i32 = arith.constant 0 : i32
    %c0_i32_0 = arith.constant 0 : i32
    %c0_i32_1 = arith.constant 0 : i32
    return %c0_i32, %c0_i32_0 : i32, i32
  }
  func.func @transform_4(%arg0: i32) -> (i32, i32) {
    %c0_i32 = arith.constant 0 : i32
    %c0_i32_0 = arith.constant 0 : i32
    %c0_i32_1 = arith.constant 0 : i32
    return %c0_i32, %c0_i32_0 : i32, i32
  }
  func.func @transform_5(%arg0: i32) -> (i32, i32) {
    %c0_i32 = arith.constant 0 : i32
    %c0_i32_0 = arith.constant 0 : i32
    %c0_i32_1 = arith.constant 0 : i32
    return %c0_i32, %c0_i32_0 : i32, i32
  }
  func.func @transform_6(%arg0: i32) -> (i32, i32) {
    %c0_i32 = arith.constant 0 : i32
    %c0_i32_0 = arith.constant 0 : i32
    %c0_i32_1 = arith.constant 0 : i32
    return %c0_i32, %c0_i32_0 : i32, i32
  }
  func.func @transform_7(%arg0: i32) -> (i32, i32) {
    %c0_i32 = arith.constant 0 : i32
    %c0_i32_0 = arith.constant 0 : i32
    return %arg0, %c0_i32 : i32, i32
  }
}

module attributes {stable_mosaic.version = 14 : i64} {
  func.func @_mlp2_body(%arg0: i32, %arg1: memref<2000x128xf32, #tpu.memory_space<vmem>>, %arg2: memref<1x2000x128xf32, #tpu.memory_space<vmem>>, %arg3: memref<1x2000x128xf32, #tpu.memory_space<vmem>>, %arg4: memref<128x128xf32, #tpu.memory_space<vmem>>, %arg5: memref<1x128xf32, #tpu.memory_space<vmem>>, %arg6: memref<128x128xf32, #tpu.memory_space<vmem>>, %arg7: memref<1x128xf32, #tpu.memory_space<vmem>>, %arg8: memref<1x1x2000xi32, #tpu.memory_space<vmem>>, %arg9: memref<128x128xf32, #tpu.memory_space<vmem>>, %arg10: memref<1x128xf32, #tpu.memory_space<vmem>>, %arg11: memref<64x128xf32, #tpu.memory_space<vmem>>, %arg12: memref<64x128xf32, #tpu.memory_space<vmem>>) attributes {dimension_semantics = [#tpu.dimension_semantics<arbitrary>], iteration_bounds = array<i64: 5>, scalar_prefetch = 0 : i64, scratch_operands = 1 : i64, tpu.core_type = #tpu.core_type<tc>, window_params = [{transform_indices = @transform_0, window_bounds = array<i64: 2000, 128>}, {transform_indices = @transform_1, window_bounds = array<i64: 1, 2000, 128>}, {transform_indices = @transform_2, window_bounds = array<i64: 1, 2000, 128>}, {pipeline_mode = #tpu.pipeline_mode<synchronous>, transform_indices = @transform_3, window_bounds = array<i64: 128, 128>}, {pipeline_mode = #tpu.pipeline_mode<synchronous>, transform_indices = @transform_4, window_bounds = array<i64: 1, 128>}, {pipeline_mode = #tpu.pipeline_mode<synchronous>, transform_indices = @transform_5, window_bounds = array<i64: 128, 128>}, {pipeline_mode = #tpu.pipeline_mode<synchronous>, transform_indices = @transform_6, window_bounds = array<i64: 1, 128>}, {transform_indices = @transform_7, window_bounds = array<i64: 1, 1, 2000>}, {pipeline_mode = #tpu.pipeline_mode<synchronous>, transform_indices = @transform_8, window_bounds = array<i64: 128, 128>}, {pipeline_mode = #tpu.pipeline_mode<synchronous>, transform_indices = @transform_9, window_bounds = array<i64: 1, 128>}, {pipeline_mode = #tpu.pipeline_mode<synchronous>, transform_indices = @transform_10, window_bounds = array<i64: 64, 128>}]} {
    %get3A = arith.constant 0 : index
    %get3A_0 = arith.constant 0 : index
    %get3A_1 = vector.load %arg1[%get3A, %get3A_0] : memref<2000x128xf32, #tpu.memory_space<vmem>>, vector<2000x128xf32>
    %get3A_2 = arith.constant 0 : index
    %get3A_3 = arith.constant 0 : index
    %get3A_4 = arith.constant 0 : index
    %get3A_5 = vector.load %arg2[%get3A_2, %get3A_3, %get3A_4] : memref<1x2000x128xf32, #tpu.memory_space<vmem>>, vector<1x2000x128xf32>
    %get3A_6 = vector.shape_cast %get3A_5 : vector<1x2000x128xf32> to vector<2000x128xf32>
    %add3A = arith.addf %get3A_1, %get3A_6 : vector<2000x128xf32>
    %get3A_7 = arith.constant 0 : index
    %get3A_8 = arith.constant 0 : index
    %get3A_9 = arith.constant 0 : index
    %get3A_10 = vector.load %arg3[%get3A_7, %get3A_8, %get3A_9] : memref<1x2000x128xf32, #tpu.memory_space<vmem>>, vector<1x2000x128xf32>
    %get3A_11 = vector.shape_cast %get3A_10 : vector<1x2000x128xf32> to vector<2000x128xf32>
    %add3A_12 = arith.addf %add3A, %get3A_11 : vector<2000x128xf32>
    %get3A_13 = arith.constant 0 : index
    %get3A_14 = arith.constant 0 : index
    %get3A_15 = vector.load %arg4[%get3A_13, %get3A_14] : memref<128x128xf32, #tpu.memory_space<vmem>>, vector<128x128xf32>
    %dot_general3A = arith.constant dense<0.000000e+00> : vector<2000x128xf32>
    %dot_general3A_16 = tpu.matmul %add3A_12, %get3A_15, %dot_general3A {dimension_numbers = #tpu.dot_dimension_numbers<[1], [0], [0], [1], [0, 0, 1, 1], [], []>, transpose_lhs_hint = false} : vector<2000x128xf32>, vector<128x128xf32>, vector<2000x128xf32> -> vector<2000x128xf32>
    %get3A_17 = arith.constant 0 : index
    %get3A_18 = arith.constant 0 : index
    %get3A_19 = vector.load %arg5[%get3A_17, %get3A_18] : memref<1x128xf32, #tpu.memory_space<vmem>>, vector<1x128xf32>
    %add3A_20 = vector.broadcast %get3A_19 : vector<1x128xf32> to vector<2000x128xf32>
    %add3A_21 = arith.addf %dot_general3A_16, %add3A_20 : vector<2000x128xf32>
    %max3A = arith.constant 0.000000e+00 : f32
    %max3A_22 = vector.broadcast %max3A : f32 to vector<2000x128xf32>
    %max3A_23 = arith.maximumf %add3A_21, %max3A_22 : vector<2000x128xf32>
    %get3A_24 = arith.constant 0 : index
    %get3A_25 = arith.constant 0 : index
    %get3A_26 = vector.load %arg6[%get3A_24, %get3A_25] : memref<128x128xf32, #tpu.memory_space<vmem>>, vector<128x128xf32>
    %dot_general3A_27 = arith.constant dense<0.000000e+00> : vector<2000x128xf32>
    %dot_general3A_28 = tpu.matmul %max3A_23, %get3A_26, %dot_general3A_27 {dimension_numbers = #tpu.dot_dimension_numbers<[1], [0], [0], [1], [0, 0, 1, 1], [], []>, transpose_lhs_hint = false} : vector<2000x128xf32>, vector<128x128xf32>, vector<2000x128xf32> -> vector<2000x128xf32>
    %get3A_29 = arith.constant 0 : index
    %get3A_30 = arith.constant 0 : index
    %get3A_31 = vector.load %arg7[%get3A_29, %get3A_30] : memref<1x128xf32, #tpu.memory_space<vmem>>, vector<1x128xf32>
    %add3A_32 = vector.broadcast %get3A_31 : vector<1x128xf32> to vector<2000x128xf32>
    %add3A_33 = arith.addf %dot_general3A_28, %add3A_32 : vector<2000x128xf32>
    %max3A_34 = arith.constant 0.000000e+00 : f32
    %max3A_35 = vector.broadcast %max3A_34 : f32 to vector<2000x128xf32>
    %max3A_36 = arith.maximumf %add3A_33, %max3A_35 : vector<2000x128xf32>
    %get3A_37 = arith.constant 0 : index
    %get3A_38 = arith.constant 0 : index
    %get3A_39 = arith.constant 0 : index
    %get3A_40 = vector.load %arg8[%get3A_37, %get3A_38, %get3A_39] : memref<1x1x2000xi32, #tpu.memory_space<vmem>>, vector<1x1x2000xi32>
    %get3A_41 = vector.shape_cast %get3A_40 : vector<1x1x2000xi32> to vector<1x2000xi32>
    %iota3A = tpu.iota {dimensions = array<i32: 0>} : vector<64x2000xi32>
    %eq3A = vector.broadcast %get3A_41 : vector<1x2000xi32> to vector<64x2000xi32>
    %eq3A_42 = arith.cmpi eq, %eq3A, %iota3A : vector<64x2000xi32>
    %jit3A = arith.constant 1.000000e+00 : f32
    %jit3A_43 = arith.constant 0.000000e+00 : f32
    %broadcast_in_dim3A = vector.broadcast %jit3A : f32 to vector<64x2000xf32>
    %broadcast_in_dim3A_44 = vector.broadcast %jit3A_43 : f32 to vector<64x2000xf32>
    %select_n3A = arith.select %eq3A_42, %broadcast_in_dim3A, %broadcast_in_dim3A_44 : vector<64x2000xi1>, vector<64x2000xf32>
    %dot_general3A_45 = arith.constant dense<0.000000e+00> : vector<64x128xf32>
    %dot_general3A_46 = tpu.matmul %select_n3A, %max3A_36, %dot_general3A_45 {dimension_numbers = #tpu.dot_dimension_numbers<[1], [0], [0], [1], [0, 0, 1, 1], [], []>, transpose_lhs_hint = false} : vector<64x2000xf32>, vector<2000x128xf32>, vector<64x128xf32> -> vector<64x128xf32>
    %eq3A_47 = arith.constant 0 : i32
    %eq3A_48 = arith.cmpi eq, %arg0, %eq3A_47 : i32
    %convert_element_type3A = arith.extui %eq3A_48 : i1 to i32
    %cond3A = arith.constant 0 : i32
    %cond3A_49 = arith.cmpi ne, %convert_element_type3A, %cond3A : i32
    scf.if %cond3A_49 {
      %swap3A = arith.constant 0 : index
      %swap3A_59 = arith.constant 0 : index
      %swap3A_60 = vector.load %arg12[%swap3A, %swap3A_59] : memref<64x128xf32, #tpu.memory_space<vmem>>, vector<64x128xf32>
      tpu.vector_store %arg12[%swap3A, %swap3A_59], %dot_general3A_46 {strides = array<i32>} : memref<64x128xf32, #tpu.memory_space<vmem>>, vector<64x128xf32>,
    } else {
    }
    %gt3A = arith.constant 0 : i32
    %gt3A_50 = arith.cmpi sgt, %arg0, %gt3A : i32
    %convert_element_type3A_51 = arith.extui %gt3A_50 : i1 to i32
    %cond3A_52 = arith.constant 0 : i32
    %cond3A_53 = arith.cmpi ne, %convert_element_type3A_51, %cond3A_52 : i32
    scf.if %cond3A_53 {
      %get3A_59 = arith.constant 0 : index
      %get3A_60 = arith.constant 0 : index
      %get3A_61 = vector.load %arg12[%get3A_59, %get3A_60] : memref<64x128xf32, #tpu.memory_space<vmem>>, vector<64x128xf32>
      %add3A_62 = arith.addf %get3A_61, %dot_general3A_46 : vector<64x128xf32>
      %swap3A = arith.constant 0 : index
      %swap3A_63 = arith.constant 0 : index
      %swap3A_64 = vector.load %arg12[%swap3A, %swap3A_63] : memref<64x128xf32, #tpu.memory_space<vmem>>, vector<64x128xf32>
      tpu.vector_store %arg12[%swap3A, %swap3A_63], %add3A_62 {strides = array<i32>} : memref<64x128xf32, #tpu.memory_space<vmem>>, vector<64x128xf32>,
    } else {
    }
    %eq3A_54 = arith.constant 4 : i32
    %eq3A_55 = arith.cmpi eq, %arg0, %eq3A_54 : i32
    %convert_element_type3A_56 = arith.extui %eq3A_55 : i1 to i32
    %cond3A_57 = arith.constant 0 : i32
    %cond3A_58 = arith.cmpi ne, %convert_element_type3A_56, %cond3A_57 : i32
    scf.if %cond3A_58 {
      %get3A_59 = arith.constant 0 : index
      %get3A_60 = arith.constant 0 : index
      %get3A_61 = vector.load %arg12[%get3A_59, %get3A_60] : memref<64x128xf32, #tpu.memory_space<vmem>>, vector<64x128xf32>
      %get3A_62 = arith.constant 0 : index
      %get3A_63 = arith.constant 0 : index
      %get3A_64 = vector.load %arg9[%get3A_62, %get3A_63] : memref<128x128xf32, #tpu.memory_space<vmem>>, vector<128x128xf32>
      %dot_general3A_65 = arith.constant dense<0.000000e+00> : vector<64x128xf32>
      %dot_general3A_66 = tpu.matmul %get3A_61, %get3A_64, %dot_general3A_65 {dimension_numbers = #tpu.dot_dimension_numbers<[1], [0], [0], [1], [0, 0, 1, 1], [], []>, transpose_lhs_hint = false} : vector<64x128xf32>, vector<128x128xf32>, vector<64x128xf32> -> vector<64x128xf32>
      %get3A_67 = arith.constant 0 : index
      %get3A_68 = arith.constant 0 : index
      %get3A_69 = vector.load %arg10[%get3A_67, %get3A_68] : memref<1x128xf32, #tpu.memory_space<vmem>>, vector<1x128xf32>
      %add3A_70 = vector.broadcast %get3A_69 : vector<1x128xf32> to vector<64x128xf32>
      %add3A_71 = arith.addf %dot_general3A_66, %add3A_70 : vector<64x128xf32>
      %max3A_72 = arith.constant 0.000000e+00 : f32
      %max3A_73 = vector.broadcast %max3A_72 : f32 to vector<64x128xf32>
      %max3A_74 = arith.maximumf %add3A_71, %max3A_73 : vector<64x128xf32>
      %swap3A = arith.constant 0 : index
      %swap3A_75 = arith.constant 0 : index
      %swap3A_76 = vector.load %arg11[%swap3A, %swap3A_75] : memref<64x128xf32, #tpu.memory_space<vmem>>, vector<64x128xf32>
      tpu.vector_store %arg11[%swap3A, %swap3A_75], %max3A_74 {strides = array<i32>} : memref<64x128xf32, #tpu.memory_space<vmem>>, vector<64x128xf32>,
    } else {
    }
    return
  }
  func.func @transform_0(%arg0: i32) -> (i32, i32) {
    %c0_i32 = arith.constant 0 : i32
    %c0_i32_0 = arith.constant 0 : i32
    return %arg0, %c0_i32 : i32, i32
  }
  func.func @transform_1(%arg0: i32) -> (i32, i32, i32) {
    %c0_i32 = arith.constant 0 : i32
    %c0_i32_0 = arith.constant 0 : i32
    %c0_i32_1 = arith.constant 0 : i32
    return %c0_i32, %arg0, %c0_i32_0 : i32, i32, i32
  }
  func.func @transform_2(%arg0: i32) -> (i32, i32, i32) {
    %c1_i32 = arith.constant 1 : i32
    %c0_i32 = arith.constant 0 : i32
    %c0_i32_0 = arith.constant 0 : i32
    return %c1_i32, %arg0, %c0_i32 : i32, i32, i32
  }
  func.func @transform_3(%arg0: i32) -> (i32, i32) {
    %c0_i32 = arith.constant 0 : i32
    %c0_i32_0 = arith.constant 0 : i32
    %c0_i32_1 = arith.constant 0 : i32
    return %c0_i32, %c0_i32_0 : i32, i32
  }
  func.func @transform_4(%arg0: i32) -> (i32, i32) {
    %c0_i32 = arith.constant 0 : i32
    %c0_i32_0 = arith.constant 0 : i32
    %c0_i32_1 = arith.constant 0 : i32
    return %c0_i32, %c0_i32_0 : i32, i32
  }
  func.func @transform_5(%arg0: i32) -> (i32, i32) {
    %c0_i32 = arith.constant 0 : i32
    %c0_i32_0 = arith.constant 0 : i32
    %c0_i32_1 = arith.constant 0 : i32
    return %c0_i32, %c0_i32_0 : i32, i32
  }
  func.func @transform_6(%arg0: i32) -> (i32, i32) {
    %c0_i32 = arith.constant 0 : i32
    %c0_i32_0 = arith.constant 0 : i32
    %c0_i32_1 = arith.constant 0 : i32
    return %c0_i32, %c0_i32_0 : i32, i32
  }
  func.func @transform_7(%arg0: i32) -> (i32, i32, i32) {
    %c0_i32 = arith.constant 0 : i32
    %c0_i32_0 = arith.constant 0 : i32
    %c0_i32_1 = arith.constant 0 : i32
    return %arg0, %c0_i32, %c0_i32_0 : i32, i32, i32
  }
  func.func @transform_8(%arg0: i32) -> (i32, i32) {
    %c0_i32 = arith.constant 0 : i32
    %c0_i32_0 = arith.constant 0 : i32
    %c0_i32_1 = arith.constant 0 : i32
    return %c0_i32, %c0_i32_0 : i32, i32
  }
  func.func @transform_9(%arg0: i32) -> (i32, i32) {
    %c0_i32 = arith.constant 0 : i32
    %c0_i32_0 = arith.constant 0 : i32
    %c0_i32_1 = arith.constant 0 : i32
    return %c0_i32, %c0_i32_0 : i32, i32
  }
  func.func @transform_10(%arg0: i32) -> (i32, i32) {
    %c0_i32 = arith.constant 0 : i32
    %c0_i32_0 = arith.constant 0 : i32
    %c0_i32_1 = arith.constant 0 : i32
    return %c0_i32, %c0_i32_0 : i32, i32
  }
}

</mosaic_0001>

<sc_bundles>
// kernel: kernel.6.cloned.1.call-start
scs
__scs_entry_jumppad:
0x0: {  	(pc) =	sbr.rel $0x88, $3  }
0x1: {  	(tag) =	ssettag $0x0;
	lr =	simm.s32 $0x1  }
0x2: {  	[smem:$0x3F94] =	sst lr;
	_ =	strace $0xD0000000  }
0x3: {  	_ = 	snop  }
0x4: {  	_ = 	snop  }
0x5: {  	_ = 	snop  }
0x6: {  	_ = 	snop  }
0x7: {  	_ = 	snop  }
__scs_overlays_trampoline_lowered:
0x8: {  	[smem:$0x3FA3] =	sst s0  }
0x9: {  	[smem:$0x3FA4] =	sst s1  }
0xa: {  	[smem:$0x3FA5] =	sst s2  }
0xb: {  	[smem:$0x3FA6] =	sst s3  }
0xc: {  	[smem:$0x3FA7] =	sst s4  }
0xd: {  	[smem:$0x3FA8] =	sst s5  }
0xe: {  	[smem:$0x3FA9] =	sst s6  }
0xf: {  	[smem:$0x3FAA] =	sst s7  }
0x10: {  	[smem:$0x3FAB] =	sst s8  }
0x11: {  	[smem:$0x3FAC] =	sst s9;
	s0 =	simm.s32 @!p0 $0x0  }
0x12: {  	s1 =	sld [smem:$0x3F92];
	s0 =	simm.s32 @p0 $0x1  }
0x13: {  	[smem:$0x3FAD] =	sst s0;
	s0 =	simm.s32 @!p1 $0x0  }
0x14: {  	s2 =	sld [smem:$0x3F91];
	s0 =	simm.s32 @p1 $0x1  }
0x15: {  	[smem:$0x3FAE] =	sst s0;
	s0 =	simm.s32 @!p2 $0x0  }
0x16: {  	s3 =	sld [smem:$0x3FDB];
	s0 =	simm.s32 @p2 $0x1  }
0x17: {  	s4 =	simm.s32 $0x1BF5;
	[smem:$0x3FB0] =	sst s0  }
0x18: {  	s0 =	sld [smem:$0x3F93];
	_ =	swait.ge [sflag:s4], $0x0  }
0x19: {  	s7 =	sld [smem:$0x3F94]  }
0x1a: {  	s8 =	sadd.s32 $0xFFFFE003, lr  }
0x1b: {  	s9 =	sadd.s32 $0xFFFFFEF7, lr;
	s5 =	simm.s32 $0xFFFFFFFF;
	p2 =	slt.u32 s8, $0xFFFFF086  }
0x1c: {  	p1 =	slt.u32 s9, $0xF7A;
	s5 =	simm.s32 @!p2 $0x0  }
0x1d: {  	s5 =	simm.s32 @p1 $0x1;
	p0 =	seq.s32 s7, s2  }
0x1e: {  	s7 =	smul.u32 @!p0 $0xF7A, s2;
	p2 =	seq.s32 @!p0 s5, $0x0  }
0x1f: {  	s9 =	smul.u32 $0xF7A, s1;
	s8 =	simm.s32 @!p0 $0x1BF5;
	p2 =	por !p2, p0  }
0x20: {  	[sflag:s8] =	ssyncset.s32 @!p0 $0xFFFFF086;
	s6 =	sadd.s32 @!p0 s3, s7;
	s7 =	simm.s32 @!p0 $0x108  }
0x21: {  	s3 =	sadd.s32 s3, s9;
	s6 =	sadd.s32 @!p0 $0x88, s6;
	s7 =	simm.s32 @p2 $0x1082  }
0x22: {  	[simem:s7], [sflag:s8] =	dma.local @!p0 [hbm:s6], $0xF7A  }
0x23: {  	s9 =	sor.u32 $0xD0000000, s2;
	s6 =	simm.s32 $0x108;
	_ =	swait.ge @!p0 [sflag:s8], $0x0  }
0x24: {  	s3 =	sadd.s32 $0x88, s3;
	s6 =	simm.s32 @!p1 $0x1082;
	[sflag:s4] =	ssyncset.s32 $0xFFFFF086  }
0x25: {  	[simem:s6], [sflag:s4] =	dma.local [hbm:s3], $0xF7A  }
0x26: {  	[smem:$0x3F94] =	sst s1;
	(tag) =	ssettag s2;
	_ =	strace s9  }
0x27: {  	s1 =	sld [smem:$0x3FA4]  }
0x28: {  	s2 =	sld [smem:$0x3FA5]  }
0x29: {  	s4 =	sld [smem:$0x3FA7]  }
0x2a: {  	p0 =	seq.s32 s5, $0x0;
	s5 =	sld [smem:$0x3FA8]  }
0x2b: {  	s6 =	sld [smem:$0x3FA9]  }
0x2c: {  	s7 =	sld [smem:$0x3FAA]  }
0x2d: {  	s3 =	simm.s32 $0x108;
	s8 =	sld [smem:$0x3FAB]  }
0x2e: {  	s3 =	simm.s32 @!p0 $0x1082;
	s9 =	sld [smem:$0x3FAC]  }
0x2f: {  	lr =	sadd.s32 s0, s3;
	s0 =	sld [smem:$0x3FA3]  }
0x30: {  	s3 =	sld [smem:$0x3FA6]  }
0x31: {  	[smem:$0x3FAF] =	sst s10  }
0x32: {  	s10 =	sld [smem:$0x3FAD];
	_ =	sdelay $0x3  }
0x33: {  	p0 =	seq.s32 s10, $0x1;
	s10 =	sld [smem:$0x3FAF];
	_ =	sdelay $0x3  }
0x34: {  	[smem:$0x3FAF] =	sst s10  }
0x35: {  	s10 =	sld [smem:$0x3FAE];
	_ =	sdelay $0x3  }
0x36: {  	p1 =	seq.s32 s10, $0x1;
	s10 =	sld [smem:$0x3FAF];
	_ =	sdelay $0x3  }
0x37: {  	[smem:$0x3FAF] =	sst s10  }
0x38: {  	s10 =	sld [smem:$0x3FB0]  }
0x39: {  	_ = 	snop;
	(pc) =	sbr.ind lr, $3  }
0x3a: {  	_ = 	snop  }
0x3b: {  	_ = 	snop  }
0x3c: {  	p2 =	seq.s32 s10, $0x1;
	s10 =	sld [smem:$0x3FAF]  }
0x3d: {  	_ =	shalt  }
0x3e: {  	_ =	shalt  }
0x3f: {  	_ =	shalt  }
0x40: {  	_ =	shalt  }
0x41: {  	_ =	shalt  }
0x42: {  	_ =	shalt  }
0x43: {  	_ =	shalt  }
0x44: {  	_ =	shalt  }
0x45: {  	_ =	shalt  }
0x46: {  	_ =	shalt  }
0x47: {  	_ =	shalt  }
0x48: {  	_ =	shalt  }
0x49: {  	_ =	shalt  }
0x4a: {  	_ =	shalt  }
0x4b: {  	_ =	shalt  }
0x4c: {  	_ =	shalt  }
0x4d: {  	_ =	shalt  }
0x4e: {  	_ =	shalt  }
0x4f: {  	_ =	shalt  }
0x50: {  	_ =	shalt  }
0x51: {  	_ =	shalt  }
0x52: {  	_ =	shalt  }
0x53: {  	_ =	shalt  }
0x54: {  	_ =	shalt  }
0x55: {  	_ =	shalt  }
0x56: {  	_ =	shalt  }
0x57: {  	_ =	shalt  }
0x58: {  	_ =	shalt  }
0x59: {  	_ =	shalt  }
0x5a: {  	_ =	shalt  }
0x5b: {  	_ =	shalt  }
0x5c: {  	_ =	shalt  }
0x5d: {  	_ =	shalt  }
0x5e: {  	_ =	shalt  }
0x5f: {  	_ =	shalt  }
0x60: {  	_ =	shalt  }
0x61: {  	_ =	shalt  }
0x62: {  	_ =	shalt  }
0x63: {  	_ =	shalt  }
0x64: {  	_ =	shalt  }
0x65: {  	_ =	shalt  }
0x66: {  	_ =	shalt  }
0x67: {  	_ =	shalt  }
0x68: {  	_ =	shalt  }
0x69: {  	_ =	shalt  }
0x6a: {  	_ =	shalt  }
0x6b: {  	_ =	shalt  }
0x6c: {  	_ =	shalt  }
0x6d: {  	_ =	shalt  }
0x6e: {  	_ =	shalt  }
0x6f: {  	_ =	shalt  }
0x70: {  	_ =	shalt  }
0x71: {  	_ =	shalt  }
0x72: {  	_ =	shalt  }
0x73: {  	_ =	shalt  }
0x74: {  	_ =	shalt  }
0x75: {  	_ =	shalt  }
0x76: {  	_ =	shalt  }
0x77: {  	_ =	shalt  }
0x78: {  	_ =	shalt  }
0x79: {  	_ =	shalt  }
0x7a: {  	_ =	shalt  }
0x7b: {  	_ =	shalt  }
0x7c: {  	_ =	shalt  }
0x7d: {  	_ =	shalt  }
0x7e: {  	_ =	shalt  }
0x7f: {  	_ =	shalt  }
0x80: {  	_ =	shalt  }
0x81: {  	_ =	shalt  }
0x82: {  	_ =	shalt  }
0x83: {  	_ =	shalt  }
0x84: {  	_ =	shalt  }
0x85: {  	_ =	shalt  }
0x86: {  	_ =	shalt  }
0x87: {  	_ =	shalt  }
.Lfunc_end0:
.L_simem_size_0:
called_computation_lowered:
.L_overlay_start_0:
0x88: {  	s2 =	sld [smem:$0x3FD9]  }
0x89: {  	s3 =	sld [smem:$0x3FFE];
	_ =	sdelay $0x1  }
0x8a: {  	s1 =	srdreg.scid  }
0x8b: {  	s0 =	sand.u32 $0x1, s1  }
0x8c: {  	s17 =	sshll.u32 s0, $0xA;
	s2 =	sadd.s32 s3, s2  }
0x8d: {  	s2 =	sadd.s32 s2, s17  }
0x8e: {  	[smem:$0x3FBB] =	sst s2  }
0x8f: {  	_ = 	snop  }
0x90: {  	s2 =	sld [smem:$0x3FC9];
	(tm) =	ssettm $0x1  }
0x91: {  	s18 =	sld [smem:$0x3FFB];
	_ =	sdelay $0x3  }
0x92: {  	_ =	strace s18  }
0x93: {  	s3 =	sld [smem:$0x3FFC];
	_ =	sdelay $0x3  }
0x94: {  	_ =	strace s3  }
0x95: {  	s3 =	sld [smem:$0x3FFD];
	_ =	sdelay $0x3  }
0x96: {  	_ =	strace s3  }
0x97: {  	_ =	strace $0x8FFFFFFF  }
0x98: {  	s19 =	sld [smem:$0x3FDB];
	_ =	sdelay $0x1  }
0x99: {  	s4 =	simm.s32 $_scs_section_size  }
0x9a: {  	s5 =	simm.s32 $_size__tile_overlayer_lowered;
	s6 =	simm.s32 $_tile_overlayer_lowered  }
0x9b: {  	s22 =	simm.s32 $0x1BFF;
	s21 =	sshll.u32 s6, $0x1;
	s3 =	sadd.s32 s4, s19  }
0x9c: {  	s7 =	simm.s32 $0x0;
	s20 =	sshll.u32 s5, $0x1;
	s5 =	sadd.s32 s21, s3  }
0x9d: {  	[timem:s7], [sflag:s22] =	dma.local [hbm:s5], s20  }
0x9e: {  	_ =	swait.ge [sflag:s22], s20  }
0x9f: {  	s4 =	ssub.s32 $0x0, s20;
	[sflag:s22] =	ssyncset.done $0x0  }
0xa0: {  	[sflag:s22] =	ssyncadd.s32 s4;
	_ =	sdelay $0x1  }
0xa1: {  	s23 =	simm.s32 $0x1B8B  }
0xa2: {  	_ =	swait.ge [sflag:s23], $0x1  }
0xa3: {  	[sflag:s23] =	ssyncset.done $0x0  }
0xa4: {  	s25 =	simm.s32 $0x1B8E;
	s24 =	sld [smem:$0x3FFE];
	[sflag:s23] =	ssyncadd.s32 $0xFFFFFFFF  }
0xa5: {  	s26 =	simm.s32 $execute0_lowered;
	[smem:$0x3FD2] =	sst s25  }
0xa6: {  	s5 =	sshll.u32 s26, $0x1;
	_ =	strace $0x80000046;
	[dreg:$0x1] =	wrdreg $0xFFFFFFFF  }
0xa7: {  	s28 =	simm.s32 $_size_execute0_lowered;
	s3 =	sadd.s32 s3, s5;
	[dreg:$0x0] =	wrdreg $0x0  }
0xa8: {  	s5 =	sshll.u32 s28, $0x1;
	[dreg:$0x2] =	wrdreg s3  }
0xa9: {  	[dreg:$0x3] =	wrdreg s5  }
0xaa: {  	[dreg:$0x4] =	wrdreg $0xC0  }
0xab: {  	_ =	task [dreg:s7], $0x5FFFF  }
0xac: {  	[dreg:$0x1] =	wrdreg $0xFFFFFFFF  }
0xad: {  	[dreg:$0x0] =	wrdreg $0x60  }
0xae: {  	[dreg:$0x2] =	wrdreg s2  }
0xaf: {  	[dreg:$0x3] =	wrdreg s24  }
0xb0: {  	[dreg:$0x4] =	wrdreg $0x48000  }
0xb1: {  	[dreg:$0x5] =	wrdreg $0x9  }
0xb2: {  	_ =	task.clear_ibuf [dreg:s7], $0x6FFFF;
	_ =	strace $0x90000046  }
0xb3: {  	s29 =	simm.s32 $0x9;
	_ =	strace $0x80000048  }
0xb4: {  	_ =	swait.ge [sflag:s29], $0x1  }
0xb5: {  	[sflag:s29] =	ssyncadd.s32 $0xFFFFFFFF  }
0xb6: {  	_ =	strace $0x90000048  }
0xb7: {  	_ =	sfence  }
0xb8: {  	s30 =	sld [smem:$0x0];
	_ =	sdelay $0x2  }
0xb9: {  	s31 =	sshll.u32 s1, $0xD;
	s1 =	sshrl.u32 s1, $0x2  }
0xba: {  	s3 =	sand.u32 $0x4000, s31;
	s1 =	sadd.s32 s1, s30  }
0xbb: {  	s0 =	sor.u32 s3, s0;
	s1 =	sshll.u32 s1, $0x11  }
0xbc: {  	s0 =	sor.u32 s1, s0  }
0xbd: {  	s0 =	sadd.s32 $0x8F2B, s0  }
0xbe: {  	[sflag:s0] =	ssyncadd.remote.s32 $0x1  }
0xbf: {  	_ =	sfence.sel $0xFFFF  }
0xc0: {  	[dreg:$0x0] =	wrdreg $0xFFFFFFFF;
	(pc) =	sbr.abs _section_cstart, $3  }
0xc1: {  	[dreg:$0x1] =	wrdreg $0xFFFFFFFF  }
0xc2: {  	_ =	task.clear_ibuf [dreg:s7], $0x2FFFF;
	_ =	strace $0x9FFFFFFF  }
0xc3: {  	(tm) =	ssettm $0x7FFFFFFF  }
tec
execute0_lowered:
.L_overlay_start_1:
0x0: {  	(tag) =	ssettag $0x1  }
0x1: {  	s0 =	srdreg.scid;
	s1 =	rddreg [dreg:$0x0]  }
0x2: {  	s23 =	stileid.u32;
	s5 =	rddreg [dreg:$0x1]  }
0x3: {  	s3 =	rddreg [dreg:$0x2];
	s4 =	simm.s32 $0x0;
	s31 =	simm.s32 $0x0  }
0x4: {  	s0 =	sand.u32 $0x1, s0;
	[smem:$0x7FF] =	sst s4;
	s11 =	smul.u32 $0x280, s23  }
0x5: {  	s7 =	smul.u32 $0x50000, s23;
	s8 =	sadd.s32 $0x2A600, s5;
	s2 =	sshll.u32 s0, $0x4  }
0x6: {  	s6 =	smul.u32 $0x28000, s0;
	_ =	strace $0x80000047;
	s0 =	ssub.s32 $0x2, s0  }
0x7: {  	[dreg:$0x4] =	wrdreg s8;
	s2 =	sor.u32 s23, s2;
	s12 =	sshrl.u32 s0, $0x1  }
0x8: {  	s7 =	sshrl.u32 s7, $0x2;
	s16 =	sor.u32 $0x50, s11;
	s17 =	sadd.s32 $0xA0, s11  }
0x9: {  	s18 =	sadd.s32 $0xF0, s11;
	s19 =	sadd.s32 $0x140, s11;
	s20 =	sadd.s32 $0x190, s11  }
0xa: {  	s21 =	sadd.s32 $0x1E0, s11;
	s22 =	sadd.s32 $0x230, s11;
	s23 =	smul.u32 $0x2800, s23  }
0xb: {  	s2 =	smul.u32 $0xA00, s2;
	s0 =	ssub.s32 s0, s12;
	s13 =	sshll.u32 s16, $0x7  }
0xc: {  	s14 =	sshll.u32 s17, $0x7;
	s9 =	sshll.u32 s18, $0x7;
	s10 =	sshll.u32 s19, $0x7  }
0xd: {  	s12 =	sshll.u32 s20, $0x7;
	s15 =	sshll.u32 s22, $0x7;
	s16 =	sshll.u32 s16, $0x4  }
0xe: {  	s24 =	sshll.u32 s17, $0x4;
	s25 =	sshll.u32 s18, $0x4;
	s26 =	sshll.u32 s19, $0x4  }
0xf: {  	s28 =	sshll.u32 s20, $0x4;
	s29 =	sshll.u32 s21, $0x4;
	s30 =	sshll.u32 s22, $0x4  }
0x10: {  	s8 =	sadd.s32 s14, s3;
	s9 =	sadd.s32 s9, s3;
	s10 =	sadd.s32 s10, s3  }
0x11: {  	s11 =	sadd.s32 s12, s3;
	s2 =	sadd.s32 s2, s5;
	s5 =	sadd.s32 s6, s5  }
0x12: {  	s6 =	sadd.s32 s7, s3;
	s7 =	sadd.s32 s13, s3;
	s13 =	sshll.u32 s21, $0x7  }
0x13: {  	s0 =	smax.u32 s0, $0x1;
	s12 =	sadd.s32 s13, s3;
	s13 =	sadd.s32 s15, s3  }
0x14: {  	s14 =	sadd.s32 $0x2600, s2;
	s15 =	sadd.s32 $0x16600, s2;
	s2 =	sadd.s32 $0x2AC00, s5  }
0x15: {  	[dreg:$0x5] =	wrdreg s0;
	s22 =	sadd.s32 s23, s2;
	s18 =	sadd.s32 s16, s2  }
0x16: {  	s19 =	sadd.s32 s24, s2;
	s20 =	sadd.s32 s25, s2;
	s21 =	sadd.s32 s26, s2  }
0x17: {  	s23 =	sadd.s32 s29, s2;
	s24 =	sadd.s32 s30, s2;
	s25 =	simm.s32 $0x2000  }
0x18: {  	s26 =	simm.s32 $0x2;
	s29 =	simm.s32 $0x50;
	s30 =	simm.s32 $0x1  }
0x19: {  	[dreg:$0x6] =	wrdreg s22;
	s22 =	sadd.s32 s28, s2;
	s28 =	simm.s32 $0x1000  }
.LBB2_1:
0x1a: {  	s0 =	rddreg [dreg:$0x4]  }
0x1b: {  	[tilespmem:s25], [sflag:$0x2] =	stream.linear.gather [hbm4b:s0+s4], $0x2800, $0x38;
	[tilespmem:$0x18800] =	vst v63  }
0x1c: {  	_ =	swait.ge [sflag:s26], $0x2800  }
0x1d: {  	[sflag:s26] =	ssyncset.done $0x0  }
0x1e: {  	[sflag:s26] =	ssyncadd.s32 $0xFFFFD800  }
0x1f: {  	[spmem:s6] =	stream.linear.scatter [tilespmem:s25], [sflag:$0x2], $0x2800, $0x38;
	[tilespmem:$0x18800] =	vst v63  }
0x20: {  	_ =	swait.ge [sflag:s26], $0x2800  }
0x21: {  	[sflag:s26] =	ssyncset.done $0x0  }
0x22: {  	[sflag:s26] =	ssyncadd.s32 $0xFFFFD800  }
0x23: {  	[spmem:s7] =	stream.linear.scatter [tilespmem:s25], [sflag:$0x2], $0x2800, $0x38;
	[tilespmem:$0x18800] =	vst v63  }
0x24: {  	_ =	swait.ge [sflag:s26], $0x2800  }
0x25: {  	[sflag:s26] =	ssyncset.done $0x0  }
0x26: {  	[sflag:s26] =	ssyncadd.s32 $0xFFFFD800  }
0x27: {  	[spmem:s8] =	stream.linear.scatter [tilespmem:s25], [sflag:$0x2], $0x2800, $0x38;
	[tilespmem:$0x18800] =	vst v63  }
0x28: {  	_ =	swait.ge [sflag:s26], $0x2800  }
0x29: {  	[sflag:s26] =	ssyncset.done $0x0  }
0x2a: {  	[sflag:s26] =	ssyncadd.s32 $0xFFFFD800  }
0x2b: {  	[spmem:s9] =	stream.linear.scatter [tilespmem:s25], [sflag:$0x2], $0x2800, $0x38;
	[tilespmem:$0x18800] =	vst v63  }
0x2c: {  	_ =	swait.ge [sflag:s26], $0x2800  }
0x2d: {  	[sflag:s26] =	ssyncset.done $0x0  }
0x2e: {  	[sflag:s26] =	ssyncadd.s32 $0xFFFFD800  }
0x2f: {  	[spmem:s10] =	stream.linear.scatter [tilespmem:s25], [sflag:$0x2], $0x2800, $0x38;
	[tilespmem:$0x18800] =	vst v63  }
0x30: {  	_ =	swait.ge [sflag:s26], $0x2800  }
0x31: {  	[sflag:s26] =	ssyncset.done $0x0  }
0x32: {  	[sflag:s26] =	ssyncadd.s32 $0xFFFFD800  }
0x33: {  	[spmem:s11] =	stream.linear.scatter [tilespmem:s25], [sflag:$0x2], $0x2800, $0x38;
	[tilespmem:$0x18800] =	vst v63  }
0x34: {  	_ =	swait.ge [sflag:s26], $0x2800  }
0x35: {  	[sflag:s26] =	ssyncset.done $0x0  }
0x36: {  	[sflag:s26] =	ssyncadd.s32 $0xFFFFD800  }
0x37: {  	[spmem:s12] =	stream.linear.scatter [tilespmem:s25], [sflag:$0x2], $0x2800, $0x38;
	[tilespmem:$0x18800] =	vst v63  }
0x38: {  	_ =	swait.ge [sflag:s26], $0x2800  }
0x39: {  	[sflag:s26] =	ssyncset.done $0x0  }
0x3a: {  	[sflag:s26] =	ssyncadd.s32 $0xFFFFD800  }
0x3b: {  	[spmem:s13] =	stream.linear.scatter [tilespmem:s25], [sflag:$0x2], $0x2800, $0x38;
	[tilespmem:$0x18800] =	vst v63  }
0x3c: {  	_ =	swait.ge [sflag:s26], $0x2800  }
0x3d: {  	[sflag:s26] =	ssyncset.done $0x0  }
0x3e: {  	[sflag:s26] =	ssyncadd.s32 $0xFFFFD800  }
0x3f: {  	s2 =	simm.s32 $0x0;
	[bflag:$0x0] =	sbarrier.arrive $0xFFFF  }
.LBB2_2:
0x40: {  	s0 =	sshll.u32 s2, $0x9  }
0x41: {  	s16 =	simm.s32 $0x0;
	s5 =	sadd.s32 s0, s14  }
0x42: {  	[tilespmem:s16], [sflag:$0x2] =	stream.linear.gather [hbm4b:s5+s16], $0xC80, $0x38;
	[tilespmem:$0x18800] =	vst v63  }
0x43: {  	_ =	swait.ge [sflag:s26], $0xC80  }
0x44: {  	[sflag:s26] =	ssyncset.done $0x0  }
0x45: {  	s0 =	sadd.s32 s0, s15;
	[sflag:s26] =	ssyncadd.s32 $0xFFFFF380  }
0x46: {  	[tilespmem:s28], [sflag:$0x2] =	stream.linear.gather [hbm4b:s0+s16], $0xC80, $0x38;
	[tilespmem:$0x18800] =	vst v63  }
0x47: {  	_ =	swait.ge [sflag:s26], $0xC80  }
0x48: {  	[sflag:s26] =	ssyncset.done $0x0  }
0x49: {  	s16 =	simm.s32 $0x0;
	[sflag:s26] =	ssyncadd.s32 $0xFFFFF380  }
0x4a: {  	[tilespmem:s25], [sflag:$0x1] =	stream.indirect.gather [hbm4b:s1+s29], $0x80, s16, s29, $0xb8;
	[tilespmem:$0x18800] =	vst v63  }
0x4b: {  	_ =	swait.ge [sflag:s30], $0x2800  }
0x4c: {  	[sflag:s30] =	ssyncset.done $0x0  }
0x4d: {  	s17 =	simm.s32 $0x1000;
	[sflag:s30] =	ssyncadd.s32 $0xFFFFD800  }
0x4e: {  	[spmem:s3] =	stream.indirect.scatter.add.f32 [tilespmem:s25], [sflag:$0x2], $0x80, s17, s29, $0xb8;
	[tilespmem:$0x18800] =	vst v63  }
0x4f: {  	_ =	swait.ge [sflag:s26], $0x2800  }
0x50: {  	s5 =	simm.s32 $0x400;
	s0 =	simm.s32 $0x200;
	[sflag:s26] =	ssyncset.done $0x0  }
.LBB2_3:
0x51: {  	s16 =	sshra.s32 s0, $0x2  }
0x52: {  	[sflag:s26] =	ssyncadd.s32 $0xFFFFD800;
	s0 =	smov.u32 s5;
	s17 =	sadd.s32 $0x200, s5  }
0x53: {  	[tilespmem:s25], [sflag:$0x1] =	stream.indirect.gather [hbm4b:s1+s29], $0x80, s16, s29, $0xb8;
	[tilespmem:$0x18800] =	vst v63  }
0x54: {  	p0 =	sne.s32 s5, $0x3000;
	_ =	swait.ge [sflag:s30], $0x2800  }
.Ltmp0:
0x55: {  	[sflag:s30] =	ssyncset.done $0x0;
	(pc) =	sbr.rel @p0 .LBB2_3-.Ltmp0, $4  }
0x56: {  	s5 =	sadd.s32 $0x1000, s16;
	[sflag:s30] =	ssyncadd.s32 $0xFFFFD800  }
0x57: {  	[spmem:s3] =	stream.indirect.scatter.add.f32 [tilespmem:s25], [sflag:$0x2], $0x80, s5, s29, $0xb8;
	[tilespmem:$0x18800] =	vst v63  }
0x58: {  	_ =	swait.ge [sflag:s26], $0x2800  }
0x59: {  	s5 =	smov.u32 s17;
	[sflag:s26] =	ssyncset.done $0x0  }
0x5a: {  	s0 =	sshra.s32 s0, $0x2;
	[sflag:s26] =	ssyncadd.s32 $0xFFFFD800  }
0x5b: {  	[tilespmem:s25], [sflag:$0x1] =	stream.indirect.gather [hbm4b:s1+s29], $0x80, s0, s29, $0xb8;
	[tilespmem:$0x18800] =	vst v63  }
0x5c: {  	s2 =	sadd.s32 $0x1, s2;
	_ =	swait.ge [sflag:s30], $0x2800  }
0x5d: {  	p0 =	sne.s32 s2, $0x5;
	[sflag:s30] =	ssyncset.done $0x0  }
.Ltmp1:
0x5e: {  	s0 =	sadd.s32 $0x1000, s0;
	[sflag:s30] =	ssyncadd.s32 $0xFFFFD800;
	(pc) =	sbr.rel @p0 .LBB2_2-.Ltmp1, $4  }
0x5f: {  	[spmem:s3] =	stream.indirect.scatter.add.f32 [tilespmem:s25], [sflag:$0x2], $0x80, s0, s29, $0xb8;
	[tilespmem:$0x18800] =	vst v63  }
0x60: {  	_ =	swait.ge [sflag:s26], $0x2800  }
0x61: {  	[sflag:s26] =	ssyncset.done $0x0  }
0x62: {  	[sflag:s26] =	ssyncadd.s32 $0xFFFFD800  }
0x63: {  	[bflag:$0x0] =	sbarrier.arrive $0xFFFF  }
0x64: {  	[tilespmem:s25], [sflag:$0x2] =	stream.linear.gather [spmem:s6], $0x2800, $0x38;
	[tilespmem:$0x18800] =	vst v63  }
0x65: {  	_ =	swait.ge [sflag:s26], $0x2800  }
0x66: {  	[sflag:s26] =	ssyncset.done $0x0  }
0x67: {  	s0 =	rddreg [dreg:$0x6];
	[sflag:s26] =	ssyncadd.s32 $0xFFFFD800  }
0x68: {  	[hbm4b:s0+s4] =	stream.linear.scatter [tilespmem:s25], [sflag:$0x2], $0x2800, $0x38;
	[tilespmem:$0x18800] =	vst v63  }
0x69: {  	_ =	swait.ge [sflag:s26], $0x2800  }
0x6a: {  	[sflag:s26] =	ssyncset.done $0x0  }
0x6b: {  	[sflag:s26] =	ssyncadd.s32 $0xFFFFD800  }
0x6c: {  	[tilespmem:s25], [sflag:$0x2] =	stream.linear.gather [spmem:s7], $0x2800, $0x38;
	[tilespmem:$0x18800] =	vst v63  }
0x6d: {  	_ =	swait.ge [sflag:s26], $0x2800  }
0x6e: {  	[sflag:s26] =	ssyncset.done $0x0  }
0x6f: {  	[sflag:s26] =	ssyncadd.s32 $0xFFFFD800  }
0x70: {  	[hbm4b:s18+s4] =	stream.linear.scatter [tilespmem:s25], [sflag:$0x2], $0x2800, $0x38;
	[tilespmem:$0x18800] =	vst v63  }
0x71: {  	_ =	swait.ge [sflag:s26], $0x2800  }
0x72: {  	[sflag:s26] =	ssyncset.done $0x0  }
0x73: {  	[sflag:s26] =	ssyncadd.s32 $0xFFFFD800  }
0x74: {  	[tilespmem:s25], [sflag:$0x2] =	stream.linear.gather [spmem:s8], $0x2800, $0x38;
	[tilespmem:$0x18800] =	vst v63  }
0x75: {  	_ =	swait.ge [sflag:s26], $0x2800  }
0x76: {  	[sflag:s26] =	ssyncset.done $0x0  }
0x77: {  	[sflag:s26] =	ssyncadd.s32 $0xFFFFD800  }
0x78: {  	[hbm4b:s19+s4] =	stream.linear.scatter [tilespmem:s25], [sflag:$0x2], $0x2800, $0x38;
	[tilespmem:$0x18800] =	vst v63  }
0x79: {  	_ =	swait.ge [sflag:s26], $0x2800  }
0x7a: {  	[sflag:s26] =	ssyncset.done $0x0  }
0x7b: {  	[sflag:s26] =	ssyncadd.s32 $0xFFFFD800  }
0x7c: {  	[tilespmem:s25], [sflag:$0x2] =	stream.linear.gather [spmem:s9], $0x2800, $0x38;
	[tilespmem:$0x18800] =	vst v63  }
0x7d: {  	_ =	swait.ge [sflag:s26], $0x2800  }
0x7e: {  	[sflag:s26] =	ssyncset.done $0x0  }
0x7f: {  	[sflag:s26] =	ssyncadd.s32 $0xFFFFD800  }
0x80: {  	[hbm4b:s20+s4] =	stream.linear.scatter [tilespmem:s25], [sflag:$0x2], $0x2800, $0x38;
	[tilespmem:$0x18800] =	vst v63  }
0x81: {  	_ =	swait.ge [sflag:s26], $0x2800  }
0x82: {  	[sflag:s26] =	ssyncset.done $0x0  }
0x83: {  	[sflag:s26] =	ssyncadd.s32 $0xFFFFD800  }
0x84: {  	[tilespmem:s25], [sflag:$0x2] =	stream.linear.gather [spmem:s10], $0x2800, $0x38;
	[tilespmem:$0x18800] =	vst v63  }
0x85: {  	_ =	swait.ge [sflag:s26], $0x2800  }
0x86: {  	[sflag:s26] =	ssyncset.done $0x0  }
0x87: {  	[sflag:s26] =	ssyncadd.s32 $0xFFFFD800  }
0x88: {  	[hbm4b:s21+s4] =	stream.linear.scatter [tilespmem:s25], [sflag:$0x2], $0x2800, $0x38;
	[tilespmem:$0x18800] =	vst v63  }
0x89: {  	_ =	swait.ge [sflag:s26], $0x2800  }
0x8a: {  	[sflag:s26] =	ssyncset.done $0x0  }
0x8b: {  	[sflag:s26] =	ssyncadd.s32 $0xFFFFD800  }
0x8c: {  	[tilespmem:s25], [sflag:$0x2] =	stream.linear.gather [spmem:s11], $0x2800, $0x38;
	[tilespmem:$0x18800] =	vst v63  }
0x8d: {  	_ =	swait.ge [sflag:s26], $0x2800  }
0x8e: {  	[sflag:s26] =	ssyncset.done $0x0  }
0x8f: {  	[sflag:s26] =	ssyncadd.s32 $0xFFFFD800  }
0x90: {  	[hbm4b:s22+s4] =	stream.linear.scatter [tilespmem:s25], [sflag:$0x2], $0x2800, $0x38;
	[tilespmem:$0x18800] =	vst v63  }
0x91: {  	_ =	swait.ge [sflag:s26], $0x2800  }
0x92: {  	[sflag:s26] =	ssyncset.done $0x0  }
0x93: {  	[sflag:s26] =	ssyncadd.s32 $0xFFFFD800  }
0x94: {  	[tilespmem:s25], [sflag:$0x2] =	stream.linear.gather [spmem:s12], $0x2800, $0x38;
	[tilespmem:$0x18800] =	vst v63  }
0x95: {  	_ =	swait.ge [sflag:s26], $0x2800  }
0x96: {  	[sflag:s26] =	ssyncset.done $0x0  }
0x97: {  	[sflag:s26] =	ssyncadd.s32 $0xFFFFD800  }
0x98: {  	[hbm4b:s23+s4] =	stream.linear.scatter [tilespmem:s25], [sflag:$0x2], $0x2800, $0x38;
	[tilespmem:$0x18800] =	vst v63  }
0x99: {  	_ =	swait.ge [sflag:s26], $0x2800  }
0x9a: {  	[sflag:s26] =	ssyncset.done $0x0  }
0x9b: {  	[sflag:s26] =	ssyncadd.s32 $0xFFFFD800  }
0x9c: {  	[tilespmem:s25], [sflag:$0x2] =	stream.linear.gather [spmem:s13], $0x2800, $0x38;
	[tilespmem:$0x18800] =	vst v63  }
0x9d: {  	_ =	swait.ge [sflag:s26], $0x2800  }
0x9e: {  	[sflag:s26] =	ssyncset.done $0x0  }
0x9f: {  	[sflag:s26] =	ssyncadd.s32 $0xFFFFD800  }
0xa0: {  	[hbm4b:s24+s4] =	stream.linear.scatter [tilespmem:s25], [sflag:$0x2], $0x2800, $0x38;
	[tilespmem:$0x18800] =	vst v63  }
0xa1: {  	_ =	swait.ge [sflag:s26], $0x2800  }
0xa2: {  	s31 =	sadd.s32 $0x1, s31;
	s17 =	rddreg [dreg:$0x5]  }
0xa3: {  	p0 =	sne.s32 s31, s17  }
.Ltmp2:
0xa4: {  	_ = 	snop;
	(pc) =	sbr.rel @p0 .LBB2_1-.Ltmp2, $3  }
0xa5: {  	_ =	sdelay $0x1  }
0xa6: {  	[sflag:s26] =	ssyncset.done $0x0  }
0xa7: {  	[sflag:s26] =	ssyncadd.s32 $0xFFFFD800  }
0xa8: {  	_ =	sfence.sel $0x180000  }
0xa9: {  	[bflag:$0x0] =	sbarrier.arrive $0xFFFF  }
0xaa: {  	_ =	strace $0x90000047  }
0xab: {  	s0 =	stileid.u32;
	[bflag:$0x2] =	sbarrier.arrive $0xFFFF  }
0xac: {  	p0 =	sne.s32 s0, $0x0;
	s0 =	rddreg [dreg:$0x3]  }
0xad: {  	s0 =	sadd.s32 @!p0 $0x100000, s0  }
0xae: {  	[sflag:s0] =	ssyncadd.tile.s32 @!p0 $0x1;
	_ =	shalt  }
.Lfunc_end2:
_tile_overlayer_lowered:
.L_overlay_start_2:
0xaf: {  	(tag) =	ssettag $0x2  }
0xb0: {  	s0 =	rddreg [dreg:$0x0];
	s2 =	stileid.u32  }
0xb1: {  	s1 =	rddreg [dreg:$0x1];
	p0 =	sne.s32 s2, $0x0  }
0xb2: {  	s3 =	rddreg [dreg:$0x2];
	[bflag:$0x3] =	sbarrier.arrive $0xFFFF;
	s2 =	simm.s32 @!p0 $0x1C02  }
0xb3: {  	[timem:s3], [sflag:s2] =	dma.local @!p0 [hbm:s0], s1  }
0xb4: {  	s0 =	simm.s32 @!p0 $0x2  }
0xb5: {  	_ =	swait.ge @!p0 [sflag:s0], s1  }
0xb6: {  	s1 =	ssub.s32 @!p0 $0x0, s1;
	[sflag:s0] =	ssyncset.done @!p0 $0x0  }
0xb7: {  	[sflag:s0] =	ssyncadd.s32 @!p0 s1  }
0xb8: {  	[bflag:$0x3] =	sbarrier.arrive $0xFFFF  }
0xb9: {  	_ =	shalt  }

// kernel: kernel.9.cloned.1.call-start
scs
__scs_entry_jumppad:
0x0: {  	(pc) =	sbr.rel $0x88, $3  }
0x1: {  	(tag) =	ssettag $0x0;
	lr =	simm.s32 $0x1  }
0x2: {  	[smem:$0x3F94] =	sst lr;
	_ =	strace $0xD0000000  }
0x3: {  	_ = 	snop  }
0x4: {  	_ = 	snop  }
0x5: {  	_ = 	snop  }
0x6: {  	_ = 	snop  }
0x7: {  	_ = 	snop  }
__scs_overlays_trampoline_lowered:
0x8: {  	[smem:$0x3FA3] =	sst s0  }
0x9: {  	[smem:$0x3FA4] =	sst s1  }
0xa: {  	[smem:$0x3FA5] =	sst s2  }
0xb: {  	[smem:$0x3FA6] =	sst s3  }
0xc: {  	[smem:$0x3FA7] =	sst s4  }
0xd: {  	[smem:$0x3FA8] =	sst s5  }
0xe: {  	[smem:$0x3FA9] =	sst s6  }
0xf: {  	[smem:$0x3FAA] =	sst s7  }
0x10: {  	[smem:$0x3FAB] =	sst s8  }
0x11: {  	[smem:$0x3FAC] =	sst s9;
	s0 =	simm.s32 @!p0 $0x0  }
0x12: {  	s1 =	sld [smem:$0x3F92];
	s0 =	simm.s32 @p0 $0x1  }
0x13: {  	[smem:$0x3FAD] =	sst s0;
	s0 =	simm.s32 @!p1 $0x0  }
0x14: {  	s2 =	sld [smem:$0x3F91];
	s0 =	simm.s32 @p1 $0x1  }
0x15: {  	[smem:$0x3FAE] =	sst s0;
	s0 =	simm.s32 @!p2 $0x0  }
0x16: {  	s3 =	sld [smem:$0x3FDB];
	s0 =	simm.s32 @p2 $0x1  }
0x17: {  	s4 =	simm.s32 $0x1BF5;
	[smem:$0x3FB0] =	sst s0  }
0x18: {  	s0 =	sld [smem:$0x3F93];
	_ =	swait.ge [sflag:s4], $0x0  }
0x19: {  	s7 =	sld [smem:$0x3F94]  }
0x1a: {  	s8 =	sadd.s32 $0xFFFFE003, lr  }
0x1b: {  	s9 =	sadd.s32 $0xFFFFFEF7, lr;
	s5 =	simm.s32 $0xFFFFFFFF;
	p2 =	slt.u32 s8, $0xFFFFF086  }
0x1c: {  	p1 =	slt.u32 s9, $0xF7A;
	s5 =	simm.s32 @!p2 $0x0  }
0x1d: {  	s5 =	simm.s32 @p1 $0x1;
	p0 =	seq.s32 s7, s2  }
0x1e: {  	s7 =	smul.u32 @!p0 $0xF7A, s2;
	p2 =	seq.s32 @!p0 s5, $0x0  }
0x1f: {  	s9 =	smul.u32 $0xF7A, s1;
	s8 =	simm.s32 @!p0 $0x1BF5;
	p2 =	por !p2, p0  }
0x20: {  	[sflag:s8] =	ssyncset.s32 @!p0 $0xFFFFF086;
	s6 =	sadd.s32 @!p0 s3, s7;
	s7 =	simm.s32 @!p0 $0x108  }
0x21: {  	s3 =	sadd.s32 s3, s9;
	s6 =	sadd.s32 @!p0 $0x88, s6;
	s7 =	simm.s32 @p2 $0x1082  }
0x22: {  	[simem:s7], [sflag:s8] =	dma.local @!p0 [hbm:s6], $0xF7A  }
0x23: {  	s9 =	sor.u32 $0xD0000000, s2;
	s6 =	simm.s32 $0x108;
	_ =	swait.ge @!p0 [sflag:s8], $0x0  }
0x24: {  	s3 =	sadd.s32 $0x88, s3;
	s6 =	simm.s32 @!p1 $0x1082;
	[sflag:s4] =	ssyncset.s32 $0xFFFFF086  }
0x25: {  	[simem:s6], [sflag:s4] =	dma.local [hbm:s3], $0xF7A  }
0x26: {  	[smem:$0x3F94] =	sst s1;
	(tag) =	ssettag s2;
	_ =	strace s9  }
0x27: {  	s1 =	sld [smem:$0x3FA4]  }
0x28: {  	s2 =	sld [smem:$0x3FA5]  }
0x29: {  	s4 =	sld [smem:$0x3FA7]  }
0x2a: {  	p0 =	seq.s32 s5, $0x0;
	s5 =	sld [smem:$0x3FA8]  }
0x2b: {  	s6 =	sld [smem:$0x3FA9]  }
0x2c: {  	s7 =	sld [smem:$0x3FAA]  }
0x2d: {  	s3 =	simm.s32 $0x108;
	s8 =	sld [smem:$0x3FAB]  }
0x2e: {  	s3 =	simm.s32 @!p0 $0x1082;
	s9 =	sld [smem:$0x3FAC]  }
0x2f: {  	lr =	sadd.s32 s0, s3;
	s0 =	sld [smem:$0x3FA3]  }
0x30: {  	s3 =	sld [smem:$0x3FA6]  }
0x31: {  	[smem:$0x3FAF] =	sst s10  }
0x32: {  	s10 =	sld [smem:$0x3FAD];
	_ =	sdelay $0x3  }
0x33: {  	p0 =	seq.s32 s10, $0x1;
	s10 =	sld [smem:$0x3FAF];
	_ =	sdelay $0x3  }
0x34: {  	[smem:$0x3FAF] =	sst s10  }
0x35: {  	s10 =	sld [smem:$0x3FAE];
	_ =	sdelay $0x3  }
0x36: {  	p1 =	seq.s32 s10, $0x1;
	s10 =	sld [smem:$0x3FAF];
	_ =	sdelay $0x3  }
0x37: {  	[smem:$0x3FAF] =	sst s10  }
0x38: {  	s10 =	sld [smem:$0x3FB0]  }
0x39: {  	_ = 	snop;
	(pc) =	sbr.ind lr, $3  }
0x3a: {  	_ = 	snop  }
0x3b: {  	_ = 	snop  }
0x3c: {  	p2 =	seq.s32 s10, $0x1;
	s10 =	sld [smem:$0x3FAF]  }
0x3d: {  	_ =	shalt  }
0x3e: {  	_ =	shalt  }
0x3f: {  	_ =	shalt  }
0x40: {  	_ =	shalt  }
0x41: {  	_ =	shalt  }
0x42: {  	_ =	shalt  }
0x43: {  	_ =	shalt  }
0x44: {  	_ =	shalt  }
0x45: {  	_ =	shalt  }
0x46: {  	_ =	shalt  }
0x47: {  	_ =	shalt  }
0x48: {  	_ =	shalt  }
0x49: {  	_ =	shalt  }
0x4a: {  	_ =	shalt  }
0x4b: {  	_ =	shalt  }
0x4c: {  	_ =	shalt  }
0x4d: {  	_ =	shalt  }
0x4e: {  	_ =	shalt  }
0x4f: {  	_ =	shalt  }
0x50: {  	_ =	shalt  }
0x51: {  	_ =	shalt  }
0x52: {  	_ =	shalt  }
0x53: {  	_ =	shalt  }
0x54: {  	_ =	shalt  }
0x55: {  	_ =	shalt  }
0x56: {  	_ =	shalt  }
0x57: {  	_ =	shalt  }
0x58: {  	_ =	shalt  }
0x59: {  	_ =	shalt  }
0x5a: {  	_ =	shalt  }
0x5b: {  	_ =	shalt  }
0x5c: {  	_ =	shalt  }
0x5d: {  	_ =	shalt  }
0x5e: {  	_ =	shalt  }
0x5f: {  	_ =	shalt  }
0x60: {  	_ =	shalt  }
0x61: {  	_ =	shalt  }
0x62: {  	_ =	shalt  }
0x63: {  	_ =	shalt  }
0x64: {  	_ =	shalt  }
0x65: {  	_ =	shalt  }
0x66: {  	_ =	shalt  }
0x67: {  	_ =	shalt  }
0x68: {  	_ =	shalt  }
0x69: {  	_ =	shalt  }
0x6a: {  	_ =	shalt  }
0x6b: {  	_ =	shalt  }
0x6c: {  	_ =	shalt  }
0x6d: {  	_ =	shalt  }
0x6e: {  	_ =	shalt  }
0x6f: {  	_ =	shalt  }
0x70: {  	_ =	shalt  }
0x71: {  	_ =	shalt  }
0x72: {  	_ =	shalt  }
0x73: {  	_ =	shalt  }
0x74: {  	_ =	shalt  }
0x75: {  	_ =	shalt  }
0x76: {  	_ =	shalt  }
0x77: {  	_ =	shalt  }
0x78: {  	_ =	shalt  }
0x79: {  	_ =	shalt  }
0x7a: {  	_ =	shalt  }
0x7b: {  	_ =	shalt  }
0x7c: {  	_ =	shalt  }
0x7d: {  	_ =	shalt  }
0x7e: {  	_ =	shalt  }
0x7f: {  	_ =	shalt  }
0x80: {  	_ =	shalt  }
0x81: {  	_ =	shalt  }
0x82: {  	_ =	shalt  }
0x83: {  	_ =	shalt  }
0x84: {  	_ =	shalt  }
0x85: {  	_ =	shalt  }
0x86: {  	_ =	shalt  }
0x87: {  	_ =	shalt  }
.Lfunc_end0:
.L_simem_size_0:
called_computation.1_lowered:
.L_overlay_start_0:
0x88: {  	s2 =	sld [smem:$0x3FD9]  }
0x89: {  	s3 =	sld [smem:$0x3FFE];
	_ =	sdelay $0x1  }
0x8a: {  	s1 =	srdreg.scid  }
0x8b: {  	s0 =	sand.u32 $0x1, s1  }
0x8c: {  	s16 =	sshll.u32 s0, $0xA;
	s2 =	sadd.s32 s3, s2  }
0x8d: {  	s2 =	sadd.s32 s2, s16  }
0x8e: {  	[smem:$0x3FBB] =	sst s2  }
0x8f: {  	_ = 	snop  }
0x90: {  	(tm) =	ssettm $0x1  }
0x91: {  	s17 =	sld [smem:$0x3FFB];
	_ =	sdelay $0x3  }
0x92: {  	_ =	strace s17  }
0x93: {  	s2 =	sld [smem:$0x3FFC];
	_ =	sdelay $0x3  }
0x94: {  	_ =	strace s2  }
0x95: {  	s2 =	sld [smem:$0x3FFD];
	_ =	sdelay $0x3  }
0x96: {  	_ =	strace s2  }
0x97: {  	_ =	strace $0x8FFFFFFF  }
0x98: {  	s18 =	sld [smem:$0x3FDB];
	_ =	sdelay $0x1  }
0x99: {  	s19 =	simm.s32 $_scs_section_size  }
0x9a: {  	s4 =	simm.s32 $_size__tile_overlayer_lowered;
	s5 =	simm.s32 $_tile_overlayer_lowered  }
0x9b: {  	s22 =	simm.s32 $0x1BFF;
	s21 =	sshll.u32 s5, $0x1;
	s2 =	sadd.s32 s19, s18  }
0x9c: {  	s6 =	simm.s32 $0x0;
	s20 =	sshll.u32 s4, $0x1;
	s4 =	sadd.s32 s21, s2  }
0x9d: {  	[timem:s6], [sflag:s22] =	dma.local [hbm:s4], s20  }
0x9e: {  	_ =	swait.ge [sflag:s22], s20  }
0x9f: {  	s3 =	ssub.s32 $0x0, s20;
	[sflag:s22] =	ssyncset.done $0x0  }
0xa0: {  	[sflag:s22] =	ssyncadd.s32 s3;
	_ =	sdelay $0x1  }
0xa1: {  	s23 =	simm.s32 $0x1B8B  }
0xa2: {  	_ =	swait.ge [sflag:s23], $0x1  }
0xa3: {  	[sflag:s23] =	ssyncset.done $0x0  }
0xa4: {  	s25 =	simm.s32 $0x1B8E;
	s24 =	sld [smem:$0x3FFE];
	[sflag:s23] =	ssyncadd.s32 $0xFFFFFFFF  }
0xa5: {  	s26 =	simm.s32 $execute0_lowered;
	[smem:$0x3FD2] =	sst s25  }
0xa6: {  	s4 =	sshll.u32 s26, $0x1;
	_ =	strace $0x80000049;
	[dreg:$0x1] =	wrdreg $0xFFFFFFFF  }
0xa7: {  	s28 =	simm.s32 $_size_execute0_lowered;
	s2 =	sadd.s32 s2, s4;
	[dreg:$0x0] =	wrdreg $0x0  }
0xa8: {  	s4 =	sshll.u32 s28, $0x1;
	[dreg:$0x2] =	wrdreg s2  }
0xa9: {  	[dreg:$0x3] =	wrdreg s4  }
0xaa: {  	[dreg:$0x4] =	wrdreg $0xC0  }
0xab: {  	_ =	task [dreg:s6], $0x5FFFF  }
0xac: {  	[dreg:$0x1] =	wrdreg $0xFFFFFFFF  }
0xad: {  	[dreg:$0x0] =	wrdreg $0x60  }
0xae: {  	[dreg:$0x2] =	wrdreg s24  }
0xaf: {  	[dreg:$0x3] =	wrdreg $0x48000  }
0xb0: {  	[dreg:$0x4] =	wrdreg $0x9  }
0xb1: {  	_ =	task.clear_ibuf [dreg:s6], $0x5FFFF;
	_ =	strace $0x90000049  }
0xb2: {  	s29 =	simm.s32 $0x9;
	_ =	strace $0x8000004B  }
0xb3: {  	_ =	swait.ge [sflag:s29], $0x1  }
0xb4: {  	[sflag:s29] =	ssyncadd.s32 $0xFFFFFFFF  }
0xb5: {  	_ =	strace $0x9000004B  }
0xb6: {  	_ =	sfence  }
0xb7: {  	s30 =	sld [smem:$0x0];
	_ =	sdelay $0x2  }
0xb8: {  	s31 =	sshll.u32 s1, $0xD;
	s1 =	sshrl.u32 s1, $0x2  }
0xb9: {  	s3 =	sand.u32 $0x4000, s31;
	s1 =	sadd.s32 s1, s30  }
0xba: {  	s0 =	sor.u32 s3, s0;
	s1 =	sshll.u32 s1, $0x11  }
0xbb: {  	s0 =	sor.u32 s1, s0  }
0xbc: {  	s0 =	sadd.s32 $0x8F2B, s0  }
0xbd: {  	[sflag:s0] =	ssyncadd.remote.s32 $0x1  }
0xbe: {  	_ =	sfence.sel $0xFFFF  }
0xbf: {  	[dreg:$0x0] =	wrdreg $0xFFFFFFFF;
	(pc) =	sbr.abs _section_cstart, $3  }
0xc0: {  	[dreg:$0x1] =	wrdreg $0xFFFFFFFF  }
0xc1: {  	_ =	task.clear_ibuf [dreg:s6], $0x2FFFF;
	_ =	strace $0x9FFFFFFF  }
0xc2: {  	(tm) =	ssettm $0x7FFFFFFF  }
0xc3: {  	_ =	shalt  }
tec
execute0_lowered:
.L_overlay_start_1:
0x0: {  	(tag) =	ssettag $0x1  }
0x1: {  	s0 =	srdreg.scid;
	s1 =	rddreg [dreg:$0x0]  }
0x2: {  	s23 =	stileid.u32;
	s2 =	rddreg [dreg:$0x1]  }
0x3: {  	s31 =	simm.s32 $0x0;
	s0 =	sand.u32 $0x1, s0;
	s11 =	smul.u32 $0x280, s23  }
0x4: {  	s7 =	smul.u32 $0x50000, s23;
	s8 =	sadd.s32 $0x2A600, s1;
	s3 =	sshll.u32 s0, $0x4  }
0x5: {  	s6 =	smul.u32 $0x28000, s0;
	s0 =	ssub.s32 $0x2, s0;
	s4 =	sor.u32 s23, s3  }
0x6: {  	s3 =	simm.s32 $0x0;
	s12 =	sshrl.u32 s0, $0x1;
	s7 =	sshrl.u32 s7, $0x2  }
0x7: {  	s16 =	sor.u32 $0x50, s11;
	s17 =	sadd.s32 $0xA0, s11;
	s18 =	sadd.s32 $0xF0, s11  }
0x8: {  	s19 =	sadd.s32 $0x140, s11;
	s20 =	sadd.s32 $0x190, s11;
	s23 =	smul.u32 $0x2800, s23  }
0x9: {  	s21 =	sadd.s32 $0x1E0, s11;
	s22 =	sadd.s32 $0x230, s11;
	s5 =	smul.u32 $0xA00, s4  }
0xa: {  	[smem:$0x7FF] =	sst s3;
	s4 =	sadd.s32 $0x2AC00, s1;
	s0 =	ssub.s32 s0, s12  }
0xb: {  	s13 =	sshll.u32 s16, $0x7;
	s14 =	sshll.u32 s17, $0x7;
	s9 =	sshll.u32 s18, $0x7  }
0xc: {  	s10 =	sshll.u32 s19, $0x7;
	s12 =	sshll.u32 s20, $0x7;
	s15 =	sshll.u32 s22, $0x7  }
0xd: {  	s16 =	sshll.u32 s16, $0x4;
	s24 =	sshll.u32 s17, $0x4;
	s25 =	sshll.u32 s18, $0x4  }
0xe: {  	s26 =	sshll.u32 s19, $0x4;
	s28 =	sshll.u32 s20, $0x4;
	s29 =	sshll.u32 s21, $0x4  }
0xf: {  	s30 =	sshll.u32 s22, $0x4;
	_ =	strace $0x8000004A;
	[dreg:$0x3] =	wrdreg s8  }
0x10: {  	s8 =	sadd.s32 s14, s2;
	s9 =	sadd.s32 s9, s2;
	s10 =	sadd.s32 s10, s2  }
0x11: {  	s0 =	smax.u32 s0, $0x1;
	s5 =	sadd.s32 s5, s1;
	s1 =	sadd.s32 s6, s1  }
0x12: {  	s6 =	sadd.s32 s7, s2;
	s7 =	sadd.s32 s13, s2;
	s13 =	sshll.u32 s21, $0x7  }
0x13: {  	s11 =	sadd.s32 s12, s2;
	[dreg:$0x4] =	wrdreg s0;
	s12 =	sadd.s32 s13, s2  }
0x14: {  	s13 =	sadd.s32 s15, s2;
	s14 =	sadd.s32 $0x2600, s5;
	s1 =	sadd.s32 $0x51E00, s1  }
0x15: {  	s15 =	sadd.s32 $0x16600, s5;
	s22 =	sadd.s32 s23, s1;
	s18 =	sadd.s32 s16, s1  }
0x16: {  	s19 =	sadd.s32 s24, s1;
	s20 =	sadd.s32 s25, s1;
	s21 =	sadd.s32 s26, s1  }
0x17: {  	s23 =	sadd.s32 s29, s1;
	s24 =	sadd.s32 s30, s1;
	s25 =	simm.s32 $0x2000  }
0x18: {  	s26 =	simm.s32 $0x2;
	s29 =	simm.s32 $0x50;
	s30 =	simm.s32 $0x1  }
0x19: {  	[dreg:$0x5] =	wrdreg s22;
	s22 =	sadd.s32 s28, s1;
	s28 =	simm.s32 $0x1000  }
.LBB2_1:
0x1a: {  	s0 =	rddreg [dreg:$0x3]  }
0x1b: {  	[tilespmem:s25], [sflag:$0x2] =	stream.linear.gather [hbm4b:s0+s3], $0x2800, $0x38;
	[tilespmem:$0x18800] =	vst v63  }
0x1c: {  	_ =	swait.ge [sflag:s26], $0x2800  }
0x1d: {  	[sflag:s26] =	ssyncset.done $0x0  }
0x1e: {  	[sflag:s26] =	ssyncadd.s32 $0xFFFFD800  }
0x1f: {  	[spmem:s6] =	stream.linear.scatter [tilespmem:s25], [sflag:$0x2], $0x2800, $0x38;
	[tilespmem:$0x18800] =	vst v63  }
0x20: {  	_ =	swait.ge [sflag:s26], $0x2800  }
0x21: {  	[sflag:s26] =	ssyncset.done $0x0  }
0x22: {  	[sflag:s26] =	ssyncadd.s32 $0xFFFFD800  }
0x23: {  	[spmem:s7] =	stream.linear.scatter [tilespmem:s25], [sflag:$0x2], $0x2800, $0x38;
	[tilespmem:$0x18800] =	vst v63  }
0x24: {  	_ =	swait.ge [sflag:s26], $0x2800  }
0x25: {  	[sflag:s26] =	ssyncset.done $0x0  }
0x26: {  	[sflag:s26] =	ssyncadd.s32 $0xFFFFD800  }
0x27: {  	[spmem:s8] =	stream.linear.scatter [tilespmem:s25], [sflag:$0x2], $0x2800, $0x38;
	[tilespmem:$0x18800] =	vst v63  }
0x28: {  	_ =	swait.ge [sflag:s26], $0x2800  }
0x29: {  	[sflag:s26] =	ssyncset.done $0x0  }
0x2a: {  	[sflag:s26] =	ssyncadd.s32 $0xFFFFD800  }
0x2b: {  	[spmem:s9] =	stream.linear.scatter [tilespmem:s25], [sflag:$0x2], $0x2800, $0x38;
	[tilespmem:$0x18800] =	vst v63  }
0x2c: {  	_ =	swait.ge [sflag:s26], $0x2800  }
0x2d: {  	[sflag:s26] =	ssyncset.done $0x0  }
0x2e: {  	[sflag:s26] =	ssyncadd.s32 $0xFFFFD800  }
0x2f: {  	[spmem:s10] =	stream.linear.scatter [tilespmem:s25], [sflag:$0x2], $0x2800, $0x38;
	[tilespmem:$0x18800] =	vst v63  }
0x30: {  	_ =	swait.ge [sflag:s26], $0x2800  }
0x31: {  	[sflag:s26] =	ssyncset.done $0x0  }
0x32: {  	[sflag:s26] =	ssyncadd.s32 $0xFFFFD800  }
0x33: {  	[spmem:s11] =	stream.linear.scatter [tilespmem:s25], [sflag:$0x2], $0x2800, $0x38;
	[tilespmem:$0x18800] =	vst v63  }
0x34: {  	_ =	swait.ge [sflag:s26], $0x2800  }
0x35: {  	[sflag:s26] =	ssyncset.done $0x0  }
0x36: {  	[sflag:s26] =	ssyncadd.s32 $0xFFFFD800  }
0x37: {  	[spmem:s12] =	stream.linear.scatter [tilespmem:s25], [sflag:$0x2], $0x2800, $0x38;
	[tilespmem:$0x18800] =	vst v63  }
0x38: {  	_ =	swait.ge [sflag:s26], $0x2800  }
0x39: {  	[sflag:s26] =	ssyncset.done $0x0  }
0x3a: {  	[sflag:s26] =	ssyncadd.s32 $0xFFFFD800  }
0x3b: {  	[spmem:s13] =	stream.linear.scatter [tilespmem:s25], [sflag:$0x2], $0x2800, $0x38;
	[tilespmem:$0x18800] =	vst v63  }
0x3c: {  	_ =	swait.ge [sflag:s26], $0x2800  }
0x3d: {  	[sflag:s26] =	ssyncset.done $0x0  }
0x3e: {  	[sflag:s26] =	ssyncadd.s32 $0xFFFFD800  }
0x3f: {  	s1 =	simm.s32 $0x0;
	[bflag:$0x0] =	sbarrier.arrive $0xFFFF  }
.LBB2_2:
0x40: {  	s0 =	sshll.u32 s1, $0x9  }
0x41: {  	s16 =	simm.s32 $0x0;
	s5 =	sadd.s32 s0, s14  }
0x42: {  	[tilespmem:s16], [sflag:$0x2] =	stream.linear.gather [hbm4b:s5+s16], $0xC80, $0x38;
	[tilespmem:$0x18800] =	vst v63  }
0x43: {  	_ =	swait.ge [sflag:s26], $0xC80  }
0x44: {  	[sflag:s26] =	ssyncset.done $0x0  }
0x45: {  	s0 =	sadd.s32 s0, s15;
	[sflag:s26] =	ssyncadd.s32 $0xFFFFF380  }
0x46: {  	[tilespmem:s28], [sflag:$0x2] =	stream.linear.gather [hbm4b:s0+s16], $0xC80, $0x38;
	[tilespmem:$0x18800] =	vst v63  }
0x47: {  	_ =	swait.ge [sflag:s26], $0xC80  }
0x48: {  	[sflag:s26] =	ssyncset.done $0x0  }
0x49: {  	s16 =	simm.s32 $0x0;
	[sflag:s26] =	ssyncadd.s32 $0xFFFFF380  }
0x4a: {  	[tilespmem:s25], [sflag:$0x1] =	stream.indirect.gather [hbm4b:s4+s29], $0x80, s16, s29, $0xb8;
	[tilespmem:$0x18800] =	vst v63  }
0x4b: {  	_ =	swait.ge [sflag:s30], $0x2800  }
0x4c: {  	[sflag:s30] =	ssyncset.done $0x0  }
0x4d: {  	s17 =	simm.s32 $0x1000;
	[sflag:s30] =	ssyncadd.s32 $0xFFFFD800  }
0x4e: {  	[spmem:s2] =	stream.indirect.scatter.add.f32 [tilespmem:s25], [sflag:$0x2], $0x80, s17, s29, $0xb8;
	[tilespmem:$0x18800] =	vst v63  }
0x4f: {  	_ =	swait.ge [sflag:s26], $0x2800  }
0x50: {  	s5 =	simm.s32 $0x400;
	s0 =	simm.s32 $0x200;
	[sflag:s26] =	ssyncset.done $0x0  }
.LBB2_3:
0x51: {  	s16 =	sshra.s32 s0, $0x2  }
0x52: {  	[sflag:s26] =	ssyncadd.s32 $0xFFFFD800;
	s0 =	smov.u32 s5;
	s17 =	sadd.s32 $0x200, s5  }
0x53: {  	[tilespmem:s25], [sflag:$0x1] =	stream.indirect.gather [hbm4b:s4+s29], $0x80, s16, s29, $0xb8;
	[tilespmem:$0x18800] =	vst v63  }
0x54: {  	p0 =	sne.s32 s5, $0x3000;
	_ =	swait.ge [sflag:s30], $0x2800  }
.Ltmp0:
0x55: {  	[sflag:s30] =	ssyncset.done $0x0;
	(pc) =	sbr.rel @p0 .LBB2_3-.Ltmp0, $4  }
0x56: {  	s5 =	sadd.s32 $0x1000, s16;
	[sflag:s30] =	ssyncadd.s32 $0xFFFFD800  }
0x57: {  	[spmem:s2] =	stream.indirect.scatter.add.f32 [tilespmem:s25], [sflag:$0x2], $0x80, s5, s29, $0xb8;
	[tilespmem:$0x18800] =	vst v63  }
0x58: {  	_ =	swait.ge [sflag:s26], $0x2800  }
0x59: {  	s5 =	smov.u32 s17;
	[sflag:s26] =	ssyncset.done $0x0  }
0x5a: {  	s0 =	sshra.s32 s0, $0x2;
	[sflag:s26] =	ssyncadd.s32 $0xFFFFD800  }
0x5b: {  	[tilespmem:s25], [sflag:$0x1] =	stream.indirect.gather [hbm4b:s4+s29], $0x80, s0, s29, $0xb8;
	[tilespmem:$0x18800] =	vst v63  }
0x5c: {  	s1 =	sadd.s32 $0x1, s1;
	_ =	swait.ge [sflag:s30], $0x2800  }
0x5d: {  	p0 =	sne.s32 s1, $0x5;
	[sflag:s30] =	ssyncset.done $0x0  }
.Ltmp1:
0x5e: {  	s0 =	sadd.s32 $0x1000, s0;
	[sflag:s30] =	ssyncadd.s32 $0xFFFFD800;
	(pc) =	sbr.rel @p0 .LBB2_2-.Ltmp1, $4  }
0x5f: {  	[spmem:s2] =	stream.indirect.scatter.add.f32 [tilespmem:s25], [sflag:$0x2], $0x80, s0, s29, $0xb8;
	[tilespmem:$0x18800] =	vst v63  }
0x60: {  	_ =	swait.ge [sflag:s26], $0x2800  }
0x61: {  	[sflag:s26] =	ssyncset.done $0x0  }
0x62: {  	[sflag:s26] =	ssyncadd.s32 $0xFFFFD800  }
0x63: {  	[bflag:$0x0] =	sbarrier.arrive $0xFFFF  }
0x64: {  	[tilespmem:s25], [sflag:$0x2] =	stream.linear.gather [spmem:s6], $0x2800, $0x38;
	[tilespmem:$0x18800] =	vst v63  }
0x65: {  	_ =	swait.ge [sflag:s26], $0x2800  }
0x66: {  	[sflag:s26] =	ssyncset.done $0x0  }
0x67: {  	s0 =	rddreg [dreg:$0x5];
	[sflag:s26] =	ssyncadd.s32 $0xFFFFD800  }
0x68: {  	[hbm4b:s0+s3] =	stream.linear.scatter [tilespmem:s25], [sflag:$0x2], $0x2800, $0x38;
	[tilespmem:$0x18800] =	vst v63  }
0x69: {  	_ =	swait.ge [sflag:s26], $0x2800  }
0x6a: {  	[sflag:s26] =	ssyncset.done $0x0  }
0x6b: {  	[sflag:s26] =	ssyncadd.s32 $0xFFFFD800  }
0x6c: {  	[tilespmem:s25], [sflag:$0x2] =	stream.linear.gather [spmem:s7], $0x2800, $0x38;
	[tilespmem:$0x18800] =	vst v63  }
0x6d: {  	_ =	swait.ge [sflag:s26], $0x2800  }
0x6e: {  	[sflag:s26] =	ssyncset.done $0x0  }
0x6f: {  	[sflag:s26] =	ssyncadd.s32 $0xFFFFD800  }
0x70: {  	[hbm4b:s18+s3] =	stream.linear.scatter [tilespmem:s25], [sflag:$0x2], $0x2800, $0x38;
	[tilespmem:$0x18800] =	vst v63  }
0x71: {  	_ =	swait.ge [sflag:s26], $0x2800  }
0x72: {  	[sflag:s26] =	ssyncset.done $0x0  }
0x73: {  	[sflag:s26] =	ssyncadd.s32 $0xFFFFD800  }
0x74: {  	[tilespmem:s25], [sflag:$0x2] =	stream.linear.gather [spmem:s8], $0x2800, $0x38;
	[tilespmem:$0x18800] =	vst v63  }
0x75: {  	_ =	swait.ge [sflag:s26], $0x2800  }
0x76: {  	[sflag:s26] =	ssyncset.done $0x0  }
0x77: {  	[sflag:s26] =	ssyncadd.s32 $0xFFFFD800  }
0x78: {  	[hbm4b:s19+s3] =	stream.linear.scatter [tilespmem:s25], [sflag:$0x2], $0x2800, $0x38;
	[tilespmem:$0x18800] =	vst v63  }
0x79: {  	_ =	swait.ge [sflag:s26], $0x2800  }
0x7a: {  	[sflag:s26] =	ssyncset.done $0x0  }
0x7b: {  	[sflag:s26] =	ssyncadd.s32 $0xFFFFD800  }
0x7c: {  	[tilespmem:s25], [sflag:$0x2] =	stream.linear.gather [spmem:s9], $0x2800, $0x38;
	[tilespmem:$0x18800] =	vst v63  }
0x7d: {  	_ =	swait.ge [sflag:s26], $0x2800  }
0x7e: {  	[sflag:s26] =	ssyncset.done $0x0  }
0x7f: {  	[sflag:s26] =	ssyncadd.s32 $0xFFFFD800  }
0x80: {  	[hbm4b:s20+s3] =	stream.linear.scatter [tilespmem:s25], [sflag:$0x2], $0x2800, $0x38;
	[tilespmem:$0x18800] =	vst v63  }
0x81: {  	_ =	swait.ge [sflag:s26], $0x2800  }
0x82: {  	[sflag:s26] =	ssyncset.done $0x0  }
0x83: {  	[sflag:s26] =	ssyncadd.s32 $0xFFFFD800  }
0x84: {  	[tilespmem:s25], [sflag:$0x2] =	stream.linear.gather [spmem:s10], $0x2800, $0x38;
	[tilespmem:$0x18800] =	vst v63  }
0x85: {  	_ =	swait.ge [sflag:s26], $0x2800  }
0x86: {  	[sflag:s26] =	ssyncset.done $0x0  }
0x87: {  	[sflag:s26] =	ssyncadd.s32 $0xFFFFD800  }
0x88: {  	[hbm4b:s21+s3] =	stream.linear.scatter [tilespmem:s25], [sflag:$0x2], $0x2800, $0x38;
	[tilespmem:$0x18800] =	vst v63  }
0x89: {  	_ =	swait.ge [sflag:s26], $0x2800  }
0x8a: {  	[sflag:s26] =	ssyncset.done $0x0  }
0x8b: {  	[sflag:s26] =	ssyncadd.s32 $0xFFFFD800  }
0x8c: {  	[tilespmem:s25], [sflag:$0x2] =	stream.linear.gather [spmem:s11], $0x2800, $0x38;
	[tilespmem:$0x18800] =	vst v63  }
0x8d: {  	_ =	swait.ge [sflag:s26], $0x2800  }
0x8e: {  	[sflag:s26] =	ssyncset.done $0x0  }
0x8f: {  	[sflag:s26] =	ssyncadd.s32 $0xFFFFD800  }
0x90: {  	[hbm4b:s22+s3] =	stream.linear.scatter [tilespmem:s25], [sflag:$0x2], $0x2800, $0x38;
	[tilespmem:$0x18800] =	vst v63  }
0x91: {  	_ =	swait.ge [sflag:s26], $0x2800  }
0x92: {  	[sflag:s26] =	ssyncset.done $0x0  }
0x93: {  	[sflag:s26] =	ssyncadd.s32 $0xFFFFD800  }
0x94: {  	[tilespmem:s25], [sflag:$0x2] =	stream.linear.gather [spmem:s12], $0x2800, $0x38;
	[tilespmem:$0x18800] =	vst v63  }
0x95: {  	_ =	swait.ge [sflag:s26], $0x2800  }
0x96: {  	[sflag:s26] =	ssyncset.done $0x0  }
0x97: {  	[sflag:s26] =	ssyncadd.s32 $0xFFFFD800  }
0x98: {  	[hbm4b:s23+s3] =	stream.linear.scatter [tilespmem:s25], [sflag:$0x2], $0x2800, $0x38;
	[tilespmem:$0x18800] =	vst v63  }
0x99: {  	_ =	swait.ge [sflag:s26], $0x2800  }
0x9a: {  	[sflag:s26] =	ssyncset.done $0x0  }
0x9b: {  	[sflag:s26] =	ssyncadd.s32 $0xFFFFD800  }
0x9c: {  	[tilespmem:s25], [sflag:$0x2] =	stream.linear.gather [spmem:s13], $0x2800, $0x38;
	[tilespmem:$0x18800] =	vst v63  }
0x9d: {  	_ =	swait.ge [sflag:s26], $0x2800  }
0x9e: {  	[sflag:s26] =	ssyncset.done $0x0  }
0x9f: {  	[sflag:s26] =	ssyncadd.s32 $0xFFFFD800  }
0xa0: {  	[hbm4b:s24+s3] =	stream.linear.scatter [tilespmem:s25], [sflag:$0x2], $0x2800, $0x38;
	[tilespmem:$0x18800] =	vst v63  }
0xa1: {  	_ =	swait.ge [sflag:s26], $0x2800  }
0xa2: {  	s31 =	sadd.s32 $0x1, s31;
	s17 =	rddreg [dreg:$0x4]  }
0xa3: {  	p0 =	sne.s32 s31, s17  }
.Ltmp2:
0xa4: {  	_ = 	snop;
	(pc) =	sbr.rel @p0 .LBB2_1-.Ltmp2, $3  }
0xa5: {  	_ =	sdelay $0x1  }
0xa6: {  	[sflag:s26] =	ssyncset.done $0x0  }
0xa7: {  	[sflag:s26] =	ssyncadd.s32 $0xFFFFD800  }
0xa8: {  	_ =	sfence.sel $0x180000  }
0xa9: {  	[bflag:$0x0] =	sbarrier.arrive $0xFFFF  }
0xaa: {  	_ =	strace $0x9000004A  }
0xab: {  	s0 =	stileid.u32;
	[bflag:$0x2] =	sbarrier.arrive $0xFFFF  }
0xac: {  	p0 =	sne.s32 s0, $0x0;
	s0 =	rddreg [dreg:$0x2]  }
0xad: {  	s0 =	sadd.s32 @!p0 $0x100000, s0  }
0xae: {  	[sflag:s0] =	ssyncadd.tile.s32 @!p0 $0x1;
	_ =	shalt  }
.Lfunc_end2:
_tile_overlayer_lowered:
.L_overlay_start_2:
0xaf: {  	(tag) =	ssettag $0x2  }
0xb0: {  	s0 =	rddreg [dreg:$0x0];
	s2 =	stileid.u32  }
0xb1: {  	s1 =	rddreg [dreg:$0x1];
	p0 =	sne.s32 s2, $0x0  }
0xb2: {  	s3 =	rddreg [dreg:$0x2];
	[bflag:$0x3] =	sbarrier.arrive $0xFFFF;
	s2 =	simm.s32 @!p0 $0x1C02  }
0xb3: {  	[timem:s3], [sflag:s2] =	dma.local @!p0 [hbm:s0], s1  }
0xb4: {  	s0 =	simm.s32 @!p0 $0x2  }
0xb5: {  	_ =	swait.ge @!p0 [sflag:s0], s1  }
0xb6: {  	s1 =	ssub.s32 @!p0 $0x0, s1;
	[sflag:s0] =	ssyncset.done @!p0 $0x0  }
0xb7: {  	[sflag:s0] =	ssyncadd.s32 @!p0 s1  }
0xb8: {  	[bflag:$0x3] =	sbarrier.arrive $0xFFFF  }
0xb9: {  	_ =	shalt  }

</sc_bundles>
